<compile_context>
chip_gen: v7x
topology: tpu7x:2x2x1
jax: 0.10.2.dev20260603
libtpu: 0.0.44.dev20260713+nightly
codegen_flags: <defaults>
</compile_context>

<pallas_src>
import functools
import jax
import jax.numpy as jnp
from jax import lax
from jax.experimental import pallas as pl
from jax.experimental.pallas import tpu as pltpu
from jax.experimental.pallas import tpu_sc as plsc

B = 32
A = 20000
G = 16
L = 16
NV = A // L
CH = 2000
NCH = A // CH
CHV = CH // L
IOU_THRESHOLD = 0.5
NEG_POS_RATIO = 3.0
ALPHA = 0.25
LN2 = 0.6931471805599453
NBINS = 128
NLEVELS = 2


def _plog(x):
    bits = lax.bitcast_convert_type(x, jnp.int32)
    e = lax.convert_element_type((bits >> 23) - 127, jnp.float32)
    m = lax.bitcast_convert_type(
        (bits & jnp.int32(0x7FFFFF)) | jnp.int32(0x3F800000), jnp.float32)
    f = m - 1.0
    z = f / (2.0 + f)
    z2 = z * z
    at = z * (1.0 + z2 * (1.0 / 3 + z2 * (1.0 / 5 + z2 * (1.0 / 7 + z2 / 9))))
    return (e + (2.0 / LN2) * at) * LN2


def _sc_body(bbox_hbm, conf_hbm, anch_hbm, gt_hbm, out_hbm,
             slab_v, biou_v, bidx_v, gmax_v, gidx_v,
             gx1_v, gy1_v, gx2_v, gy2_v, conf_v, out_v, hist_v):
    wid = lax.axis_index("s") * 2 + lax.axis_index("c")
    iot = lax.iota(jnp.int32, L)

    pltpu.sync_copy(anch_hbm, slab_v)
    gbase = wid * (4 * G)
    pltpu.sync_copy(gt_hbm.at[pl.ds(gbase, G)], gx1_v)
    pltpu.sync_copy(gt_hbm.at[pl.ds(gbase + G, G)], gy1_v)
    pltpu.sync_copy(gt_hbm.at[pl.ds(gbase + 2 * G, G)], gx2_v)
    pltpu.sync_copy(gt_hbm.at[pl.ds(gbase + 3 * G, G)], gy2_v)

    gx1r, gy1r, gx2r, gy2r = gx1_v[:], gy1_v[:], gx2_v[:], gy2_v[:]
    gx1s = [gx1r[g] for g in range(G)]
    gy1s = [gy1r[g] for g in range(G)]
    gx2s = [gx2r[g] for g in range(G)]
    gy2s = [gy2r[g] for g in range(G)]
    ag7 = [(gx2s[g] - gx1s[g]) * (gy2s[g] - gy1s[g]) + 1e-7 for g in range(G)]

    for g in range(G):
        gmax_v[g, :] = jnp.full((L,), -1.0, jnp.float32)
        gidx_v[g, :] = jnp.zeros((L,), jnp.int32)

    def p1(c, carry):
        sl = pl.ds(c * L, L)
        ax1 = slab_v[0, sl]
        ay1 = slab_v[1, sl]
        ax2 = slab_v[2, sl]
        ay2 = slab_v[3, sl]
        area_a = (ax2 - ax1) * (ay2 - ay1)
        aid = c * L + iot
        biou = jnp.full((L,), -1.0, jnp.float32)
        bidx = jnp.zeros((L,), jnp.int32)
        for g in range(G):
            iw = jnp.maximum(
                jnp.minimum(ax2, gx2s[g]) - jnp.maximum(ax1, gx1s[g]), 0.0)
            ih = jnp.maximum(
                jnp.minimum(ay2, gy2s[g]) - jnp.maximum(ay1, gy1s[g]), 0.0)
            inter = iw * ih
            iou = inter / (area_a + ag7[g] - inter)
            upd = iou > biou
            biou = jnp.where(upd, iou, biou)
            bidx = jnp.where(upd, jnp.full((L,), g, jnp.int32), bidx)
            gm = gmax_v[g, :]
            gu = iou > gm
            gmax_v[g, :] = jnp.where(gu, iou, gm)
            gidx_v[g, :] = jnp.where(gu, aid, gidx_v[g, :])
        biou_v[sl] = biou
        bidx_v[sl] = bidx
        return carry

    lax.fori_loop(0, NV, p1, jnp.int32(0))

    fids = jnp.zeros((L,), jnp.int32)
    for g in range(G):
        row = gmax_v[g, :]
        gi = gidx_v[g, :]
        gm = jnp.max(row)
        cand = jnp.where(row == gm, gi, jnp.full((L,), A, jnp.int32))
        fid = jnp.min(cand)
        fids = jnp.where(iot == g, fid, fids)
    plsc.store_scatter(biou_v, [fids], jnp.full((L,), 2.0, jnp.float32))

    pltpu.sync_copy(bbox_hbm.at[wid], slab_v)

    def p2(k, carry):
        acc_loc, acc_posl, acc_np, maxn = carry
        pltpu.sync_copy(conf_hbm.at[pl.ds(wid * A + k * CH, CH)], conf_v)

        def p2i(j, icarry):
            acc_loc, acc_posl, acc_np, maxn = icarry
            o = k * CH + j * L
            sl = pl.ds(o, L)
            slc = pl.ds(j * L, L)
            bi = biou_v[sl]
            bx = bidx_v[sl]
            pos = bi > IOU_THRESHOLD
            posf = jnp.where(pos, 1.0, 0.0)
            tx1 = plsc.load_gather(gx1_v, [bx])
            ty1 = plsc.load_gather(gy1_v, [bx])
            tx2 = plsc.load_gather(gx2_v, [bx])
            ty2 = plsc.load_gather(gy2_v, [bx])
            px1 = slab_v[0, sl]
            py1 = slab_v[1, sl]
            px2 = slab_v[2, sl]
            py2 = slab_v[3, sl]
            area_p = (px2 - px1) * (py2 - py1)
            area_t = (tx2 - tx1) * (ty2 - ty1)
            iw = jnp.maximum(jnp.minimum(px2, tx2) - jnp.maximum(px1, tx1), 0.0)
            ih = jnp.maximum(jnp.minimum(py2, ty2) - jnp.maximum(py1, ty1), 0.0)
            inter = iw * ih
            union = area_p + area_t - inter + 1e-7
            iou = inter / union
            dx = (px1 + px2) - (tx1 + tx2)
            dy = (py1 + py2) - (ty1 + ty2)
            rho2 = 0.25 * (dx * dx + dy * dy)
            ex = jnp.maximum(px2, tx2) - jnp.minimum(px1, tx1)
            ey = jnp.maximum(py2, ty2) - jnp.minimum(py1, ty1)
            c2 = ex * ex + ey * ey + 1e-7
            loc = jnp.minimum(1.0 - iou + rho2 / c2, 100.0)
            acc_loc = acc_loc + loc * posf
            lg = conf_v[slc]
            ez = jnp.exp(-jnp.abs(lg))
            ce = jnp.maximum(lg, 0.0) - lg * posf + _plog(1.0 + ez)
            p = jnp.where(lg >= 0.0, 1.0, ez) / (1.0 + ez)
            p_t = p * posf + (1.0 - p) * (1.0 - posf)
            alpha_t = ALPHA * posf + (1.0 - ALPHA) * (1.0 - posf)
            om = 1.0 - p_t
            acl = jnp.minimum(alpha_t * (om * om) * ce, 100.0)
            acc_posl = acc_posl + acl * posf
            acc_np = acc_np + posf
            neg = jnp.where(pos, 0.0, acl)
            maxn = jnp.maximum(maxn, neg)
            biou_v[sl] = neg
            return acc_loc, acc_posl, acc_np, maxn

        return lax.fori_loop(0, CHV, p2i, (acc_loc, acc_posl, acc_np, maxn))

    z = jnp.zeros((L,), jnp.float32)
    acc_loc, acc_posl, acc_np, maxn = lax.fori_loop(
        0, NCH, p2, (z, z, z, z))

    loc_sum = jnp.sum(acc_loc)
    pos_loss = jnp.sum(acc_posl)
    n_pos = jnp.sum(acc_np)
    kk = jnp.minimum(jnp.float32(A) - n_pos, n_pos * NEG_POS_RATIO)

    ones = jnp.full((L,), 1.0, jnp.float32)
    rlo = jnp.float32(0.0)
    rhi = jnp.max(maxn) * 1.000001 + 1e-20
    cbase = jnp.float32(0.0)
    for _level in range(NLEVELS):
        w = (rhi - rlo) * (1.0 / NBINS)
        inv_w = (1.0 / jnp.full((L,), w, jnp.float32))[0]

        def zh(b, carry):
            hist_v[pl.ds(b * L, L)] = jnp.zeros((L,), jnp.float32)
            return carry

        lax.fori_loop(0, NBINS, zh, jnp.int32(0))

        def hp(c, carry, rlo=rlo, rhi=rhi, inv_w=inv_w):
            v = biou_v[pl.ds(c * L, L)]
            b = lax.convert_element_type((v - rlo) * inv_w, jnp.int32)
            m = jnp.logical_and(v >= rlo, b <= NBINS - 1)
            bc = jnp.minimum(jnp.maximum(b, 0), NBINS - 1)
            plsc.addupdate_scatter(hist_v, [bc * L + iot],
                                   jnp.where(m, 1.0, 0.0))
            return carry

        lax.fori_loop(0, NV, hp, jnp.int32(0))

        def cross(i, carry, cbase=cbase):
            cum, above, bstar, found = carry
            b = NBINS - 1 - i
            cb2 = jnp.sum(hist_v[pl.ds(b * L, L)])
            newcum = cum + cb2
            fire = jnp.logical_and(found < 0.5, cbase + newcum >= kk)
            above = jnp.where(fire, cum, above)
            bstar = jnp.where(fire, b, bstar)
            found = jnp.where(fire, 1.0, found)
            return newcum, above, bstar, found

        _, above, bstar, _ = lax.fori_loop(
            0, NBINS, cross,
            (jnp.float32(0.0), jnp.float32(0.0), jnp.int32(0),
             jnp.float32(0.0)))
        cbase = cbase + above
        bstarf = lax.convert_element_type(bstar, jnp.float32)
        rhi = rlo + (bstarf + 1.0) * w
        rlo = rlo + bstarf * w
    t = rlo

    def sb(c, acc):
        s, cnt = acc
        v = biou_v[pl.ds(c * L, L)]
        sel = v > t
        return s + jnp.where(sel, v, 0.0), cnt + jnp.where(sel, 1.0, 0.0)

    sv, cv = lax.fori_loop(0, NV, sb, (z, z))
    s_top = jnp.sum(sv) + t * (kk - jnp.sum(cv))
    conf_sum = pos_loss + jnp.where(kk >= 0.5, s_top, 0.0)

    outv = jnp.where(iot == 0, loc_sum,
                     jnp.where(iot == 1, conf_sum,
                               jnp.where(iot == 2, n_pos, 0.0)))
    out_v[:] = outv
    pltpu.sync_copy(out_v, out_hbm.at[pl.ds(wid * L, L)])


@jax.jit
def _run(bbox_t, conf, anch_t, gt_t):
    mesh = plsc.VectorSubcoreMesh(core_axis_name="c", subcore_axis_name="s")
    f = pl.kernel(
        _sc_body,
        mesh=mesh,
        compiler_params=pltpu.CompilerParams(needs_layout_passes=False),
        out_type=jax.ShapeDtypeStruct((B * L,), jnp.float32),
        scratch_types=[
            pltpu.VMEM((4, A), jnp.float32),
            pltpu.VMEM((A,), jnp.float32),
            pltpu.VMEM((A,), jnp.int32),
            pltpu.VMEM((G, L), jnp.float32),
            pltpu.VMEM((G, L), jnp.int32),
            pltpu.VMEM((L,), jnp.float32),
            pltpu.VMEM((L,), jnp.float32),
            pltpu.VMEM((L,), jnp.float32),
            pltpu.VMEM((L,), jnp.float32),
            pltpu.VMEM((CH,), jnp.float32),
            pltpu.VMEM((L,), jnp.float32),
            pltpu.VMEM((NBINS * L,), jnp.float32),
        ],
    )
    return f(bbox_t, conf, anch_t, gt_t)


def kernel(bbox_pred, conf_pred, anchors, gt_boxes):
    bbox_t = jnp.transpose(bbox_pred, (0, 2, 1))
    anch_t = jnp.transpose(anchors, (1, 0))
    gt_t = jnp.transpose(gt_boxes, (0, 2, 1)).reshape(-1)
    conf_flat = conf_pred.reshape(-1)
    out = _run(bbox_t, conf_flat, anch_t, gt_t).reshape(B, L)
    loc = jnp.sum(out[:, 0])
    conf = jnp.sum(out[:, 1])
    n_pos = jnp.sum(out[:, 2])
    denom = jnp.maximum(n_pos, 1.0)
    return loc / denom + conf / denom

# --- scband reference (transcript-rebuilt; emitter-appended) ---
"""Pipeline reference for scband-detection-loss-3839700762848 (READ-ONLY COPY).

The authoritative reference and input builder live on the scoring server;
editing this copy changes nothing except your own understanding.
"""

import jax, jax.numpy as jnp
import numpy as np

IOU_THRESHOLD = 0.5
NEG_POS_RATIO = 3
ALPHA = 0.25
GAMMA = 2.0
B, A, G = 32, 20000, 16


def _make_boxes(key, shape):
    k1, k2 = jax.random.split(key)
    xy = jax.random.uniform(k1, shape + (2,), minval=0.0, maxval=400.0, dtype=jnp.float32)
    wh = jax.random.uniform(k2, shape + (2,), minval=10.0, maxval=120.0, dtype=jnp.float32)
    return jnp.concatenate([xy, xy + wh], axis=-1)


def setup_inputs(seed: int = 0) -> dict:
    key = jax.random.key(seed)
    k1, k2, k3, k4 = jax.random.split(key, 4)
    return {
        'bbox_pred': _make_boxes(k1, (B, A)),
        'conf_pred': jax.random.normal(k2, (B, A), dtype=jnp.float32),
        'anchors': _make_boxes(k3, (A,)),
        'gt_boxes': _make_boxes(k4, (B, G)),
    }


def _box_iou(a, b):
    # a: [A,4], b: [G,4] in x1y1x2y2 -> [A,G]
    area_a = (a[:, 2] - a[:, 0]) * (a[:, 3] - a[:, 1])
    area_b = (b[:, 2] - b[:, 0]) * (b[:, 3] - b[:, 1])
    lt = jnp.maximum(a[:, None, :2], b[None, :, :2])
    rb = jnp.minimum(a[:, None, 2:], b[None, :, 2:])
    wh = jnp.clip(rb - lt, 0.0)
    inter = wh[..., 0] * wh[..., 1]
    union = area_a[:, None] + area_b[None, :] - inter + 1e-7
    return inter / union


def _diou_loss(pred, target):
    # paired boxes [N,4] -> [N]
    area_p = (pred[:, 2] - pred[:, 0]) * (pred[:, 3] - pred[:, 1])
    area_t = (target[:, 2] - target[:, 0]) * (target[:, 3] - target[:, 1])
    lt = jnp.maximum(pred[:, :2], target[:, :2])
    rb = jnp.minimum(pred[:, 2:], target[:, 2:])
    wh = jnp.clip(rb - lt, 0.0)
    inter = wh[:, 0] * wh[:, 1]
    union = area_p + area_t - inter + 1e-7
    iou = inter / union
    cp = (pred[:, :2] + pred[:, 2:]) * 0.5
    ct = (target[:, :2] + target[:, 2:]) * 0.5
    rho2 = jnp.sum((cp - ct) ** 2, axis=-1)
    elt = jnp.minimum(pred[:, :2], target[:, :2])
    erb = jnp.maximum(pred[:, 2:], target[:, 2:])
    c2 = jnp.sum((erb - elt) ** 2, axis=-1) + 1e-7
    return 1.0 - iou + rho2 / c2


def _focal(logits, targets):
    # BCE-with-logits focal loss, reduction='none'
    ce = jnp.maximum(logits, 0.0) - logits * targets + jnp.log1p(jnp.exp(-jnp.abs(logits)))
    p = jax.nn.sigmoid(logits)
    p_t = p * targets + (1.0 - p) * (1.0 - targets)
    alpha_t = ALPHA * targets + (1.0 - ALPHA) * (1.0 - targets)
    return alpha_t * ((1.0 - p_t) ** GAMMA) * ce


def _forward(bbox_pred, conf_pred, anchors, gt_boxes):
    total_loc = jnp.float32(0.0)
    total_conf = jnp.float32(0.0)
    num_pos = jnp.int32(0)
    arange_a = jnp.arange(A)
    for i in range(B):
        gt_b = gt_boxes[i]
        ious = _box_iou(anchors, gt_b)
        best_gt_iou = jnp.max(ious, axis=1)
        best_gt_idx = jnp.argmax(ious, axis=1)
        best_anchor_idx = jnp.argmax(ious, axis=0)
        pos = best_gt_iou > IOU_THRESHOLD
        pos = pos.at[best_anchor_idx].set(True)
        matched = gt_b[best_gt_idx]
        loc = jnp.minimum(_diou_loss(bbox_pred[i], matched), 100.0)
        total_loc = total_loc + jnp.sum(loc * pos)
        tgt = pos.astype(jnp.float32)
        acl = jnp.minimum(_focal(conf_pred[i], tgt), 100.0)
        pos_loss = jnp.sum(acl * pos)
        neg_mask = jnp.logical_not(pos)
        neg_vals = jnp.where(neg_mask, acl, 0.0)
        sorted_neg = -jnp.sort(-neg_vals)  # descending
        n_pos_i = jnp.sum(pos)
        num_neg = jnp.minimum(jnp.sum(neg_mask), n_pos_i * NEG_POS_RATIO)
        take = arange_a < num_neg
        total_conf = total_conf + pos_loss + jnp.sum(sorted_neg * take)
        num_pos = num_pos + n_pos_i
    denom = jnp.maximum(num_pos, 1).astype(jnp.float32)
    return total_loc / denom + total_conf / denom


def reference(bbox_pred, conf_pred, anchors, gt_boxes):
    return _forward(bbox_pred, conf_pred, anchors, gt_boxes)

if __name__ == "__main__":
    import jax
    _d = setup_inputs()
    print(jax.jit(kernel)(*tuple(_d.values())))

</pallas_src>

<mosaic_0001>
#map = affine_map<(d0, d1) -> (0, 0, 0)>
#map1 = affine_map<(d0, d1) -> (0)>
#map2 = affine_map<(d0, d1) -> (0, 0)>
module attributes {stable_mosaic.version = 14 : i64} {
  func.func @_sc_body(%arg0: i32, %arg1: i32, %arg2: memref<32x4x20000xf32, #tpu.memory_space<hbm>>, %arg3: memref<640000xf32, #tpu.memory_space<hbm>>, %arg4: memref<4x20000xf32, #tpu.memory_space<hbm>>, %arg5: memref<2048xf32, #tpu.memory_space<hbm>>, %arg6: memref<512xf32, #tpu.memory_space<hbm>>, %arg7: memref<4x20000xf32, #tpu.memory_space<vmem>>, %arg8: memref<20000xf32, #tpu.memory_space<vmem>>, %arg9: memref<20000xi32, #tpu.memory_space<vmem>>, %arg10: memref<16x16xf32, #tpu.memory_space<vmem>>, %arg11: memref<16x16xi32, #tpu.memory_space<vmem>>, %arg12: memref<16xf32, #tpu.memory_space<vmem>>, %arg13: memref<16xf32, #tpu.memory_space<vmem>>, %arg14: memref<16xf32, #tpu.memory_space<vmem>>, %arg15: memref<16xf32, #tpu.memory_space<vmem>>, %arg16: memref<2000xf32, #tpu.memory_space<vmem>>, %arg17: memref<16xf32, #tpu.memory_space<vmem>>, %arg18: memref<2048xf32, #tpu.memory_space<vmem>>) attributes {dimension_semantics = [#tpu.dimension_semantics<core_parallel>, #tpu.dimension_semantics<subcore_parallel>], iteration_bounds = array<i64: 2, 16>, scalar_prefetch = 0 : i64, scratch_operands = 12 : i64, tpu.core_type = #tpu.core_type<sc_vector_subcore>, window_params = [{transform_indices = #map}, {transform_indices = #map1}, {transform_indices = #map2}, {transform_indices = #map1}, {transform_indices = #map1}]} {
    %mul3A = arith.constant 2 : i32
    %mul3A_0 = arith.muli %arg1, %mul3A : i32
    %add3A = arith.addi %mul3A_0, %arg0 : i32
    %iota3A = tpu.iota {dimensions = array<i32: 0>} : vector<16xi32>
    "tpu.region"() ({
      %run_scoped3A = tpu.sem_alloc : memref<!tpu.dma_semaphore, #tpu.memory_space<semaphore_mem>>
      tpu.enqueue_dma source(%arg4 : memref<4x20000xf32, #tpu.memory_space<hbm>>) target(%arg7 : memref<4x20000xf32, #tpu.memory_space<vmem>>) target_semaphore(%run_scoped3A : memref<!tpu.dma_semaphore, #tpu.memory_space<semaphore_mem>>)
      tpu.wait_dma2 semaphore(%run_scoped3A : memref<!tpu.dma_semaphore, #tpu.memory_space<semaphore_mem>>) src(%arg4 : memref<4x20000xf32, #tpu.memory_space<hbm>>) dst(%arg7 : memref<4x20000xf32, #tpu.memory_space<vmem>>)
      tpu.yield
    }) : () -> ()
    %mul3A_1 = arith.constant 64 : i32
    %mul3A_2 = arith.muli %add3A, %mul3A_1 : i32
    "tpu.region"() ({
      %run_scoped3A = tpu.sem_alloc : memref<!tpu.dma_semaphore, #tpu.memory_space<semaphore_mem>>
      %dma_start3A = tpu.memref_slice %arg5[%mul3A_2] : memref<2048xf32, #tpu.memory_space<hbm>> -> memref<16xf32, #tpu.memory_space<hbm>>
      %dma_start3A_1052 = tpu.memref_slice %arg5[%mul3A_2] : memref<2048xf32, #tpu.memory_space<hbm>> -> memref<16xf32, #tpu.memory_space<hbm>>
      tpu.enqueue_dma source(%dma_start3A_1052 : memref<16xf32, #tpu.memory_space<hbm>>) target(%arg12 : memref<16xf32, #tpu.memory_space<vmem>>) target_semaphore(%run_scoped3A : memref<!tpu.dma_semaphore, #tpu.memory_space<semaphore_mem>>)
      %dma_wait3A = tpu.memref_slice %arg5[%mul3A_2] : memref<2048xf32, #tpu.memory_space<hbm>> -> memref<16xf32, #tpu.memory_space<hbm>>
      %dma_wait3A_1053 = tpu.memref_slice %arg5[%mul3A_2] : memref<2048xf32, #tpu.memory_space<hbm>> -> memref<16xf32, #tpu.memory_space<hbm>>
      tpu.wait_dma2 semaphore(%run_scoped3A : memref<!tpu.dma_semaphore, #tpu.memory_space<semaphore_mem>>) src(%dma_wait3A_1053 : memref<16xf32, #tpu.memory_space<hbm>>) dst(%arg12 : memref<16xf32, #tpu.memory_space<vmem>>)
      tpu.yield
    }) : () -> ()
    %add3A_3 = arith.constant 16 : i32
    %add3A_4 = arith.addi %mul3A_2, %add3A_3 : i32
    "tpu.region"() ({
      %run_scoped3A = tpu.sem_alloc : memref<!tpu.dma_semaphore, #tpu.memory_space<semaphore_mem>>
      %dma_start3A = tpu.memref_slice %arg5[%add3A_4] : memref<2048xf32, #tpu.memory_space<hbm>> -> memref<16xf32, #tpu.memory_space<hbm>>
      %dma_start3A_1052 = tpu.memref_slice %arg5[%add3A_4] : memref<2048xf32, #tpu.memory_space<hbm>> -> memref<16xf32, #tpu.memory_space<hbm>>
      tpu.enqueue_dma source(%dma_start3A_1052 : memref<16xf32, #tpu.memory_space<hbm>>) target(%arg13 : memref<16xf32, #tpu.memory_space<vmem>>) target_semaphore(%run_scoped3A : memref<!tpu.dma_semaphore, #tpu.memory_space<semaphore_mem>>)
      %dma_wait3A = tpu.memref_slice %arg5[%add3A_4] : memref<2048xf32, #tpu.memory_space<hbm>> -> memref<16xf32, #tpu.memory_space<hbm>>
      %dma_wait3A_1053 = tpu.memref_slice %arg5[%add3A_4] : memref<2048xf32, #tpu.memory_space<hbm>> -> memref<16xf32, #tpu.memory_space<hbm>>
      tpu.wait_dma2 semaphore(%run_scoped3A : memref<!tpu.dma_semaphore, #tpu.memory_space<semaphore_mem>>) src(%dma_wait3A_1053 : memref<16xf32, #tpu.memory_space<hbm>>) dst(%arg13 : memref<16xf32, #tpu.memory_space<vmem>>)
      tpu.yield
    }) : () -> ()
    %add3A_5 = arith.constant 32 : i32
    %add3A_6 = arith.addi %mul3A_2, %add3A_5 : i32
    "tpu.region"() ({
      %run_scoped3A = tpu.sem_alloc : memref<!tpu.dma_semaphore, #tpu.memory_space<semaphore_mem>>
      %dma_start3A = tpu.memref_slice %arg5[%add3A_6] : memref<2048xf32, #tpu.memory_space<hbm>> -> memref<16xf32, #tpu.memory_space<hbm>>
      %dma_start3A_1052 = tpu.memref_slice %arg5[%add3A_6] : memref<2048xf32, #tpu.memory_space<hbm>> -> memref<16xf32, #tpu.memory_space<hbm>>
      tpu.enqueue_dma source(%dma_start3A_1052 : memref<16xf32, #tpu.memory_space<hbm>>) target(%arg14 : memref<16xf32, #tpu.memory_space<vmem>>) target_semaphore(%run_scoped3A : memref<!tpu.dma_semaphore, #tpu.memory_space<semaphore_mem>>)
      %dma_wait3A = tpu.memref_slice %arg5[%add3A_6] : memref<2048xf32, #tpu.memory_space<hbm>> -> memref<16xf32, #tpu.memory_space<hbm>>
      %dma_wait3A_1053 = tpu.memref_slice %arg5[%add3A_6] : memref<2048xf32, #tpu.memory_space<hbm>> -> memref<16xf32, #tpu.memory_space<hbm>>
      tpu.wait_dma2 semaphore(%run_scoped3A : memref<!tpu.dma_semaphore, #tpu.memory_space<semaphore_mem>>) src(%dma_wait3A_1053 : memref<16xf32, #tpu.memory_space<hbm>>) dst(%arg14 : memref<16xf32, #tpu.memory_space<vmem>>)
      tpu.yield
    }) : () -> ()
    %add3A_7 = arith.constant 48 : i32
    %add3A_8 = arith.addi %mul3A_2, %add3A_7 : i32
    "tpu.region"() ({
      %run_scoped3A = tpu.sem_alloc : memref<!tpu.dma_semaphore, #tpu.memory_space<semaphore_mem>>
      %dma_start3A = tpu.memref_slice %arg5[%add3A_8] : memref<2048xf32, #tpu.memory_space<hbm>> -> memref<16xf32, #tpu.memory_space<hbm>>
      %dma_start3A_1052 = tpu.memref_slice %arg5[%add3A_8] : memref<2048xf32, #tpu.memory_space<hbm>> -> memref<16xf32, #tpu.memory_space<hbm>>
      tpu.enqueue_dma source(%dma_start3A_1052 : memref<16xf32, #tpu.memory_space<hbm>>) target(%arg15 : memref<16xf32, #tpu.memory_space<vmem>>) target_semaphore(%run_scoped3A : memref<!tpu.dma_semaphore, #tpu.memory_space<semaphore_mem>>)
      %dma_wait3A = tpu.memref_slice %arg5[%add3A_8] : memref<2048xf32, #tpu.memory_space<hbm>> -> memref<16xf32, #tpu.memory_space<hbm>>
      %dma_wait3A_1053 = tpu.memref_slice %arg5[%add3A_8] : memref<2048xf32, #tpu.memory_space<hbm>> -> memref<16xf32, #tpu.memory_space<hbm>>
      tpu.wait_dma2 semaphore(%run_scoped3A : memref<!tpu.dma_semaphore, #tpu.memory_space<semaphore_mem>>) src(%dma_wait3A_1053 : memref<16xf32, #tpu.memory_space<hbm>>) dst(%arg15 : memref<16xf32, #tpu.memory_space<vmem>>)
      tpu.yield
    }) : () -> ()
    %get3A = arith.constant 0 : index
    %get3A_9 = tpu.vector_load %arg12[%get3A] {strides = array<i32>} : memref<16xf32, #tpu.memory_space<vmem>>, vector<16xf32>,
    %get3A_10 = arith.constant 0 : index
    %get3A_11 = tpu.vector_load %arg13[%get3A_10] {strides = array<i32>} : memref<16xf32, #tpu.memory_space<vmem>>, vector<16xf32>,
    %get3A_12 = arith.constant 0 : index
    %get3A_13 = tpu.vector_load %arg14[%get3A_12] {strides = array<i32>} : memref<16xf32, #tpu.memory_space<vmem>>, vector<16xf32>,
    %get3A_14 = arith.constant 0 : index
    %get3A_15 = tpu.vector_load %arg15[%get3A_14] {strides = array<i32>} : memref<16xf32, #tpu.memory_space<vmem>>, vector<16xf32>,
    %slice3A = vector.extract_strided_slice %get3A_9 {offsets = [0], sizes = [1], strides = [1]} : vector<16xf32> to vector<1xf32>
    %squeeze3A = vector.extract %slice3A[0] : f32 from vector<1xf32>
    %slice3A_16 = vector.extract_strided_slice %get3A_9 {offsets = [1], sizes = [1], strides = [1]} : vector<16xf32> to vector<1xf32>
    %squeeze3A_17 = vector.extract %slice3A_16[0] : f32 from vector<1xf32>
    %slice3A_18 = vector.extract_strided_slice %get3A_9 {offsets = [2], sizes = [1], strides = [1]} : vector<16xf32> to vector<1xf32>
    %squeeze3A_19 = vector.extract %slice3A_18[0] : f32 from vector<1xf32>
    %slice3A_20 = vector.extract_strided_slice %get3A_9 {offsets = [3], sizes = [1], strides = [1]} : vector<16xf32> to vector<1xf32>
    %squeeze3A_21 = vector.extract %slice3A_20[0] : f32 from vector<1xf32>
    %slice3A_22 = vector.extract_strided_slice %get3A_9 {offsets = [4], sizes = [1], strides = [1]} : vector<16xf32> to vector<1xf32>
    %squeeze3A_23 = vector.extract %slice3A_22[0] : f32 from vector<1xf32>
    %slice3A_24 = vector.extract_strided_slice %get3A_9 {offsets = [5], sizes = [1], strides = [1]} : vector<16xf32> to vector<1xf32>
    %squeeze3A_25 = vector.extract %slice3A_24[0] : f32 from vector<1xf32>
    %slice3A_26 = vector.extract_strided_slice %get3A_9 {offsets = [6], sizes = [1], strides = [1]} : vector<16xf32> to vector<1xf32>
    %squeeze3A_27 = vector.extract %slice3A_26[0] : f32 from vector<1xf32>
    %slice3A_28 = vector.extract_strided_slice %get3A_9 {offsets = [7], sizes = [1], strides = [1]} : vector<16xf32> to vector<1xf32>
    %squeeze3A_29 = vector.extract %slice3A_28[0] : f32 from vector<1xf32>
    %slice3A_30 = vector.extract_strided_slice %get3A_9 {offsets = [8], sizes = [1], strides = [1]} : vector<16xf32> to vector<1xf32>
    %squeeze3A_31 = vector.extract %slice3A_30[0] : f32 from vector<1xf32>
    %slice3A_32 = vector.extract_strided_slice %get3A_9 {offsets = [9], sizes = [1], strides = [1]} : vector<16xf32> to vector<1xf32>
    %squeeze3A_33 = vector.extract %slice3A_32[0] : f32 from vector<1xf32>
    %slice3A_34 = vector.extract_strided_slice %get3A_9 {offsets = [10], sizes = [1], strides = [1]} : vector<16xf32> to vector<1xf32>
    %squeeze3A_35 = vector.extract %slice3A_34[0] : f32 from vector<1xf32>
    %slice3A_36 = vector.extract_strided_slice %get3A_9 {offsets = [11], sizes = [1], strides = [1]} : vector<16xf32> to vector<1xf32>
    %squeeze3A_37 = vector.extract %slice3A_36[0] : f32 from vector<1xf32>
    %slice3A_38 = vector.extract_strided_slice %get3A_9 {offsets = [12], sizes = [1], strides = [1]} : vector<16xf32> to vector<1xf32>
    %squeeze3A_39 = vector.extract %slice3A_38[0] : f32 from vector<1xf32>
    %slice3A_40 = vector.extract_strided_slice %get3A_9 {offsets = [13], sizes = [1], strides = [1]} : vector<16xf32> to vector<1xf32>
    %squeeze3A_41 = vector.extract %slice3A_40[0] : f32 from vector<1xf32>
    %slice3A_42 = vector.extract_strided_slice %get3A_9 {offsets = [14], sizes = [1], strides = [1]} : vector<16xf32> to vector<1xf32>
    %squeeze3A_43 = vector.extract %slice3A_42[0] : f32 from vector<1xf32>
    %slice3A_44 = vector.extract_strided_slice %get3A_9 {offsets = [15], sizes = [1], strides = [1]} : vector<16xf32> to vector<1xf32>
    %squeeze3A_45 = vector.extract %slice3A_44[0] : f32 from vector<1xf32>
    %slice3A_46 = vector.extract_strided_slice %get3A_11 {offsets = [0], sizes = [1], strides = [1]} : vector<16xf32> to vector<1xf32>
    %squeeze3A_47 = vector.extract %slice3A_46[0] : f32 from vector<1xf32>
    %slice3A_48 = vector.extract_strided_slice %get3A_11 {offsets = [1], sizes = [1], strides = [1]} : vector<16xf32> to vector<1xf32>
    %squeeze3A_49 = vector.extract %slice3A_48[0] : f32 from vector<1xf32>
    %slice3A_50 = vector.extract_strided_slice %get3A_11 {offsets = [2], sizes = [1], strides = [1]} : vector<16xf32> to vector<1xf32>
    %squeeze3A_51 = vector.extract %slice3A_50[0] : f32 from vector<1xf32>
    %slice3A_52 = vector.extract_strided_slice %get3A_11 {offsets = [3], sizes = [1], strides = [1]} : vector<16xf32> to vector<1xf32>
    %squeeze3A_53 = vector.extract %slice3A_52[0] : f32 from vector<1xf32>
    %slice3A_54 = vector.extract_strided_slice %get3A_11 {offsets = [4], sizes = [1], strides = [1]} : vector<16xf32> to vector<1xf32>
    %squeeze3A_55 = vector.extract %slice3A_54[0] : f32 from vector<1xf32>
    %slice3A_56 = vector.extract_strided_slice %get3A_11 {offsets = [5], sizes = [1], strides = [1]} : vector<16xf32> to vector<1xf32>
    %squeeze3A_57 = vector.extract %slice3A_56[0] : f32 from vector<1xf32>
    %slice3A_58 = vector.extract_strided_slice %get3A_11 {offsets = [6], sizes = [1], strides = [1]} : vector<16xf32> to vector<1xf32>
    %squeeze3A_59 = vector.extract %slice3A_58[0] : f32 from vector<1xf32>
    %slice3A_60 = vector.extract_strided_slice %get3A_11 {offsets = [7], sizes = [1], strides = [1]} : vector<16xf32> to vector<1xf32>
    %squeeze3A_61 = vector.extract %slice3A_60[0] : f32 from vector<1xf32>
    %slice3A_62 = vector.extract_strided_slice %get3A_11 {offsets = [8], sizes = [1], strides = [1]} : vector<16xf32> to vector<1xf32>
    %squeeze3A_63 = vector.extract %slice3A_62[0] : f32 from vector<1xf32>
    %slice3A_64 = vector.extract_strided_slice %get3A_11 {offsets = [9], sizes = [1], strides = [1]} : vector<16xf32> to vector<1xf32>
    %squeeze3A_65 = vector.extract %slice3A_64[0] : f32 from vector<1xf32>
    %slice3A_66 = vector.extract_strided_slice %get3A_11 {offsets = [10], sizes = [1], strides = [1]} : vector<16xf32> to vector<1xf32>
    %squeeze3A_67 = vector.extract %slice3A_66[0] : f32 from vector<1xf32>
    %slice3A_68 = vector.extract_strided_slice %get3A_11 {offsets = [11], sizes = [1], strides = [1]} : vector<16xf32> to vector<1xf32>
    %squeeze3A_69 = vector.extract %slice3A_68[0] : f32 from vector<1xf32>
    %slice3A_70 = vector.extract_strided_slice %get3A_11 {offsets = [12], sizes = [1], strides = [1]} : vector<16xf32> to vector<1xf32>
    %squeeze3A_71 = vector.extract %slice3A_70[0] : f32 from vector<1xf32>
    %slice3A_72 = vector.extract_strided_slice %get3A_11 {offsets = [13], sizes = [1], strides = [1]} : vector<16xf32> to vector<1xf32>
    %squeeze3A_73 = vector.extract %slice3A_72[0] : f32 from vector<1xf32>
    %slice3A_74 = vector.extract_strided_slice %get3A_11 {offsets = [14], sizes = [1], strides = [1]} : vector<16xf32> to vector<1xf32>
    %squeeze3A_75 = vector.extract %slice3A_74[0] : f32 from vector<1xf32>
    %slice3A_76 = vector.extract_strided_slice %get3A_11 {offsets = [15], sizes = [1], strides = [1]} : vector<16xf32> to vector<1xf32>
    %squeeze3A_77 = vector.extract %slice3A_76[0] : f32 from vector<1xf32>
    %slice3A_78 = vector.extract_strided_slice %get3A_13 {offsets = [0], sizes = [1], strides = [1]} : vector<16xf32> to vector<1xf32>
    %squeeze3A_79 = vector.extract %slice3A_78[0] : f32 from vector<1xf32>
    %slice3A_80 = vector.extract_strided_slice %get3A_13 {offsets = [1], sizes = [1], strides = [1]} : vector<16xf32> to vector<1xf32>
    %squeeze3A_81 = vector.extract %slice3A_80[0] : f32 from vector<1xf32>
    %slice3A_82 = vector.extract_strided_slice %get3A_13 {offsets = [2], sizes = [1], strides = [1]} : vector<16xf32> to vector<1xf32>
    %squeeze3A_83 = vector.extract %slice3A_82[0] : f32 from vector<1xf32>
    %slice3A_84 = vector.extract_strided_slice %get3A_13 {offsets = [3], sizes = [1], strides = [1]} : vector<16xf32> to vector<1xf32>
    %squeeze3A_85 = vector.extract %slice3A_84[0] : f32 from vector<1xf32>
    %slice3A_86 = vector.extract_strided_slice %get3A_13 {offsets = [4], sizes = [1], strides = [1]} : vector<16xf32> to vector<1xf32>
    %squeeze3A_87 = vector.extract %slice3A_86[0] : f32 from vector<1xf32>
    %slice3A_88 = vector.extract_strided_slice %get3A_13 {offsets = [5], sizes = [1], strides = [1]} : vector<16xf32> to vector<1xf32>
    %squeeze3A_89 = vector.extract %slice3A_88[0] : f32 from vector<1xf32>
    %slice3A_90 = vector.extract_strided_slice %get3A_13 {offsets = [6], sizes = [1], strides = [1]} : vector<16xf32> to vector<1xf32>
    %squeeze3A_91 = vector.extract %slice3A_90[0] : f32 from vector<1xf32>
    %slice3A_92 = vector.extract_strided_slice %get3A_13 {offsets = [7], sizes = [1], strides = [1]} : vector<16xf32> to vector<1xf32>
    %squeeze3A_93 = vector.extract %slice3A_92[0] : f32 from vector<1xf32>
    %slice3A_94 = vector.extract_strided_slice %get3A_13 {offsets = [8], sizes = [1], strides = [1]} : vector<16xf32> to vector<1xf32>
    %squeeze3A_95 = vector.extract %slice3A_94[0] : f32 from vector<1xf32>
    %slice3A_96 = vector.extract_strided_slice %get3A_13 {offsets = [9], sizes = [1], strides = [1]} : vector<16xf32> to vector<1xf32>
    %squeeze3A_97 = vector.extract %slice3A_96[0] : f32 from vector<1xf32>
    %slice3A_98 = vector.extract_strided_slice %get3A_13 {offsets = [10], sizes = [1], strides = [1]} : vector<16xf32> to vector<1xf32>
    %squeeze3A_99 = vector.extract %slice3A_98[0] : f32 from vector<1xf32>
    %slice3A_100 = vector.extract_strided_slice %get3A_13 {offsets = [11], sizes = [1], strides = [1]} : vector<16xf32> to vector<1xf32>
    %squeeze3A_101 = vector.extract %slice3A_100[0] : f32 from vector<1xf32>
    %slice3A_102 = vector.extract_strided_slice %get3A_13 {offsets = [12], sizes = [1], strides = [1]} : vector<16xf32> to vector<1xf32>
    %squeeze3A_103 = vector.extract %slice3A_102[0] : f32 from vector<1xf32>
    %slice3A_104 = vector.extract_strided_slice %get3A_13 {offsets = [13], sizes = [1], strides = [1]} : vector<16xf32> to vector<1xf32>
    %squeeze3A_105 = vector.extract %slice3A_104[0] : f32 from vector<1xf32>
    %slice3A_106 = vector.extract_strided_slice %get3A_13 {offsets = [14], sizes = [1], strides = [1]} : vector<16xf32> to vector<1xf32>
    %squeeze3A_107 = vector.extract %slice3A_106[0] : f32 from vector<1xf32>
    %slice3A_108 = vector.extract_strided_slice %get3A_13 {offsets = [15], sizes = [1], strides = [1]} : vector<16xf32> to vector<1xf32>
    %squeeze3A_109 = vector.extract %slice3A_108[0] : f32 from vector<1xf32>
    %slice3A_110 = vector.extract_strided_slice %get3A_15 {offsets = [0], sizes = [1], strides = [1]} : vector<16xf32> to vector<1xf32>
    %squeeze3A_111 = vector.extract %slice3A_110[0] : f32 from vector<1xf32>
    %slice3A_112 = vector.extract_strided_slice %get3A_15 {offsets = [1], sizes = [1], strides = [1]} : vector<16xf32> to vector<1xf32>
    %squeeze3A_113 = vector.extract %slice3A_112[0] : f32 from vector<1xf32>
    %slice3A_114 = vector.extract_strided_slice %get3A_15 {offsets = [2], sizes = [1], strides = [1]} : vector<16xf32> to vector<1xf32>
    %squeeze3A_115 = vector.extract %slice3A_114[0] : f32 from vector<1xf32>
    %slice3A_116 = vector.extract_strided_slice %get3A_15 {offsets = [3], sizes = [1], strides = [1]} : vector<16xf32> to vector<1xf32>
    %squeeze3A_117 = vector.extract %slice3A_116[0] : f32 from vector<1xf32>
    %slice3A_118 = vector.extract_strided_slice %get3A_15 {offsets = [4], sizes = [1], strides = [1]} : vector<16xf32> to vector<1xf32>
    %squeeze3A_119 = vector.extract %slice3A_118[0] : f32 from vector<1xf32>
    %slice3A_120 = vector.extract_strided_slice %get3A_15 {offsets = [5], sizes = [1], strides = [1]} : vector<16xf32> to vector<1xf32>
    %squeeze3A_121 = vector.extract %slice3A_120[0] : f32 from vector<1xf32>
    %slice3A_122 = vector.extract_strided_slice %get3A_15 {offsets = [6], sizes = [1], strides = [1]} : vector<16xf32> to vector<1xf32>
    %squeeze3A_123 = vector.extract %slice3A_122[0] : f32 from vector<1xf32>
    %slice3A_124 = vector.extract_strided_slice %get3A_15 {offsets = [7], sizes = [1], strides = [1]} : vector<16xf32> to vector<1xf32>
    %squeeze3A_125 = vector.extract %slice3A_124[0] : f32 from vector<1xf32>
    %slice3A_126 = vector.extract_strided_slice %get3A_15 {offsets = [8], sizes = [1], strides = [1]} : vector<16xf32> to vector<1xf32>
    %squeeze3A_127 = vector.extract %slice3A_126[0] : f32 from vector<1xf32>
    %slice3A_128 = vector.extract_strided_slice %get3A_15 {offsets = [9], sizes = [1], strides = [1]} : vector<16xf32> to vector<1xf32>
    %squeeze3A_129 = vector.extract %slice3A_128[0] : f32 from vector<1xf32>
    %slice3A_130 = vector.extract_strided_slice %get3A_15 {offsets = [10], sizes = [1], strides = [1]} : vector<16xf32> to vector<1xf32>
    %squeeze3A_131 = vector.extract %slice3A_130[0] : f32 from vector<1xf32>
    %slice3A_132 = vector.extract_strided_slice %get3A_15 {offsets = [11], sizes = [1], strides = [1]} : vector<16xf32> to vector<1xf32>
    %squeeze3A_133 = vector.extract %slice3A_132[0] : f32 from vector<1xf32>
    %slice3A_134 = vector.extract_strided_slice %get3A_15 {offsets = [12], sizes = [1], strides = [1]} : vector<16xf32> to vector<1xf32>
    %squeeze3A_135 = vector.extract %slice3A_134[0] : f32 from vector<1xf32>
    %slice3A_136 = vector.extract_strided_slice %get3A_15 {offsets = [13], sizes = [1], strides = [1]} : vector<16xf32> to vector<1xf32>
    %squeeze3A_137 = vector.extract %slice3A_136[0] : f32 from vector<1xf32>
    %slice3A_138 = vector.extract_strided_slice %get3A_15 {offsets = [14], sizes = [1], strides = [1]} : vector<16xf32> to vector<1xf32>
    %squeeze3A_139 = vector.extract %slice3A_138[0] : f32 from vector<1xf32>
    %slice3A_140 = vector.extract_strided_slice %get3A_15 {offsets = [15], sizes = [1], strides = [1]} : vector<16xf32> to vector<1xf32>
    %squeeze3A_141 = vector.extract %slice3A_140[0] : f32 from vector<1xf32>
    %sub3A = arith.subf %squeeze3A_79, %squeeze3A : f32
    %sub3A_142 = arith.subf %squeeze3A_111, %squeeze3A_47 : f32
    %mul3A_143 = arith.mulf %sub3A, %sub3A_142 : f32
    %add3A_144 = arith.constant 1.000000e-07 : f32
    %add3A_145 = arith.addf %mul3A_143, %add3A_144 : f32
    %sub3A_146 = arith.subf %squeeze3A_81, %squeeze3A_17 : f32
    %sub3A_147 = arith.subf %squeeze3A_113, %squeeze3A_49 : f32
    %mul3A_148 = arith.mulf %sub3A_146, %sub3A_147 : f32
    %add3A_149 = arith.constant 1.000000e-07 : f32
    %add3A_150 = arith.addf %mul3A_148, %add3A_149 : f32
    %sub3A_151 = arith.subf %squeeze3A_83, %squeeze3A_19 : f32
    %sub3A_152 = arith.subf %squeeze3A_115, %squeeze3A_51 : f32
    %mul3A_153 = arith.mulf %sub3A_151, %sub3A_152 : f32
    %add3A_154 = arith.constant 1.000000e-07 : f32
    %add3A_155 = arith.addf %mul3A_153, %add3A_154 : f32
    %sub3A_156 = arith.subf %squeeze3A_85, %squeeze3A_21 : f32
    %sub3A_157 = arith.subf %squeeze3A_117, %squeeze3A_53 : f32
    %mul3A_158 = arith.mulf %sub3A_156, %sub3A_157 : f32
    %add3A_159 = arith.constant 1.000000e-07 : f32
    %add3A_160 = arith.addf %mul3A_158, %add3A_159 : f32
    %sub3A_161 = arith.subf %squeeze3A_87, %squeeze3A_23 : f32
    %sub3A_162 = arith.subf %squeeze3A_119, %squeeze3A_55 : f32
    %mul3A_163 = arith.mulf %sub3A_161, %sub3A_162 : f32
    %add3A_164 = arith.constant 1.000000e-07 : f32
    %add3A_165 = arith.addf %mul3A_163, %add3A_164 : f32
    %sub3A_166 = arith.subf %squeeze3A_89, %squeeze3A_25 : f32
    %sub3A_167 = arith.subf %squeeze3A_121, %squeeze3A_57 : f32
    %mul3A_168 = arith.mulf %sub3A_166, %sub3A_167 : f32
    %add3A_169 = arith.constant 1.000000e-07 : f32
    %add3A_170 = arith.addf %mul3A_168, %add3A_169 : f32
    %sub3A_171 = arith.subf %squeeze3A_91, %squeeze3A_27 : f32
    %sub3A_172 = arith.subf %squeeze3A_123, %squeeze3A_59 : f32
    %mul3A_173 = arith.mulf %sub3A_171, %sub3A_172 : f32
    %add3A_174 = arith.constant 1.000000e-07 : f32
    %add3A_175 = arith.addf %mul3A_173, %add3A_174 : f32
    %sub3A_176 = arith.subf %squeeze3A_93, %squeeze3A_29 : f32
    %sub3A_177 = arith.subf %squeeze3A_125, %squeeze3A_61 : f32
    %mul3A_178 = arith.mulf %sub3A_176, %sub3A_177 : f32
    %add3A_179 = arith.constant 1.000000e-07 : f32
    %add3A_180 = arith.addf %mul3A_178, %add3A_179 : f32
    %sub3A_181 = arith.subf %squeeze3A_95, %squeeze3A_31 : f32
    %sub3A_182 = arith.subf %squeeze3A_127, %squeeze3A_63 : f32
    %mul3A_183 = arith.mulf %sub3A_181, %sub3A_182 : f32
    %add3A_184 = arith.constant 1.000000e-07 : f32
    %add3A_185 = arith.addf %mul3A_183, %add3A_184 : f32
    %sub3A_186 = arith.subf %squeeze3A_97, %squeeze3A_33 : f32
    %sub3A_187 = arith.subf %squeeze3A_129, %squeeze3A_65 : f32
    %mul3A_188 = arith.mulf %sub3A_186, %sub3A_187 : f32
    %add3A_189 = arith.constant 1.000000e-07 : f32
    %add3A_190 = arith.addf %mul3A_188, %add3A_189 : f32
    %sub3A_191 = arith.subf %squeeze3A_99, %squeeze3A_35 : f32
    %sub3A_192 = arith.subf %squeeze3A_131, %squeeze3A_67 : f32
    %mul3A_193 = arith.mulf %sub3A_191, %sub3A_192 : f32
    %add3A_194 = arith.constant 1.000000e-07 : f32
    %add3A_195 = arith.addf %mul3A_193, %add3A_194 : f32
    %sub3A_196 = arith.subf %squeeze3A_101, %squeeze3A_37 : f32
    %sub3A_197 = arith.subf %squeeze3A_133, %squeeze3A_69 : f32
    %mul3A_198 = arith.mulf %sub3A_196, %sub3A_197 : f32
    %add3A_199 = arith.constant 1.000000e-07 : f32
    %add3A_200 = arith.addf %mul3A_198, %add3A_199 : f32
    %sub3A_201 = arith.subf %squeeze3A_103, %squeeze3A_39 : f32
    %sub3A_202 = arith.subf %squeeze3A_135, %squeeze3A_71 : f32
    %mul3A_203 = arith.mulf %sub3A_201, %sub3A_202 : f32
    %add3A_204 = arith.constant 1.000000e-07 : f32
    %add3A_205 = arith.addf %mul3A_203, %add3A_204 : f32
    %sub3A_206 = arith.subf %squeeze3A_105, %squeeze3A_41 : f32
    %sub3A_207 = arith.subf %squeeze3A_137, %squeeze3A_73 : f32
    %mul3A_208 = arith.mulf %sub3A_206, %sub3A_207 : f32
    %add3A_209 = arith.constant 1.000000e-07 : f32
    %add3A_210 = arith.addf %mul3A_208, %add3A_209 : f32
    %sub3A_211 = arith.subf %squeeze3A_107, %squeeze3A_43 : f32
    %sub3A_212 = arith.subf %squeeze3A_139, %squeeze3A_75 : f32
    %mul3A_213 = arith.mulf %sub3A_211, %sub3A_212 : f32
    %add3A_214 = arith.constant 1.000000e-07 : f32
    %add3A_215 = arith.addf %mul3A_213, %add3A_214 : f32
    %sub3A_216 = arith.subf %squeeze3A_109, %squeeze3A_45 : f32
    %sub3A_217 = arith.subf %squeeze3A_141, %squeeze3A_77 : f32
    %mul3A_218 = arith.mulf %sub3A_216, %sub3A_217 : f32
    %add3A_219 = arith.constant 1.000000e-07 : f32
    %add3A_220 = arith.addf %mul3A_218, %add3A_219 : f32
    %broadcast_in_dim3A = arith.constant -1.000000e+00 : f32
    %broadcast_in_dim3A_221 = vector.broadcast %broadcast_in_dim3A : f32 to vector<16xf32>
    %swap3A = arith.constant 0 : i32
    %swap3A_222 = arith.index_cast %swap3A : i32 to index
    %swap3A_223 = arith.constant 0 : index
    %swap3A_224 = tpu.vector_load %arg10[%swap3A_222, %swap3A_223] {strides = array<i32>} : memref<16x16xf32, #tpu.memory_space<vmem>>, vector<16xf32>,
    tpu.vector_store %arg10[%swap3A_222, %swap3A_223], %broadcast_in_dim3A_221 {strides = array<i32>} : memref<16x16xf32, #tpu.memory_space<vmem>>, vector<16xf32>,
    %broadcast_in_dim3A_225 = arith.constant 0 : i32
    %broadcast_in_dim3A_226 = vector.broadcast %broadcast_in_dim3A_225 : i32 to vector<16xi32>
    %swap3A_227 = arith.constant 0 : i32
    %swap3A_228 = arith.index_cast %swap3A_227 : i32 to index
    %swap3A_229 = arith.constant 0 : index
    %swap3A_230 = tpu.vector_load %arg11[%swap3A_228, %swap3A_229] {strides = array<i32>} : memref<16x16xi32, #tpu.memory_space<vmem>>, vector<16xi32>,
    tpu.vector_store %arg11[%swap3A_228, %swap3A_229], %broadcast_in_dim3A_226 {strides = array<i32>} : memref<16x16xi32, #tpu.memory_space<vmem>>, vector<16xi32>,
    %broadcast_in_dim3A_231 = arith.constant -1.000000e+00 : f32
    %broadcast_in_dim3A_232 = vector.broadcast %broadcast_in_dim3A_231 : f32 to vector<16xf32>
    %swap3A_233 = arith.constant 1 : i32
    %swap3A_234 = arith.index_cast %swap3A_233 : i32 to index
    %swap3A_235 = arith.constant 0 : index
    %swap3A_236 = tpu.vector_load %arg10[%swap3A_234, %swap3A_235] {strides = array<i32>} : memref<16x16xf32, #tpu.memory_space<vmem>>, vector<16xf32>,
    tpu.vector_store %arg10[%swap3A_234, %swap3A_235], %broadcast_in_dim3A_232 {strides = array<i32>} : memref<16x16xf32, #tpu.memory_space<vmem>>, vector<16xf32>,
    %broadcast_in_dim3A_237 = arith.constant 0 : i32
    %broadcast_in_dim3A_238 = vector.broadcast %broadcast_in_dim3A_237 : i32 to vector<16xi32>
    %swap3A_239 = arith.constant 1 : i32
    %swap3A_240 = arith.index_cast %swap3A_239 : i32 to index
    %swap3A_241 = arith.constant 0 : index
    %swap3A_242 = tpu.vector_load %arg11[%swap3A_240, %swap3A_241] {strides = array<i32>} : memref<16x16xi32, #tpu.memory_space<vmem>>, vector<16xi32>,
    tpu.vector_store %arg11[%swap3A_240, %swap3A_241], %broadcast_in_dim3A_238 {strides = array<i32>} : memref<16x16xi32, #tpu.memory_space<vmem>>, vector<16xi32>,
    %broadcast_in_dim3A_243 = arith.constant -1.000000e+00 : f32
    %broadcast_in_dim3A_244 = vector.broadcast %broadcast_in_dim3A_243 : f32 to vector<16xf32>
    %swap3A_245 = arith.constant 2 : i32
    %swap3A_246 = arith.index_cast %swap3A_245 : i32 to index
    %swap3A_247 = arith.constant 0 : index
    %swap3A_248 = tpu.vector_load %arg10[%swap3A_246, %swap3A_247] {strides = array<i32>} : memref<16x16xf32, #tpu.memory_space<vmem>>, vector<16xf32>,
    tpu.vector_store %arg10[%swap3A_246, %swap3A_247], %broadcast_in_dim3A_244 {strides = array<i32>} : memref<16x16xf32, #tpu.memory_space<vmem>>, vector<16xf32>,
    %broadcast_in_dim3A_249 = arith.constant 0 : i32
    %broadcast_in_dim3A_250 = vector.broadcast %broadcast_in_dim3A_249 : i32 to vector<16xi32>
    %swap3A_251 = arith.constant 2 : i32
    %swap3A_252 = arith.index_cast %swap3A_251 : i32 to index
    %swap3A_253 = arith.constant 0 : index
    %swap3A_254 = tpu.vector_load %arg11[%swap3A_252, %swap3A_253] {strides = array<i32>} : memref<16x16xi32, #tpu.memory_space<vmem>>, vector<16xi32>,
    tpu.vector_store %arg11[%swap3A_252, %swap3A_253], %broadcast_in_dim3A_250 {strides = array<i32>} : memref<16x16xi32, #tpu.memory_space<vmem>>, vector<16xi32>,
    %broadcast_in_dim3A_255 = arith.constant -1.000000e+00 : f32
    %broadcast_in_dim3A_256 = vector.broadcast %broadcast_in_dim3A_255 : f32 to vector<16xf32>
    %swap3A_257 = arith.constant 3 : i32
    %swap3A_258 = arith.index_cast %swap3A_257 : i32 to index
    %swap3A_259 = arith.constant 0 : index
    %swap3A_260 = tpu.vector_load %arg10[%swap3A_258, %swap3A_259] {strides = array<i32>} : memref<16x16xf32, #tpu.memory_space<vmem>>, vector<16xf32>,
    tpu.vector_store %arg10[%swap3A_258, %swap3A_259], %broadcast_in_dim3A_256 {strides = array<i32>} : memref<16x16xf32, #tpu.memory_space<vmem>>, vector<16xf32>,
    %broadcast_in_dim3A_261 = arith.constant 0 : i32
    %broadcast_in_dim3A_262 = vector.broadcast %broadcast_in_dim3A_261 : i32 to vector<16xi32>
    %swap3A_263 = arith.constant 3 : i32
    %swap3A_264 = arith.index_cast %swap3A_263 : i32 to index
    %swap3A_265 = arith.constant 0 : index
    %swap3A_266 = tpu.vector_load %arg11[%swap3A_264, %swap3A_265] {strides = array<i32>} : memref<16x16xi32, #tpu.memory_space<vmem>>, vector<16xi32>,
    tpu.vector_store %arg11[%swap3A_264, %swap3A_265], %broadcast_in_dim3A_262 {strides = array<i32>} : memref<16x16xi32, #tpu.memory_space<vmem>>, vector<16xi32>,
    %broadcast_in_dim3A_267 = arith.constant -1.000000e+00 : f32
    %broadcast_in_dim3A_268 = vector.broadcast %broadcast_in_dim3A_267 : f32 to vector<16xf32>
    %swap3A_269 = arith.constant 4 : i32
    %swap3A_270 = arith.index_cast %swap3A_269 : i32 to index
    %swap3A_271 = arith.constant 0 : index
    %swap3A_272 = tpu.vector_load %arg10[%swap3A_270, %swap3A_271] {strides = array<i32>} : memref<16x16xf32, #tpu.memory_space<vmem>>, vector<16xf32>,
    tpu.vector_store %arg10[%swap3A_270, %swap3A_271], %broadcast_in_dim3A_268 {strides = array<i32>} : memref<16x16xf32, #tpu.memory_space<vmem>>, vector<16xf32>,
    %broadcast_in_dim3A_273 = arith.constant 0 : i32
    %broadcast_in_dim3A_274 = vector.broadcast %broadcast_in_dim3A_273 : i32 to vector<16xi32>
    %swap3A_275 = arith.constant 4 : i32
    %swap3A_276 = arith.index_cast %swap3A_275 : i32 to index
    %swap3A_277 = arith.constant 0 : index
    %swap3A_278 = tpu.vector_load %arg11[%swap3A_276, %swap3A_277] {strides = array<i32>} : memref<16x16xi32, #tpu.memory_space<vmem>>, vector<16xi32>,
    tpu.vector_store %arg11[%swap3A_276, %swap3A_277], %broadcast_in_dim3A_274 {strides = array<i32>} : memref<16x16xi32, #tpu.memory_space<vmem>>, vector<16xi32>,
    %broadcast_in_dim3A_279 = arith.constant -1.000000e+00 : f32
    %broadcast_in_dim3A_280 = vector.broadcast %broadcast_in_dim3A_279 : f32 to vector<16xf32>
    %swap3A_281 = arith.constant 5 : i32
    %swap3A_282 = arith.index_cast %swap3A_281 : i32 to index
    %swap3A_283 = arith.constant 0 : index
    %swap3A_284 = tpu.vector_load %arg10[%swap3A_282, %swap3A_283] {strides = array<i32>} : memref<16x16xf32, #tpu.memory_space<vmem>>, vector<16xf32>,
    tpu.vector_store %arg10[%swap3A_282, %swap3A_283], %broadcast_in_dim3A_280 {strides = array<i32>} : memref<16x16xf32, #tpu.memory_space<vmem>>, vector<16xf32>,
    %broadcast_in_dim3A_285 = arith.constant 0 : i32
    %broadcast_in_dim3A_286 = vector.broadcast %broadcast_in_dim3A_285 : i32 to vector<16xi32>
    %swap3A_287 = arith.constant 5 : i32
    %swap3A_288 = arith.index_cast %swap3A_287 : i32 to index
    %swap3A_289 = arith.constant 0 : index
    %swap3A_290 = tpu.vector_load %arg11[%swap3A_288, %swap3A_289] {strides = array<i32>} : memref<16x16xi32, #tpu.memory_space<vmem>>, vector<16xi32>,
    tpu.vector_store %arg11[%swap3A_288, %swap3A_289], %broadcast_in_dim3A_286 {strides = array<i32>} : memref<16x16xi32, #tpu.memory_space<vmem>>, vector<16xi32>,
    %broadcast_in_dim3A_291 = arith.constant -1.000000e+00 : f32
    %broadcast_in_dim3A_292 = vector.broadcast %broadcast_in_dim3A_291 : f32 to vector<16xf32>
    %swap3A_293 = arith.constant 6 : i32
    %swap3A_294 = arith.index_cast %swap3A_293 : i32 to index
    %swap3A_295 = arith.constant 0 : index
    %swap3A_296 = tpu.vector_load %arg10[%swap3A_294, %swap3A_295] {strides = array<i32>} : memref<16x16xf32, #tpu.memory_space<vmem>>, vector<16xf32>,
    tpu.vector_store %arg10[%swap3A_294, %swap3A_295], %broadcast_in_dim3A_292 {strides = array<i32>} : memref<16x16xf32, #tpu.memory_space<vmem>>, vector<16xf32>,
    %broadcast_in_dim3A_297 = arith.constant 0 : i32
    %broadcast_in_dim3A_298 = vector.broadcast %broadcast_in_dim3A_297 : i32 to vector<16xi32>
    %swap3A_299 = arith.constant 6 : i32
    %swap3A_300 = arith.index_cast %swap3A_299 : i32 to index
    %swap3A_301 = arith.constant 0 : index
    %swap3A_302 = tpu.vector_load %arg11[%swap3A_300, %swap3A_301] {strides = array<i32>} : memref<16x16xi32, #tpu.memory_space<vmem>>, vector<16xi32>,
    tpu.vector_store %arg11[%swap3A_300, %swap3A_301], %broadcast_in_dim3A_298 {strides = array<i32>} : memref<16x16xi32, #tpu.memory_space<vmem>>, vector<16xi32>,
    %broadcast_in_dim3A_303 = arith.constant -1.000000e+00 : f32
    %broadcast_in_dim3A_304 = vector.broadcast %broadcast_in_dim3A_303 : f32 to vector<16xf32>
    %swap3A_305 = arith.constant 7 : i32
    %swap3A_306 = arith.index_cast %swap3A_305 : i32 to index
    %swap3A_307 = arith.constant 0 : index
    %swap3A_308 = tpu.vector_load %arg10[%swap3A_306, %swap3A_307] {strides = array<i32>} : memref<16x16xf32, #tpu.memory_space<vmem>>, vector<16xf32>,
    tpu.vector_store %arg10[%swap3A_306, %swap3A_307], %broadcast_in_dim3A_304 {strides = array<i32>} : memref<16x16xf32, #tpu.memory_space<vmem>>, vector<16xf32>,
    %broadcast_in_dim3A_309 = arith.constant 0 : i32
    %broadcast_in_dim3A_310 = vector.broadcast %broadcast_in_dim3A_309 : i32 to vector<16xi32>
    %swap3A_311 = arith.constant 7 : i32
    %swap3A_312 = arith.index_cast %swap3A_311 : i32 to index
    %swap3A_313 = arith.constant 0 : index
    %swap3A_314 = tpu.vector_load %arg11[%swap3A_312, %swap3A_313] {strides = array<i32>} : memref<16x16xi32, #tpu.memory_space<vmem>>, vector<16xi32>,
    tpu.vector_store %arg11[%swap3A_312, %swap3A_313], %broadcast_in_dim3A_310 {strides = array<i32>} : memref<16x16xi32, #tpu.memory_space<vmem>>, vector<16xi32>,
    %broadcast_in_dim3A_315 = arith.constant -1.000000e+00 : f32
    %broadcast_in_dim3A_316 = vector.broadcast %broadcast_in_dim3A_315 : f32 to vector<16xf32>
    %swap3A_317 = arith.constant 8 : i32
    %swap3A_318 = arith.index_cast %swap3A_317 : i32 to index
    %swap3A_319 = arith.constant 0 : index
    %swap3A_320 = tpu.vector_load %arg10[%swap3A_318, %swap3A_319] {strides = array<i32>} : memref<16x16xf32, #tpu.memory_space<vmem>>, vector<16xf32>,
    tpu.vector_store %arg10[%swap3A_318, %swap3A_319], %broadcast_in_dim3A_316 {strides = array<i32>} : memref<16x16xf32, #tpu.memory_space<vmem>>, vector<16xf32>,
    %broadcast_in_dim3A_321 = arith.constant 0 : i32
    %broadcast_in_dim3A_322 = vector.broadcast %broadcast_in_dim3A_321 : i32 to vector<16xi32>
    %swap3A_323 = arith.constant 8 : i32
    %swap3A_324 = arith.index_cast %swap3A_323 : i32 to index
    %swap3A_325 = arith.constant 0 : index
    %swap3A_326 = tpu.vector_load %arg11[%swap3A_324, %swap3A_325] {strides = array<i32>} : memref<16x16xi32, #tpu.memory_space<vmem>>, vector<16xi32>,
    tpu.vector_store %arg11[%swap3A_324, %swap3A_325], %broadcast_in_dim3A_322 {strides = array<i32>} : memref<16x16xi32, #tpu.memory_space<vmem>>, vector<16xi32>,
    %broadcast_in_dim3A_327 = arith.constant -1.000000e+00 : f32
    %broadcast_in_dim3A_328 = vector.broadcast %broadcast_in_dim3A_327 : f32 to vector<16xf32>
    %swap3A_329 = arith.constant 9 : i32
    %swap3A_330 = arith.index_cast %swap3A_329 : i32 to index
    %swap3A_331 = arith.constant 0 : index
    %swap3A_332 = tpu.vector_load %arg10[%swap3A_330, %swap3A_331] {strides = array<i32>} : memref<16x16xf32, #tpu.memory_space<vmem>>, vector<16xf32>,
    tpu.vector_store %arg10[%swap3A_330, %swap3A_331], %broadcast_in_dim3A_328 {strides = array<i32>} : memref<16x16xf32, #tpu.memory_space<vmem>>, vector<16xf32>,
    %broadcast_in_dim3A_333 = arith.constant 0 : i32
    %broadcast_in_dim3A_334 = vector.broadcast %broadcast_in_dim3A_333 : i32 to vector<16xi32>
    %swap3A_335 = arith.constant 9 : i32
    %swap3A_336 = arith.index_cast %swap3A_335 : i32 to index
    %swap3A_337 = arith.constant 0 : index
    %swap3A_338 = tpu.vector_load %arg11[%swap3A_336, %swap3A_337] {strides = array<i32>} : memref<16x16xi32, #tpu.memory_space<vmem>>, vector<16xi32>,
    tpu.vector_store %arg11[%swap3A_336, %swap3A_337], %broadcast_in_dim3A_334 {strides = array<i32>} : memref<16x16xi32, #tpu.memory_space<vmem>>, vector<16xi32>,
    %broadcast_in_dim3A_339 = arith.constant -1.000000e+00 : f32
    %broadcast_in_dim3A_340 = vector.broadcast %broadcast_in_dim3A_339 : f32 to vector<16xf32>
    %swap3A_341 = arith.constant 10 : i32
    %swap3A_342 = arith.index_cast %swap3A_341 : i32 to index
    %swap3A_343 = arith.constant 0 : index
    %swap3A_344 = tpu.vector_load %arg10[%swap3A_342, %swap3A_343] {strides = array<i32>} : memref<16x16xf32, #tpu.memory_space<vmem>>, vector<16xf32>,
    tpu.vector_store %arg10[%swap3A_342, %swap3A_343], %broadcast_in_dim3A_340 {strides = array<i32>} : memref<16x16xf32, #tpu.memory_space<vmem>>, vector<16xf32>,
    %broadcast_in_dim3A_345 = arith.constant 0 : i32
    %broadcast_in_dim3A_346 = vector.broadcast %broadcast_in_dim3A_345 : i32 to vector<16xi32>
    %swap3A_347 = arith.constant 10 : i32
    %swap3A_348 = arith.index_cast %swap3A_347 : i32 to index
    %swap3A_349 = arith.constant 0 : index
    %swap3A_350 = tpu.vector_load %arg11[%swap3A_348, %swap3A_349] {strides = array<i32>} : memref<16x16xi32, #tpu.memory_space<vmem>>, vector<16xi32>,
    tpu.vector_store %arg11[%swap3A_348, %swap3A_349], %broadcast_in_dim3A_346 {strides = array<i32>} : memref<16x16xi32, #tpu.memory_space<vmem>>, vector<16xi32>,
    %broadcast_in_dim3A_351 = arith.constant -1.000000e+00 : f32
    %broadcast_in_dim3A_352 = vector.broadcast %broadcast_in_dim3A_351 : f32 to vector<16xf32>
    %swap3A_353 = arith.constant 11 : i32
    %swap3A_354 = arith.index_cast %swap3A_353 : i32 to index
    %swap3A_355 = arith.constant 0 : index
    %swap3A_356 = tpu.vector_load %arg10[%swap3A_354, %swap3A_355] {strides = array<i32>} : memref<16x16xf32, #tpu.memory_space<vmem>>, vector<16xf32>,
    tpu.vector_store %arg10[%swap3A_354, %swap3A_355], %broadcast_in_dim3A_352 {strides = array<i32>} : memref<16x16xf32, #tpu.memory_space<vmem>>, vector<16xf32>,
    %broadcast_in_dim3A_357 = arith.constant 0 : i32
    %broadcast_in_dim3A_358 = vector.broadcast %broadcast_in_dim3A_357 : i32 to vector<16xi32>
    %swap3A_359 = arith.constant 11 : i32
    %swap3A_360 = arith.index_cast %swap3A_359 : i32 to index
    %swap3A_361 = arith.constant 0 : index
    %swap3A_362 = tpu.vector_load %arg11[%swap3A_360, %swap3A_361] {strides = array<i32>} : memref<16x16xi32, #tpu.memory_space<vmem>>, vector<16xi32>,
    tpu.vector_store %arg11[%swap3A_360, %swap3A_361], %broadcast_in_dim3A_358 {strides = array<i32>} : memref<16x16xi32, #tpu.memory_space<vmem>>, vector<16xi32>,
    %broadcast_in_dim3A_363 = arith.constant -1.000000e+00 : f32
    %broadcast_in_dim3A_364 = vector.broadcast %broadcast_in_dim3A_363 : f32 to vector<16xf32>
    %swap3A_365 = arith.constant 12 : i32
    %swap3A_366 = arith.index_cast %swap3A_365 : i32 to index
    %swap3A_367 = arith.constant 0 : index
    %swap3A_368 = tpu.vector_load %arg10[%swap3A_366, %swap3A_367] {strides = array<i32>} : memref<16x16xf32, #tpu.memory_space<vmem>>, vector<16xf32>,
    tpu.vector_store %arg10[%swap3A_366, %swap3A_367], %broadcast_in_dim3A_364 {strides = array<i32>} : memref<16x16xf32, #tpu.memory_space<vmem>>, vector<16xf32>,
    %broadcast_in_dim3A_369 = arith.constant 0 : i32
    %broadcast_in_dim3A_370 = vector.broadcast %broadcast_in_dim3A_369 : i32 to vector<16xi32>
    %swap3A_371 = arith.constant 12 : i32
    %swap3A_372 = arith.index_cast %swap3A_371 : i32 to index
    %swap3A_373 = arith.constant 0 : index
    %swap3A_374 = tpu.vector_load %arg11[%swap3A_372, %swap3A_373] {strides = array<i32>} : memref<16x16xi32, #tpu.memory_space<vmem>>, vector<16xi32>,
    tpu.vector_store %arg11[%swap3A_372, %swap3A_373], %broadcast_in_dim3A_370 {strides = array<i32>} : memref<16x16xi32, #tpu.memory_space<vmem>>, vector<16xi32>,
    %broadcast_in_dim3A_375 = arith.constant -1.000000e+00 : f32
    %broadcast_in_dim3A_376 = vector.broadcast %broadcast_in_dim3A_375 : f32 to vector<16xf32>
    %swap3A_377 = arith.constant 13 : i32
    %swap3A_378 = arith.index_cast %swap3A_377 : i32 to index
    %swap3A_379 = arith.constant 0 : index
    %swap3A_380 = tpu.vector_load %arg10[%swap3A_378, %swap3A_379] {strides = array<i32>} : memref<16x16xf32, #tpu.memory_space<vmem>>, vector<16xf32>,
    tpu.vector_store %arg10[%swap3A_378, %swap3A_379], %broadcast_in_dim3A_376 {strides = array<i32>} : memref<16x16xf32, #tpu.memory_space<vmem>>, vector<16xf32>,
    %broadcast_in_dim3A_381 = arith.constant 0 : i32
    %broadcast_in_dim3A_382 = vector.broadcast %broadcast_in_dim3A_381 : i32 to vector<16xi32>
    %swap3A_383 = arith.constant 13 : i32
    %swap3A_384 = arith.index_cast %swap3A_383 : i32 to index
    %swap3A_385 = arith.constant 0 : index
    %swap3A_386 = tpu.vector_load %arg11[%swap3A_384, %swap3A_385] {strides = array<i32>} : memref<16x16xi32, #tpu.memory_space<vmem>>, vector<16xi32>,
    tpu.vector_store %arg11[%swap3A_384, %swap3A_385], %broadcast_in_dim3A_382 {strides = array<i32>} : memref<16x16xi32, #tpu.memory_space<vmem>>, vector<16xi32>,
    %broadcast_in_dim3A_387 = arith.constant -1.000000e+00 : f32
    %broadcast_in_dim3A_388 = vector.broadcast %broadcast_in_dim3A_387 : f32 to vector<16xf32>
    %swap3A_389 = arith.constant 14 : i32
    %swap3A_390 = arith.index_cast %swap3A_389 : i32 to index
    %swap3A_391 = arith.constant 0 : index
    %swap3A_392 = tpu.vector_load %arg10[%swap3A_390, %swap3A_391] {strides = array<i32>} : memref<16x16xf32, #tpu.memory_space<vmem>>, vector<16xf32>,
    tpu.vector_store %arg10[%swap3A_390, %swap3A_391], %broadcast_in_dim3A_388 {strides = array<i32>} : memref<16x16xf32, #tpu.memory_space<vmem>>, vector<16xf32>,
    %broadcast_in_dim3A_393 = arith.constant 0 : i32
    %broadcast_in_dim3A_394 = vector.broadcast %broadcast_in_dim3A_393 : i32 to vector<16xi32>
    %swap3A_395 = arith.constant 14 : i32
    %swap3A_396 = arith.index_cast %swap3A_395 : i32 to index
    %swap3A_397 = arith.constant 0 : index
    %swap3A_398 = tpu.vector_load %arg11[%swap3A_396, %swap3A_397] {strides = array<i32>} : memref<16x16xi32, #tpu.memory_space<vmem>>, vector<16xi32>,
    tpu.vector_store %arg11[%swap3A_396, %swap3A_397], %broadcast_in_dim3A_394 {strides = array<i32>} : memref<16x16xi32, #tpu.memory_space<vmem>>, vector<16xi32>,
    %broadcast_in_dim3A_399 = arith.constant -1.000000e+00 : f32
    %broadcast_in_dim3A_400 = vector.broadcast %broadcast_in_dim3A_399 : f32 to vector<16xf32>
    %swap3A_401 = arith.constant 15 : i32
    %swap3A_402 = arith.index_cast %swap3A_401 : i32 to index
    %swap3A_403 = arith.constant 0 : index
    %swap3A_404 = tpu.vector_load %arg10[%swap3A_402, %swap3A_403] {strides = array<i32>} : memref<16x16xf32, #tpu.memory_space<vmem>>, vector<16xf32>,
    tpu.vector_store %arg10[%swap3A_402, %swap3A_403], %broadcast_in_dim3A_400 {strides = array<i32>} : memref<16x16xf32, #tpu.memory_space<vmem>>, vector<16xf32>,
    %broadcast_in_dim3A_405 = arith.constant 0 : i32
    %broadcast_in_dim3A_406 = vector.broadcast %broadcast_in_dim3A_405 : i32 to vector<16xi32>
    %swap3A_407 = arith.constant 15 : i32
    %swap3A_408 = arith.index_cast %swap3A_407 : i32 to index
    %swap3A_409 = arith.constant 0 : index
    %swap3A_410 = tpu.vector_load %arg11[%swap3A_408, %swap3A_409] {strides = array<i32>} : memref<16x16xi32, #tpu.memory_space<vmem>>, vector<16xi32>,
    tpu.vector_store %arg11[%swap3A_408, %swap3A_409], %broadcast_in_dim3A_406 {strides = array<i32>} : memref<16x16xi32, #tpu.memory_space<vmem>>, vector<16xi32>,
    %scan3A = arith.constant 0 : i32
    %scan3A_411 = arith.constant 0 : i32
    %scan3A_412 = arith.constant 1250 : i32
    %scan3A_413 = arith.addi %scan3A_411, %scan3A_412 : i32
    %scan3A_414 = arith.constant 1 : i32
    scf.for %scan3A_1052 = %scan3A_411 to %scan3A_413 step %scan3A_414  : i32 {
      %mul3A_1053 = arith.constant 16 : i32
      %mul3A_1054 = arith.muli %scan3A_1052, %mul3A_1053 : i32
      %get3A_1055 = arith.constant 0 : i32
      %get3A_1056 = arith.index_cast %get3A_1055 : i32 to index
      %get3A_1057 = arith.index_cast %mul3A_1054 : i32 to index
      %get3A_1058 = tpu.vector_load %arg7[%get3A_1056, %get3A_1057] {strides = array<i32>} : memref<4x20000xf32, #tpu.memory_space<vmem>>, vector<16xf32>,
      %get3A_1059 = arith.constant 1 : i32
      %get3A_1060 = arith.index_cast %get3A_1059 : i32 to index
      %get3A_1061 = arith.index_cast %mul3A_1054 : i32 to index
      %get3A_1062 = tpu.vector_load %arg7[%get3A_1060, %get3A_1061] {strides = array<i32>} : memref<4x20000xf32, #tpu.memory_space<vmem>>, vector<16xf32>,
      %get3A_1063 = arith.constant 2 : i32
      %get3A_1064 = arith.index_cast %get3A_1063 : i32 to index
      %get3A_1065 = arith.index_cast %mul3A_1054 : i32 to index
      %get3A_1066 = tpu.vector_load %arg7[%get3A_1064, %get3A_1065] {strides = array<i32>} : memref<4x20000xf32, #tpu.memory_space<vmem>>, vector<16xf32>,
      %get3A_1067 = arith.constant 3 : i32
      %get3A_1068 = arith.index_cast %get3A_1067 : i32 to index
      %get3A_1069 = arith.index_cast %mul3A_1054 : i32 to index
      %get3A_1070 = tpu.vector_load %arg7[%get3A_1068, %get3A_1069] {strides = array<i32>} : memref<4x20000xf32, #tpu.memory_space<vmem>>, vector<16xf32>,
      %sub3A_1071 = arith.subf %get3A_1066, %get3A_1058 : vector<16xf32>
      %sub3A_1072 = arith.subf %get3A_1070, %get3A_1062 : vector<16xf32>
      %mul3A_1073 = arith.mulf %sub3A_1071, %sub3A_1072 : vector<16xf32>
      %mul3A_1074 = arith.constant 16 : i32
      %mul3A_1075 = arith.muli %scan3A_1052, %mul3A_1074 : i32
      %add3A_1076 = vector.broadcast %mul3A_1075 : i32 to vector<16xi32>
      %add3A_1077 = arith.addi %add3A_1076, %iota3A : vector<16xi32>
      %broadcast_in_dim3A_1078 = arith.constant -1.000000e+00 : f32
      %broadcast_in_dim3A_1079 = vector.broadcast %broadcast_in_dim3A_1078 : f32 to vector<16xf32>
      %broadcast_in_dim3A_1080 = arith.constant 0 : i32
      %broadcast_in_dim3A_1081 = vector.broadcast %broadcast_in_dim3A_1080 : i32 to vector<16xi32>
      %min3A_1082 = vector.broadcast %squeeze3A_79 : f32 to vector<16xf32>
      %min3A_1083 = arith.minimumf %get3A_1066, %min3A_1082 : vector<16xf32>
      %max3A = vector.broadcast %squeeze3A : f32 to vector<16xf32>
      %max3A_1084 = arith.maximumf %get3A_1058, %max3A : vector<16xf32>
      %sub3A_1085 = arith.subf %min3A_1083, %max3A_1084 : vector<16xf32>
      %max3A_1086 = arith.constant 0.000000e+00 : f32
      %max3A_1087 = vector.broadcast %max3A_1086 : f32 to vector<16xf32>
      %max3A_1088 = arith.maximumf %sub3A_1085, %max3A_1087 : vector<16xf32>
      %min3A_1089 = vector.broadcast %squeeze3A_111 : f32 to vector<16xf32>
      %min3A_1090 = arith.minimumf %get3A_1070, %min3A_1089 : vector<16xf32>
      %max3A_1091 = vector.broadcast %squeeze3A_47 : f32 to vector<16xf32>
      %max3A_1092 = arith.maximumf %get3A_1062, %max3A_1091 : vector<16xf32>
      %sub3A_1093 = arith.subf %min3A_1090, %max3A_1092 : vector<16xf32>
      %max3A_1094 = arith.constant 0.000000e+00 : f32
      %max3A_1095 = vector.broadcast %max3A_1094 : f32 to vector<16xf32>
      %max3A_1096 = arith.maximumf %sub3A_1093, %max3A_1095 : vector<16xf32>
      %mul3A_1097 = arith.mulf %max3A_1088, %max3A_1096 : vector<16xf32>
      %add3A_1098 = vector.broadcast %add3A_145 : f32 to vector<16xf32>
      %add3A_1099 = arith.addf %mul3A_1073, %add3A_1098 : vector<16xf32>
      %sub3A_1100 = arith.subf %add3A_1099, %mul3A_1097 : vector<16xf32>
      %div3A_1101 = arith.divf %mul3A_1097, %sub3A_1100 : vector<16xf32>
      %gt3A = arith.cmpf ogt, %div3A_1101, %broadcast_in_dim3A_1079 : vector<16xf32>
      %select_n3A_1102 = arith.select %gt3A, %div3A_1101, %broadcast_in_dim3A_1079 : vector<16xi1>, vector<16xf32>
      %broadcast_in_dim3A_1103 = arith.constant 0 : i32
      %broadcast_in_dim3A_1104 = vector.broadcast %broadcast_in_dim3A_1103 : i32 to vector<16xi32>
      %select_n3A_1105 = arith.select %gt3A, %broadcast_in_dim3A_1104, %broadcast_in_dim3A_1081 : vector<16xi1>, vector<16xi32>
      %get3A_1106 = arith.constant 0 : i32
      %get3A_1107 = arith.index_cast %get3A_1106 : i32 to index
      %get3A_1108 = arith.constant 0 : index
      %get3A_1109 = tpu.vector_load %arg10[%get3A_1107, %get3A_1108] {strides = array<i32>} : memref<16x16xf32, #tpu.memory_space<vmem>>, vector<16xf32>,
      %gt3A_1110 = arith.cmpf ogt, %div3A_1101, %get3A_1109 : vector<16xf32>
      %select_n3A_1111 = arith.select %gt3A_1110, %div3A_1101, %get3A_1109 : vector<16xi1>, vector<16xf32>
      %swap3A_1112 = arith.constant 0 : i32
      %swap3A_1113 = arith.index_cast %swap3A_1112 : i32 to index
      %swap3A_1114 = arith.constant 0 : index
      %swap3A_1115 = tpu.vector_load %arg10[%swap3A_1113, %swap3A_1114] {strides = array<i32>} : memref<16x16xf32, #tpu.memory_space<vmem>>, vector<16xf32>,
      tpu.vector_store %arg10[%swap3A_1113, %swap3A_1114], %select_n3A_1111 {strides = array<i32>} : memref<16x16xf32, #tpu.memory_space<vmem>>, vector<16xf32>,
      %get3A_1116 = arith.constant 0 : i32
      %get3A_1117 = arith.index_cast %get3A_1116 : i32 to index
      %get3A_1118 = arith.constant 0 : index
      %get3A_1119 = tpu.vector_load %arg11[%get3A_1117, %get3A_1118] {strides = array<i32>} : memref<16x16xi32, #tpu.memory_space<vmem>>, vector<16xi32>,
      %select_n3A_1120 = arith.select %gt3A_1110, %add3A_1077, %get3A_1119 : vector<16xi1>, vector<16xi32>
      %swap3A_1121 = arith.constant 0 : i32
      %swap3A_1122 = arith.index_cast %swap3A_1121 : i32 to index
      %swap3A_1123 = arith.constant 0 : index
      %swap3A_1124 = tpu.vector_load %arg11[%swap3A_1122, %swap3A_1123] {strides = array<i32>} : memref<16x16xi32, #tpu.memory_space<vmem>>, vector<16xi32>,
      tpu.vector_store %arg11[%swap3A_1122, %swap3A_1123], %select_n3A_1120 {strides = array<i32>} : memref<16x16xi32, #tpu.memory_space<vmem>>, vector<16xi32>,
      %min3A_1125 = vector.broadcast %squeeze3A_81 : f32 to vector<16xf32>
      %min3A_1126 = arith.minimumf %get3A_1066, %min3A_1125 : vector<16xf32>
      %max3A_1127 = vector.broadcast %squeeze3A_17 : f32 to vector<16xf32>
      %max3A_1128 = arith.maximumf %get3A_1058, %max3A_1127 : vector<16xf32>
      %sub3A_1129 = arith.subf %min3A_1126, %max3A_1128 : vector<16xf32>
      %max3A_1130 = arith.constant 0.000000e+00 : f32
      %max3A_1131 = vector.broadcast %max3A_1130 : f32 to vector<16xf32>
      %max3A_1132 = arith.maximumf %sub3A_1129, %max3A_1131 : vector<16xf32>
      %min3A_1133 = vector.broadcast %squeeze3A_113 : f32 to vector<16xf32>
      %min3A_1134 = arith.minimumf %get3A_1070, %min3A_1133 : vector<16xf32>
      %max3A_1135 = vector.broadcast %squeeze3A_49 : f32 to vector<16xf32>
      %max3A_1136 = arith.maximumf %get3A_1062, %max3A_1135 : vector<16xf32>
      %sub3A_1137 = arith.subf %min3A_1134, %max3A_1136 : vector<16xf32>
      %max3A_1138 = arith.constant 0.000000e+00 : f32
      %max3A_1139 = vector.broadcast %max3A_1138 : f32 to vector<16xf32>
      %max3A_1140 = arith.maximumf %sub3A_1137, %max3A_1139 : vector<16xf32>
      %mul3A_1141 = arith.mulf %max3A_1132, %max3A_1140 : vector<16xf32>
      %add3A_1142 = vector.broadcast %add3A_150 : f32 to vector<16xf32>
      %add3A_1143 = arith.addf %mul3A_1073, %add3A_1142 : vector<16xf32>
      %sub3A_1144 = arith.subf %add3A_1143, %mul3A_1141 : vector<16xf32>
      %div3A_1145 = arith.divf %mul3A_1141, %sub3A_1144 : vector<16xf32>
      %gt3A_1146 = arith.cmpf ogt, %div3A_1145, %select_n3A_1102 : vector<16xf32>
      %select_n3A_1147 = arith.select %gt3A_1146, %div3A_1145, %select_n3A_1102 : vector<16xi1>, vector<16xf32>
      %broadcast_in_dim3A_1148 = arith.constant 1 : i32
      %broadcast_in_dim3A_1149 = vector.broadcast %broadcast_in_dim3A_1148 : i32 to vector<16xi32>
      %select_n3A_1150 = arith.select %gt3A_1146, %broadcast_in_dim3A_1149, %select_n3A_1105 : vector<16xi1>, vector<16xi32>
      %get3A_1151 = arith.constant 1 : i32
      %get3A_1152 = arith.index_cast %get3A_1151 : i32 to index
      %get3A_1153 = arith.constant 0 : index
      %get3A_1154 = tpu.vector_load %arg10[%get3A_1152, %get3A_1153] {strides = array<i32>} : memref<16x16xf32, #tpu.memory_space<vmem>>, vector<16xf32>,
      %gt3A_1155 = arith.cmpf ogt, %div3A_1145, %get3A_1154 : vector<16xf32>
      %select_n3A_1156 = arith.select %gt3A_1155, %div3A_1145, %get3A_1154 : vector<16xi1>, vector<16xf32>
      %swap3A_1157 = arith.constant 1 : i32
      %swap3A_1158 = arith.index_cast %swap3A_1157 : i32 to index
      %swap3A_1159 = arith.constant 0 : index
      %swap3A_1160 = tpu.vector_load %arg10[%swap3A_1158, %swap3A_1159] {strides = array<i32>} : memref<16x16xf32, #tpu.memory_space<vmem>>, vector<16xf32>,
      tpu.vector_store %arg10[%swap3A_1158, %swap3A_1159], %select_n3A_1156 {strides = array<i32>} : memref<16x16xf32, #tpu.memory_space<vmem>>, vector<16xf32>,
      %get3A_1161 = arith.constant 1 : i32
      %get3A_1162 = arith.index_cast %get3A_1161 : i32 to index
      %get3A_1163 = arith.constant 0 : index
      %get3A_1164 = tpu.vector_load %arg11[%get3A_1162, %get3A_1163] {strides = array<i32>} : memref<16x16xi32, #tpu.memory_space<vmem>>, vector<16xi32>,
      %select_n3A_1165 = arith.select %gt3A_1155, %add3A_1077, %get3A_1164 : vector<16xi1>, vector<16xi32>
      %swap3A_1166 = arith.constant 1 : i32
      %swap3A_1167 = arith.index_cast %swap3A_1166 : i32 to index
      %swap3A_1168 = arith.constant 0 : index
      %swap3A_1169 = tpu.vector_load %arg11[%swap3A_1167, %swap3A_1168] {strides = array<i32>} : memref<16x16xi32, #tpu.memory_space<vmem>>, vector<16xi32>,
      tpu.vector_store %arg11[%swap3A_1167, %swap3A_1168], %select_n3A_1165 {strides = array<i32>} : memref<16x16xi32, #tpu.memory_space<vmem>>, vector<16xi32>,
      %min3A_1170 = vector.broadcast %squeeze3A_83 : f32 to vector<16xf32>
      %min3A_1171 = arith.minimumf %get3A_1066, %min3A_1170 : vector<16xf32>
      %max3A_1172 = vector.broadcast %squeeze3A_19 : f32 to vector<16xf32>
      %max3A_1173 = arith.maximumf %get3A_1058, %max3A_1172 : vector<16xf32>
      %sub3A_1174 = arith.subf %min3A_1171, %max3A_1173 : vector<16xf32>
      %max3A_1175 = arith.constant 0.000000e+00 : f32
      %max3A_1176 = vector.broadcast %max3A_1175 : f32 to vector<16xf32>
      %max3A_1177 = arith.maximumf %sub3A_1174, %max3A_1176 : vector<16xf32>
      %min3A_1178 = vector.broadcast %squeeze3A_115 : f32 to vector<16xf32>
      %min3A_1179 = arith.minimumf %get3A_1070, %min3A_1178 : vector<16xf32>
      %max3A_1180 = vector.broadcast %squeeze3A_51 : f32 to vector<16xf32>
      %max3A_1181 = arith.maximumf %get3A_1062, %max3A_1180 : vector<16xf32>
      %sub3A_1182 = arith.subf %min3A_1179, %max3A_1181 : vector<16xf32>
      %max3A_1183 = arith.constant 0.000000e+00 : f32
      %max3A_1184 = vector.broadcast %max3A_1183 : f32 to vector<16xf32>
      %max3A_1185 = arith.maximumf %sub3A_1182, %max3A_1184 : vector<16xf32>
      %mul3A_1186 = arith.mulf %max3A_1177, %max3A_1185 : vector<16xf32>
      %add3A_1187 = vector.broadcast %add3A_155 : f32 to vector<16xf32>
      %add3A_1188 = arith.addf %mul3A_1073, %add3A_1187 : vector<16xf32>
      %sub3A_1189 = arith.subf %add3A_1188, %mul3A_1186 : vector<16xf32>
      %div3A_1190 = arith.divf %mul3A_1186, %sub3A_1189 : vector<16xf32>
      %gt3A_1191 = arith.cmpf ogt, %div3A_1190, %select_n3A_1147 : vector<16xf32>
      %select_n3A_1192 = arith.select %gt3A_1191, %div3A_1190, %select_n3A_1147 : vector<16xi1>, vector<16xf32>
      %broadcast_in_dim3A_1193 = arith.constant 2 : i32
      %broadcast_in_dim3A_1194 = vector.broadcast %broadcast_in_dim3A_1193 : i32 to vector<16xi32>
      %select_n3A_1195 = arith.select %gt3A_1191, %broadcast_in_dim3A_1194, %select_n3A_1150 : vector<16xi1>, vector<16xi32>
      %get3A_1196 = arith.constant 2 : i32
      %get3A_1197 = arith.index_cast %get3A_1196 : i32 to index
      %get3A_1198 = arith.constant 0 : index
      %get3A_1199 = tpu.vector_load %arg10[%get3A_1197, %get3A_1198] {strides = array<i32>} : memref<16x16xf32, #tpu.memory_space<vmem>>, vector<16xf32>,
      %gt3A_1200 = arith.cmpf ogt, %div3A_1190, %get3A_1199 : vector<16xf32>
      %select_n3A_1201 = arith.select %gt3A_1200, %div3A_1190, %get3A_1199 : vector<16xi1>, vector<16xf32>
      %swap3A_1202 = arith.constant 2 : i32
      %swap3A_1203 = arith.index_cast %swap3A_1202 : i32 to index
      %swap3A_1204 = arith.constant 0 : index
      %swap3A_1205 = tpu.vector_load %arg10[%swap3A_1203, %swap3A_1204] {strides = array<i32>} : memref<16x16xf32, #tpu.memory_space<vmem>>, vector<16xf32>,
      tpu.vector_store %arg10[%swap3A_1203, %swap3A_1204], %select_n3A_1201 {strides = array<i32>} : memref<16x16xf32, #tpu.memory_space<vmem>>, vector<16xf32>,
      %get3A_1206 = arith.constant 2 : i32
      %get3A_1207 = arith.index_cast %get3A_1206 : i32 to index
      %get3A_1208 = arith.constant 0 : index
      %get3A_1209 = tpu.vector_load %arg11[%get3A_1207, %get3A_1208] {strides = array<i32>} : memref<16x16xi32, #tpu.memory_space<vmem>>, vector<16xi32>,
      %select_n3A_1210 = arith.select %gt3A_1200, %add3A_1077, %get3A_1209 : vector<16xi1>, vector<16xi32>
      %swap3A_1211 = arith.constant 2 : i32
      %swap3A_1212 = arith.index_cast %swap3A_1211 : i32 to index
      %swap3A_1213 = arith.constant 0 : index
      %swap3A_1214 = tpu.vector_load %arg11[%swap3A_1212, %swap3A_1213] {strides = array<i32>} : memref<16x16xi32, #tpu.memory_space<vmem>>, vector<16xi32>,
      tpu.vector_store %arg11[%swap3A_1212, %swap3A_1213], %select_n3A_1210 {strides = array<i32>} : memref<16x16xi32, #tpu.memory_space<vmem>>, vector<16xi32>,
      %min3A_1215 = vector.broadcast %squeeze3A_85 : f32 to vector<16xf32>
      %min3A_1216 = arith.minimumf %get3A_1066, %min3A_1215 : vector<16xf32>
      %max3A_1217 = vector.broadcast %squeeze3A_21 : f32 to vector<16xf32>
      %max3A_1218 = arith.maximumf %get3A_1058, %max3A_1217 : vector<16xf32>
      %sub3A_1219 = arith.subf %min3A_1216, %max3A_1218 : vector<16xf32>
      %max3A_1220 = arith.constant 0.000000e+00 : f32
      %max3A_1221 = vector.broadcast %max3A_1220 : f32 to vector<16xf32>
      %max3A_1222 = arith.maximumf %sub3A_1219, %max3A_1221 : vector<16xf32>
      %min3A_1223 = vector.broadcast %squeeze3A_117 : f32 to vector<16xf32>
      %min3A_1224 = arith.minimumf %get3A_1070, %min3A_1223 : vector<16xf32>
      %max3A_1225 = vector.broadcast %squeeze3A_53 : f32 to vector<16xf32>
      %max3A_1226 = arith.maximumf %get3A_1062, %max3A_1225 : vector<16xf32>
      %sub3A_1227 = arith.subf %min3A_1224, %max3A_1226 : vector<16xf32>
      %max3A_1228 = arith.constant 0.000000e+00 : f32
      %max3A_1229 = vector.broadcast %max3A_1228 : f32 to vector<16xf32>
      %max3A_1230 = arith.maximumf %sub3A_1227, %max3A_1229 : vector<16xf32>
      %mul3A_1231 = arith.mulf %max3A_1222, %max3A_1230 : vector<16xf32>
      %add3A_1232 = vector.broadcast %add3A_160 : f32 to vector<16xf32>
      %add3A_1233 = arith.addf %mul3A_1073, %add3A_1232 : vector<16xf32>
      %sub3A_1234 = arith.subf %add3A_1233, %mul3A_1231 : vector<16xf32>
      %div3A_1235 = arith.divf %mul3A_1231, %sub3A_1234 : vector<16xf32>
      %gt3A_1236 = arith.cmpf ogt, %div3A_1235, %select_n3A_1192 : vector<16xf32>
      %select_n3A_1237 = arith.select %gt3A_1236, %div3A_1235, %select_n3A_1192 : vector<16xi1>, vector<16xf32>
      %broadcast_in_dim3A_1238 = arith.constant 3 : i32
      %broadcast_in_dim3A_1239 = vector.broadcast %broadcast_in_dim3A_1238 : i32 to vector<16xi32>
      %select_n3A_1240 = arith.select %gt3A_1236, %broadcast_in_dim3A_1239, %select_n3A_1195 : vector<16xi1>, vector<16xi32>
      %get3A_1241 = arith.constant 3 : i32
      %get3A_1242 = arith.index_cast %get3A_1241 : i32 to index
      %get3A_1243 = arith.constant 0 : index
      %get3A_1244 = tpu.vector_load %arg10[%get3A_1242, %get3A_1243] {strides = array<i32>} : memref<16x16xf32, #tpu.memory_space<vmem>>, vector<16xf32>,
      %gt3A_1245 = arith.cmpf ogt, %div3A_1235, %get3A_1244 : vector<16xf32>
      %select_n3A_1246 = arith.select %gt3A_1245, %div3A_1235, %get3A_1244 : vector<16xi1>, vector<16xf32>
      %swap3A_1247 = arith.constant 3 : i32
      %swap3A_1248 = arith.index_cast %swap3A_1247 : i32 to index
      %swap3A_1249 = arith.constant 0 : index
      %swap3A_1250 = tpu.vector_load %arg10[%swap3A_1248, %swap3A_1249] {strides = array<i32>} : memref<16x16xf32, #tpu.memory_space<vmem>>, vector<16xf32>,
      tpu.vector_store %arg10[%swap3A_1248, %swap3A_1249], %select_n3A_1246 {strides = array<i32>} : memref<16x16xf32, #tpu.memory_space<vmem>>, vector<16xf32>,
      %get3A_1251 = arith.constant 3 : i32
      %get3A_1252 = arith.index_cast %get3A_1251 : i32 to index
      %get3A_1253 = arith.constant 0 : index
      %get3A_1254 = tpu.vector_load %arg11[%get3A_1252, %get3A_1253] {strides = array<i32>} : memref<16x16xi32, #tpu.memory_space<vmem>>, vector<16xi32>,
      %select_n3A_1255 = arith.select %gt3A_1245, %add3A_1077, %get3A_1254 : vector<16xi1>, vector<16xi32>
      %swap3A_1256 = arith.constant 3 : i32
      %swap3A_1257 = arith.index_cast %swap3A_1256 : i32 to index
      %swap3A_1258 = arith.constant 0 : index
      %swap3A_1259 = tpu.vector_load %arg11[%swap3A_1257, %swap3A_1258] {strides = array<i32>} : memref<16x16xi32, #tpu.memory_space<vmem>>, vector<16xi32>,
      tpu.vector_store %arg11[%swap3A_1257, %swap3A_1258], %select_n3A_1255 {strides = array<i32>} : memref<16x16xi32, #tpu.memory_space<vmem>>, vector<16xi32>,
      %min3A_1260 = vector.broadcast %squeeze3A_87 : f32 to vector<16xf32>
      %min3A_1261 = arith.minimumf %get3A_1066, %min3A_1260 : vector<16xf32>
      %max3A_1262 = vector.broadcast %squeeze3A_23 : f32 to vector<16xf32>
      %max3A_1263 = arith.maximumf %get3A_1058, %max3A_1262 : vector<16xf32>
      %sub3A_1264 = arith.subf %min3A_1261, %max3A_1263 : vector<16xf32>
      %max3A_1265 = arith.constant 0.000000e+00 : f32
      %max3A_1266 = vector.broadcast %max3A_1265 : f32 to vector<16xf32>
      %max3A_1267 = arith.maximumf %sub3A_1264, %max3A_1266 : vector<16xf32>
      %min3A_1268 = vector.broadcast %squeeze3A_119 : f32 to vector<16xf32>
      %min3A_1269 = arith.minimumf %get3A_1070, %min3A_1268 : vector<16xf32>
      %max3A_1270 = vector.broadcast %squeeze3A_55 : f32 to vector<16xf32>
      %max3A_1271 = arith.maximumf %get3A_1062, %max3A_1270 : vector<16xf32>
      %sub3A_1272 = arith.subf %min3A_1269, %max3A_1271 : vector<16xf32>
      %max3A_1273 = arith.constant 0.000000e+00 : f32
      %max3A_1274 = vector.broadcast %max3A_1273 : f32 to vector<16xf32>
      %max3A_1275 = arith.maximumf %sub3A_1272, %max3A_1274 : vector<16xf32>
      %mul3A_1276 = arith.mulf %max3A_1267, %max3A_1275 : vector<16xf32>
      %add3A_1277 = vector.broadcast %add3A_165 : f32 to vector<16xf32>
      %add3A_1278 = arith.addf %mul3A_1073, %add3A_1277 : vector<16xf32>
      %sub3A_1279 = arith.subf %add3A_1278, %mul3A_1276 : vector<16xf32>
      %div3A_1280 = arith.divf %mul3A_1276, %sub3A_1279 : vector<16xf32>
      %gt3A_1281 = arith.cmpf ogt, %div3A_1280, %select_n3A_1237 : vector<16xf32>
      %select_n3A_1282 = arith.select %gt3A_1281, %div3A_1280, %select_n3A_1237 : vector<16xi1>, vector<16xf32>
      %broadcast_in_dim3A_1283 = arith.constant 4 : i32
      %broadcast_in_dim3A_1284 = vector.broadcast %broadcast_in_dim3A_1283 : i32 to vector<16xi32>
      %select_n3A_1285 = arith.select %gt3A_1281, %broadcast_in_dim3A_1284, %select_n3A_1240 : vector<16xi1>, vector<16xi32>
      %get3A_1286 = arith.constant 4 : i32
      %get3A_1287 = arith.index_cast %get3A_1286 : i32 to index
      %get3A_1288 = arith.constant 0 : index
      %get3A_1289 = tpu.vector_load %arg10[%get3A_1287, %get3A_1288] {strides = array<i32>} : memref<16x16xf32, #tpu.memory_space<vmem>>, vector<16xf32>,
      %gt3A_1290 = arith.cmpf ogt, %div3A_1280, %get3A_1289 : vector<16xf32>
      %select_n3A_1291 = arith.select %gt3A_1290, %div3A_1280, %get3A_1289 : vector<16xi1>, vector<16xf32>
      %swap3A_1292 = arith.constant 4 : i32
      %swap3A_1293 = arith.index_cast %swap3A_1292 : i32 to index
      %swap3A_1294 = arith.constant 0 : index
      %swap3A_1295 = tpu.vector_load %arg10[%swap3A_1293, %swap3A_1294] {strides = array<i32>} : memref<16x16xf32, #tpu.memory_space<vmem>>, vector<16xf32>,
      tpu.vector_store %arg10[%swap3A_1293, %swap3A_1294], %select_n3A_1291 {strides = array<i32>} : memref<16x16xf32, #tpu.memory_space<vmem>>, vector<16xf32>,
      %get3A_1296 = arith.constant 4 : i32
      %get3A_1297 = arith.index_cast %get3A_1296 : i32 to index
      %get3A_1298 = arith.constant 0 : index
      %get3A_1299 = tpu.vector_load %arg11[%get3A_1297, %get3A_1298] {strides = array<i32>} : memref<16x16xi32, #tpu.memory_space<vmem>>, vector<16xi32>,
      %select_n3A_1300 = arith.select %gt3A_1290, %add3A_1077, %get3A_1299 : vector<16xi1>, vector<16xi32>
      %swap3A_1301 = arith.constant 4 : i32
      %swap3A_1302 = arith.index_cast %swap3A_1301 : i32 to index
      %swap3A_1303 = arith.constant 0 : index
      %swap3A_1304 = tpu.vector_load %arg11[%swap3A_1302, %swap3A_1303] {strides = array<i32>} : memref<16x16xi32, #tpu.memory_space<vmem>>, vector<16xi32>,
      tpu.vector_store %arg11[%swap3A_1302, %swap3A_1303], %select_n3A_1300 {strides = array<i32>} : memref<16x16xi32, #tpu.memory_space<vmem>>, vector<16xi32>,
      %min3A_1305 = vector.broadcast %squeeze3A_89 : f32 to vector<16xf32>
      %min3A_1306 = arith.minimumf %get3A_1066, %min3A_1305 : vector<16xf32>
      %max3A_1307 = vector.broadcast %squeeze3A_25 : f32 to vector<16xf32>
      %max3A_1308 = arith.maximumf %get3A_1058, %max3A_1307 : vector<16xf32>
      %sub3A_1309 = arith.subf %min3A_1306, %max3A_1308 : vector<16xf32>
      %max3A_1310 = arith.constant 0.000000e+00 : f32
      %max3A_1311 = vector.broadcast %max3A_1310 : f32 to vector<16xf32>
      %max3A_1312 = arith.maximumf %sub3A_1309, %max3A_1311 : vector<16xf32>
      %min3A_1313 = vector.broadcast %squeeze3A_121 : f32 to vector<16xf32>
      %min3A_1314 = arith.minimumf %get3A_1070, %min3A_1313 : vector<16xf32>
      %max3A_1315 = vector.broadcast %squeeze3A_57 : f32 to vector<16xf32>
      %max3A_1316 = arith.maximumf %get3A_1062, %max3A_1315 : vector<16xf32>
      %sub3A_1317 = arith.subf %min3A_1314, %max3A_1316 : vector<16xf32>
      %max3A_1318 = arith.constant 0.000000e+00 : f32
      %max3A_1319 = vector.broadcast %max3A_1318 : f32 to vector<16xf32>
      %max3A_1320 = arith.maximumf %sub3A_1317, %max3A_1319 : vector<16xf32>
      %mul3A_1321 = arith.mulf %max3A_1312, %max3A_1320 : vector<16xf32>
      %add3A_1322 = vector.broadcast %add3A_170 : f32 to vector<16xf32>
      %add3A_1323 = arith.addf %mul3A_1073, %add3A_1322 : vector<16xf32>
      %sub3A_1324 = arith.subf %add3A_1323, %mul3A_1321 : vector<16xf32>
      %div3A_1325 = arith.divf %mul3A_1321, %sub3A_1324 : vector<16xf32>
      %gt3A_1326 = arith.cmpf ogt, %div3A_1325, %select_n3A_1282 : vector<16xf32>
      %select_n3A_1327 = arith.select %gt3A_1326, %div3A_1325, %select_n3A_1282 : vector<16xi1>, vector<16xf32>
      %broadcast_in_dim3A_1328 = arith.constant 5 : i32
      %broadcast_in_dim3A_1329 = vector.broadcast %broadcast_in_dim3A_1328 : i32 to vector<16xi32>
      %select_n3A_1330 = arith.select %gt3A_1326, %broadcast_in_dim3A_1329, %select_n3A_1285 : vector<16xi1>, vector<16xi32>
      %get3A_1331 = arith.constant 5 : i32
      %get3A_1332 = arith.index_cast %get3A_1331 : i32 to index
      %get3A_1333 = arith.constant 0 : index
      %get3A_1334 = tpu.vector_load %arg10[%get3A_1332, %get3A_1333] {strides = array<i32>} : memref<16x16xf32, #tpu.memory_space<vmem>>, vector<16xf32>,
      %gt3A_1335 = arith.cmpf ogt, %div3A_1325, %get3A_1334 : vector<16xf32>
      %select_n3A_1336 = arith.select %gt3A_1335, %div3A_1325, %get3A_1334 : vector<16xi1>, vector<16xf32>
      %swap3A_1337 = arith.constant 5 : i32
      %swap3A_1338 = arith.index_cast %swap3A_1337 : i32 to index
      %swap3A_1339 = arith.constant 0 : index
      %swap3A_1340 = tpu.vector_load %arg10[%swap3A_1338, %swap3A_1339] {strides = array<i32>} : memref<16x16xf32, #tpu.memory_space<vmem>>, vector<16xf32>,
      tpu.vector_store %arg10[%swap3A_1338, %swap3A_1339], %select_n3A_1336 {strides = array<i32>} : memref<16x16xf32, #tpu.memory_space<vmem>>, vector<16xf32>,
      %get3A_1341 = arith.constant 5 : i32
      %get3A_1342 = arith.index_cast %get3A_1341 : i32 to index
      %get3A_1343 = arith.constant 0 : index
      %get3A_1344 = tpu.vector_load %arg11[%get3A_1342, %get3A_1343] {strides = array<i32>} : memref<16x16xi32, #tpu.memory_space<vmem>>, vector<16xi32>,
      %select_n3A_1345 = arith.select %gt3A_1335, %add3A_1077, %get3A_1344 : vector<16xi1>, vector<16xi32>
      %swap3A_1346 = arith.constant 5 : i32
      %swap3A_1347 = arith.index_cast %swap3A_1346 : i32 to index
      %swap3A_1348 = arith.constant 0 : index
      %swap3A_1349 = tpu.vector_load %arg11[%swap3A_1347, %swap3A_1348] {strides = array<i32>} : memref<16x16xi32, #tpu.memory_space<vmem>>, vector<16xi32>,
      tpu.vector_store %arg11[%swap3A_1347, %swap3A_1348], %select_n3A_1345 {strides = array<i32>} : memref<16x16xi32, #tpu.memory_space<vmem>>, vector<16xi32>,
      %min3A_1350 = vector.broadcast %squeeze3A_91 : f32 to vector<16xf32>
      %min3A_1351 = arith.minimumf %get3A_1066, %min3A_1350 : vector<16xf32>
      %max3A_1352 = vector.broadcast %squeeze3A_27 : f32 to vector<16xf32>
      %max3A_1353 = arith.maximumf %get3A_1058, %max3A_1352 : vector<16xf32>
      %sub3A_1354 = arith.subf %min3A_1351, %max3A_1353 : vector<16xf32>
      %max3A_1355 = arith.constant 0.000000e+00 : f32
      %max3A_1356 = vector.broadcast %max3A_1355 : f32 to vector<16xf32>
      %max3A_1357 = arith.maximumf %sub3A_1354, %max3A_1356 : vector<16xf32>
      %min3A_1358 = vector.broadcast %squeeze3A_123 : f32 to vector<16xf32>
      %min3A_1359 = arith.minimumf %get3A_1070, %min3A_1358 : vector<16xf32>
      %max3A_1360 = vector.broadcast %squeeze3A_59 : f32 to vector<16xf32>
      %max3A_1361 = arith.maximumf %get3A_1062, %max3A_1360 : vector<16xf32>
      %sub3A_1362 = arith.subf %min3A_1359, %max3A_1361 : vector<16xf32>
      %max3A_1363 = arith.constant 0.000000e+00 : f32
      %max3A_1364 = vector.broadcast %max3A_1363 : f32 to vector<16xf32>
      %max3A_1365 = arith.maximumf %sub3A_1362, %max3A_1364 : vector<16xf32>
      %mul3A_1366 = arith.mulf %max3A_1357, %max3A_1365 : vector<16xf32>
      %add3A_1367 = vector.broadcast %add3A_175 : f32 to vector<16xf32>
      %add3A_1368 = arith.addf %mul3A_1073, %add3A_1367 : vector<16xf32>
      %sub3A_1369 = arith.subf %add3A_1368, %mul3A_1366 : vector<16xf32>
      %div3A_1370 = arith.divf %mul3A_1366, %sub3A_1369 : vector<16xf32>
      %gt3A_1371 = arith.cmpf ogt, %div3A_1370, %select_n3A_1327 : vector<16xf32>
      %select_n3A_1372 = arith.select %gt3A_1371, %div3A_1370, %select_n3A_1327 : vector<16xi1>, vector<16xf32>
      %broadcast_in_dim3A_1373 = arith.constant 6 : i32
      %broadcast_in_dim3A_1374 = vector.broadcast %broadcast_in_dim3A_1373 : i32 to vector<16xi32>
      %select_n3A_1375 = arith.select %gt3A_1371, %broadcast_in_dim3A_1374, %select_n3A_1330 : vector<16xi1>, vector<16xi32>
      %get3A_1376 = arith.constant 6 : i32
      %get3A_1377 = arith.index_cast %get3A_1376 : i32 to index
      %get3A_1378 = arith.constant 0 : index
      %get3A_1379 = tpu.vector_load %arg10[%get3A_1377, %get3A_1378] {strides = array<i32>} : memref<16x16xf32, #tpu.memory_space<vmem>>, vector<16xf32>,
      %gt3A_1380 = arith.cmpf ogt, %div3A_1370, %get3A_1379 : vector<16xf32>
      %select_n3A_1381 = arith.select %gt3A_1380, %div3A_1370, %get3A_1379 : vector<16xi1>, vector<16xf32>
      %swap3A_1382 = arith.constant 6 : i32
      %swap3A_1383 = arith.index_cast %swap3A_1382 : i32 to index
      %swap3A_1384 = arith.constant 0 : index
      %swap3A_1385 = tpu.vector_load %arg10[%swap3A_1383, %swap3A_1384] {strides = array<i32>} : memref<16x16xf32, #tpu.memory_space<vmem>>, vector<16xf32>,
      tpu.vector_store %arg10[%swap3A_1383, %swap3A_1384], %select_n3A_1381 {strides = array<i32>} : memref<16x16xf32, #tpu.memory_space<vmem>>, vector<16xf32>,
      %get3A_1386 = arith.constant 6 : i32
      %get3A_1387 = arith.index_cast %get3A_1386 : i32 to index
      %get3A_1388 = arith.constant 0 : index
      %get3A_1389 = tpu.vector_load %arg11[%get3A_1387, %get3A_1388] {strides = array<i32>} : memref<16x16xi32, #tpu.memory_space<vmem>>, vector<16xi32>,
      %select_n3A_1390 = arith.select %gt3A_1380, %add3A_1077, %get3A_1389 : vector<16xi1>, vector<16xi32>
      %swap3A_1391 = arith.constant 6 : i32
      %swap3A_1392 = arith.index_cast %swap3A_1391 : i32 to index
      %swap3A_1393 = arith.constant 0 : index
      %swap3A_1394 = tpu.vector_load %arg11[%swap3A_1392, %swap3A_1393] {strides = array<i32>} : memref<16x16xi32, #tpu.memory_space<vmem>>, vector<16xi32>,
      tpu.vector_store %arg11[%swap3A_1392, %swap3A_1393], %select_n3A_1390 {strides = array<i32>} : memref<16x16xi32, #tpu.memory_space<vmem>>, vector<16xi32>,
      %min3A_1395 = vector.broadcast %squeeze3A_93 : f32 to vector<16xf32>
      %min3A_1396 = arith.minimumf %get3A_1066, %min3A_1395 : vector<16xf32>
      %max3A_1397 = vector.broadcast %squeeze3A_29 : f32 to vector<16xf32>
      %max3A_1398 = arith.maximumf %get3A_1058, %max3A_1397 : vector<16xf32>
      %sub3A_1399 = arith.subf %min3A_1396, %max3A_1398 : vector<16xf32>
      %max3A_1400 = arith.constant 0.000000e+00 : f32
      %max3A_1401 = vector.broadcast %max3A_1400 : f32 to vector<16xf32>
      %max3A_1402 = arith.maximumf %sub3A_1399, %max3A_1401 : vector<16xf32>
      %min3A_1403 = vector.broadcast %squeeze3A_125 : f32 to vector<16xf32>
      %min3A_1404 = arith.minimumf %get3A_1070, %min3A_1403 : vector<16xf32>
      %max3A_1405 = vector.broadcast %squeeze3A_61 : f32 to vector<16xf32>
      %max3A_1406 = arith.maximumf %get3A_1062, %max3A_1405 : vector<16xf32>
      %sub3A_1407 = arith.subf %min3A_1404, %max3A_1406 : vector<16xf32>
      %max3A_1408 = arith.constant 0.000000e+00 : f32
      %max3A_1409 = vector.broadcast %max3A_1408 : f32 to vector<16xf32>
      %max3A_1410 = arith.maximumf %sub3A_1407, %max3A_1409 : vector<16xf32>
      %mul3A_1411 = arith.mulf %max3A_1402, %max3A_1410 : vector<16xf32>
      %add3A_1412 = vector.broadcast %add3A_180 : f32 to vector<16xf32>
      %add3A_1413 = arith.addf %mul3A_1073, %add3A_1412 : vector<16xf32>
      %sub3A_1414 = arith.subf %add3A_1413, %mul3A_1411 : vector<16xf32>
      %div3A_1415 = arith.divf %mul3A_1411, %sub3A_1414 : vector<16xf32>
      %gt3A_1416 = arith.cmpf ogt, %div3A_1415, %select_n3A_1372 : vector<16xf32>
      %select_n3A_1417 = arith.select %gt3A_1416, %div3A_1415, %select_n3A_1372 : vector<16xi1>, vector<16xf32>
      %broadcast_in_dim3A_1418 = arith.constant 7 : i32
      %broadcast_in_dim3A_1419 = vector.broadcast %broadcast_in_dim3A_1418 : i32 to vector<16xi32>
      %select_n3A_1420 = arith.select %gt3A_1416, %broadcast_in_dim3A_1419, %select_n3A_1375 : vector<16xi1>, vector<16xi32>
      %get3A_1421 = arith.constant 7 : i32
      %get3A_1422 = arith.index_cast %get3A_1421 : i32 to index
      %get3A_1423 = arith.constant 0 : index
      %get3A_1424 = tpu.vector_load %arg10[%get3A_1422, %get3A_1423] {strides = array<i32>} : memref<16x16xf32, #tpu.memory_space<vmem>>, vector<16xf32>,
      %gt3A_1425 = arith.cmpf ogt, %div3A_1415, %get3A_1424 : vector<16xf32>
      %select_n3A_1426 = arith.select %gt3A_1425, %div3A_1415, %get3A_1424 : vector<16xi1>, vector<16xf32>
      %swap3A_1427 = arith.constant 7 : i32
      %swap3A_1428 = arith.index_cast %swap3A_1427 : i32 to index
      %swap3A_1429 = arith.constant 0 : index
      %swap3A_1430 = tpu.vector_load %arg10[%swap3A_1428, %swap3A_1429] {strides = array<i32>} : memref<16x16xf32, #tpu.memory_space<vmem>>, vector<16xf32>,
      tpu.vector_store %arg10[%swap3A_1428, %swap3A_1429], %select_n3A_1426 {strides = array<i32>} : memref<16x16xf32, #tpu.memory_space<vmem>>, vector<16xf32>,
      %get3A_1431 = arith.constant 7 : i32
      %get3A_1432 = arith.index_cast %get3A_1431 : i32 to index
      %get3A_1433 = arith.constant 0 : index
      %get3A_1434 = tpu.vector_load %arg11[%get3A_1432, %get3A_1433] {strides = array<i32>} : memref<16x16xi32, #tpu.memory_space<vmem>>, vector<16xi32>,
      %select_n3A_1435 = arith.select %gt3A_1425, %add3A_1077, %get3A_1434 : vector<16xi1>, vector<16xi32>
      %swap3A_1436 = arith.constant 7 : i32
      %swap3A_1437 = arith.index_cast %swap3A_1436 : i32 to index
      %swap3A_1438 = arith.constant 0 : index
      %swap3A_1439 = tpu.vector_load %arg11[%swap3A_1437, %swap3A_1438] {strides = array<i32>} : memref<16x16xi32, #tpu.memory_space<vmem>>, vector<16xi32>,
      tpu.vector_store %arg11[%swap3A_1437, %swap3A_1438], %select_n3A_1435 {strides = array<i32>} : memref<16x16xi32, #tpu.memory_space<vmem>>, vector<16xi32>,
      %min3A_1440 = vector.broadcast %squeeze3A_95 : f32 to vector<16xf32>
      %min3A_1441 = arith.minimumf %get3A_1066, %min3A_1440 : vector<16xf32>
      %max3A_1442 = vector.broadcast %squeeze3A_31 : f32 to vector<16xf32>
      %max3A_1443 = arith.maximumf %get3A_1058, %max3A_1442 : vector<16xf32>
      %sub3A_1444 = arith.subf %min3A_1441, %max3A_1443 : vector<16xf32>
      %max3A_1445 = arith.constant 0.000000e+00 : f32
      %max3A_1446 = vector.broadcast %max3A_1445 : f32 to vector<16xf32>
      %max3A_1447 = arith.maximumf %sub3A_1444, %max3A_1446 : vector<16xf32>
      %min3A_1448 = vector.broadcast %squeeze3A_127 : f32 to vector<16xf32>
      %min3A_1449 = arith.minimumf %get3A_1070, %min3A_1448 : vector<16xf32>
      %max3A_1450 = vector.broadcast %squeeze3A_63 : f32 to vector<16xf32>
      %max3A_1451 = arith.maximumf %get3A_1062, %max3A_1450 : vector<16xf32>
      %sub3A_1452 = arith.subf %min3A_1449, %max3A_1451 : vector<16xf32>
      %max3A_1453 = arith.constant 0.000000e+00 : f32
      %max3A_1454 = vector.broadcast %max3A_1453 : f32 to vector<16xf32>
      %max3A_1455 = arith.maximumf %sub3A_1452, %max3A_1454 : vector<16xf32>
      %mul3A_1456 = arith.mulf %max3A_1447, %max3A_1455 : vector<16xf32>
      %add3A_1457 = vector.broadcast %add3A_185 : f32 to vector<16xf32>
      %add3A_1458 = arith.addf %mul3A_1073, %add3A_1457 : vector<16xf32>
      %sub3A_1459 = arith.subf %add3A_1458, %mul3A_1456 : vector<16xf32>
      %div3A_1460 = arith.divf %mul3A_1456, %sub3A_1459 : vector<16xf32>
      %gt3A_1461 = arith.cmpf ogt, %div3A_1460, %select_n3A_1417 : vector<16xf32>
      %select_n3A_1462 = arith.select %gt3A_1461, %div3A_1460, %select_n3A_1417 : vector<16xi1>, vector<16xf32>
      %broadcast_in_dim3A_1463 = arith.constant 8 : i32
      %broadcast_in_dim3A_1464 = vector.broadcast %broadcast_in_dim3A_1463 : i32 to vector<16xi32>
      %select_n3A_1465 = arith.select %gt3A_1461, %broadcast_in_dim3A_1464, %select_n3A_1420 : vector<16xi1>, vector<16xi32>
      %get3A_1466 = arith.constant 8 : i32
      %get3A_1467 = arith.index_cast %get3A_1466 : i32 to index
      %get3A_1468 = arith.constant 0 : index
      %get3A_1469 = tpu.vector_load %arg10[%get3A_1467, %get3A_1468] {strides = array<i32>} : memref<16x16xf32, #tpu.memory_space<vmem>>, vector<16xf32>,
      %gt3A_1470 = arith.cmpf ogt, %div3A_1460, %get3A_1469 : vector<16xf32>
      %select_n3A_1471 = arith.select %gt3A_1470, %div3A_1460, %get3A_1469 : vector<16xi1>, vector<16xf32>
      %swap3A_1472 = arith.constant 8 : i32
      %swap3A_1473 = arith.index_cast %swap3A_1472 : i32 to index
      %swap3A_1474 = arith.constant 0 : index
      %swap3A_1475 = tpu.vector_load %arg10[%swap3A_1473, %swap3A_1474] {strides = array<i32>} : memref<16x16xf32, #tpu.memory_space<vmem>>, vector<16xf32>,
      tpu.vector_store %arg10[%swap3A_1473, %swap3A_1474], %select_n3A_1471 {strides = array<i32>} : memref<16x16xf32, #tpu.memory_space<vmem>>, vector<16xf32>,
      %get3A_1476 = arith.constant 8 : i32
      %get3A_1477 = arith.index_cast %get3A_1476 : i32 to index
      %get3A_1478 = arith.constant 0 : index
      %get3A_1479 = tpu.vector_load %arg11[%get3A_1477, %get3A_1478] {strides = array<i32>} : memref<16x16xi32, #tpu.memory_space<vmem>>, vector<16xi32>,
      %select_n3A_1480 = arith.select %gt3A_1470, %add3A_1077, %get3A_1479 : vector<16xi1>, vector<16xi32>
      %swap3A_1481 = arith.constant 8 : i32
      %swap3A_1482 = arith.index_cast %swap3A_1481 : i32 to index
      %swap3A_1483 = arith.constant 0 : index
      %swap3A_1484 = tpu.vector_load %arg11[%swap3A_1482, %swap3A_1483] {strides = array<i32>} : memref<16x16xi32, #tpu.memory_space<vmem>>, vector<16xi32>,
      tpu.vector_store %arg11[%swap3A_1482, %swap3A_1483], %select_n3A_1480 {strides = array<i32>} : memref<16x16xi32, #tpu.memory_space<vmem>>, vector<16xi32>,
      %min3A_1485 = vector.broadcast %squeeze3A_97 : f32 to vector<16xf32>
      %min3A_1486 = arith.minimumf %get3A_1066, %min3A_1485 : vector<16xf32>
      %max3A_1487 = vector.broadcast %squeeze3A_33 : f32 to vector<16xf32>
      %max3A_1488 = arith.maximumf %get3A_1058, %max3A_1487 : vector<16xf32>
      %sub3A_1489 = arith.subf %min3A_1486, %max3A_1488 : vector<16xf32>
      %max3A_1490 = arith.constant 0.000000e+00 : f32
      %max3A_1491 = vector.broadcast %max3A_1490 : f32 to vector<16xf32>
      %max3A_1492 = arith.maximumf %sub3A_1489, %max3A_1491 : vector<16xf32>
      %min3A_1493 = vector.broadcast %squeeze3A_129 : f32 to vector<16xf32>
      %min3A_1494 = arith.minimumf %get3A_1070, %min3A_1493 : vector<16xf32>
      %max3A_1495 = vector.broadcast %squeeze3A_65 : f32 to vector<16xf32>
      %max3A_1496 = arith.maximumf %get3A_1062, %max3A_1495 : vector<16xf32>
      %sub3A_1497 = arith.subf %min3A_1494, %max3A_1496 : vector<16xf32>
      %max3A_1498 = arith.constant 0.000000e+00 : f32
      %max3A_1499 = vector.broadcast %max3A_1498 : f32 to vector<16xf32>
      %max3A_1500 = arith.maximumf %sub3A_1497, %max3A_1499 : vector<16xf32>
      %mul3A_1501 = arith.mulf %max3A_1492, %max3A_1500 : vector<16xf32>
      %add3A_1502 = vector.broadcast %add3A_190 : f32 to vector<16xf32>
      %add3A_1503 = arith.addf %mul3A_1073, %add3A_1502 : vector<16xf32>
      %sub3A_1504 = arith.subf %add3A_1503, %mul3A_1501 : vector<16xf32>
      %div3A_1505 = arith.divf %mul3A_1501, %sub3A_1504 : vector<16xf32>
      %gt3A_1506 = arith.cmpf ogt, %div3A_1505, %select_n3A_1462 : vector<16xf32>
      %select_n3A_1507 = arith.select %gt3A_1506, %div3A_1505, %select_n3A_1462 : vector<16xi1>, vector<16xf32>
      %broadcast_in_dim3A_1508 = arith.constant 9 : i32
      %broadcast_in_dim3A_1509 = vector.broadcast %broadcast_in_dim3A_1508 : i32 to vector<16xi32>
      %select_n3A_1510 = arith.select %gt3A_1506, %broadcast_in_dim3A_1509, %select_n3A_1465 : vector<16xi1>, vector<16xi32>
      %get3A_1511 = arith.constant 9 : i32
      %get3A_1512 = arith.index_cast %get3A_1511 : i32 to index
      %get3A_1513 = arith.constant 0 : index
      %get3A_1514 = tpu.vector_load %arg10[%get3A_1512, %get3A_1513] {strides = array<i32>} : memref<16x16xf32, #tpu.memory_space<vmem>>, vector<16xf32>,
      %gt3A_1515 = arith.cmpf ogt, %div3A_1505, %get3A_1514 : vector<16xf32>
      %select_n3A_1516 = arith.select %gt3A_1515, %div3A_1505, %get3A_1514 : vector<16xi1>, vector<16xf32>
      %swap3A_1517 = arith.constant 9 : i32
      %swap3A_1518 = arith.index_cast %swap3A_1517 : i32 to index
      %swap3A_1519 = arith.constant 0 : index
      %swap3A_1520 = tpu.vector_load %arg10[%swap3A_1518, %swap3A_1519] {strides = array<i32>} : memref<16x16xf32, #tpu.memory_space<vmem>>, vector<16xf32>,
      tpu.vector_store %arg10[%swap3A_1518, %swap3A_1519], %select_n3A_1516 {strides = array<i32>} : memref<16x16xf32, #tpu.memory_space<vmem>>, vector<16xf32>,
      %get3A_1521 = arith.constant 9 : i32
      %get3A_1522 = arith.index_cast %get3A_1521 : i32 to index
      %get3A_1523 = arith.constant 0 : index
      %get3A_1524 = tpu.vector_load %arg11[%get3A_1522, %get3A_1523] {strides = array<i32>} : memref<16x16xi32, #tpu.memory_space<vmem>>, vector<16xi32>,
      %select_n3A_1525 = arith.select %gt3A_1515, %add3A_1077, %get3A_1524 : vector<16xi1>, vector<16xi32>
      %swap3A_1526 = arith.constant 9 : i32
      %swap3A_1527 = arith.index_cast %swap3A_1526 : i32 to index
      %swap3A_1528 = arith.constant 0 : index
      %swap3A_1529 = tpu.vector_load %arg11[%swap3A_1527, %swap3A_1528] {strides = array<i32>} : memref<16x16xi32, #tpu.memory_space<vmem>>, vector<16xi32>,
      tpu.vector_store %arg11[%swap3A_1527, %swap3A_1528], %select_n3A_1525 {strides = array<i32>} : memref<16x16xi32, #tpu.memory_space<vmem>>, vector<16xi32>,
      %min3A_1530 = vector.broadcast %squeeze3A_99 : f32 to vector<16xf32>
      %min3A_1531 = arith.minimumf %get3A_1066, %min3A_1530 : vector<16xf32>
      %max3A_1532 = vector.broadcast %squeeze3A_35 : f32 to vector<16xf32>
      %max3A_1533 = arith.maximumf %get3A_1058, %max3A_1532 : vector<16xf32>
      %sub3A_1534 = arith.subf %min3A_1531, %max3A_1533 : vector<16xf32>
      %max3A_1535 = arith.constant 0.000000e+00 : f32
      %max3A_1536 = vector.broadcast %max3A_1535 : f32 to vector<16xf32>
      %max3A_1537 = arith.maximumf %sub3A_1534, %max3A_1536 : vector<16xf32>
      %min3A_1538 = vector.broadcast %squeeze3A_131 : f32 to vector<16xf32>
      %min3A_1539 = arith.minimumf %get3A_1070, %min3A_1538 : vector<16xf32>
      %max3A_1540 = vector.broadcast %squeeze3A_67 : f32 to vector<16xf32>
      %max3A_1541 = arith.maximumf %get3A_1062, %max3A_1540 : vector<16xf32>
      %sub3A_1542 = arith.subf %min3A_1539, %max3A_1541 : vector<16xf32>
      %max3A_1543 = arith.constant 0.000000e+00 : f32
      %max3A_1544 = vector.broadcast %max3A_1543 : f32 to vector<16xf32>
      %max3A_1545 = arith.maximumf %sub3A_1542, %max3A_1544 : vector<16xf32>
      %mul3A_1546 = arith.mulf %max3A_1537, %max3A_1545 : vector<16xf32>
      %add3A_1547 = vector.broadcast %add3A_195 : f32 to vector<16xf32>
      %add3A_1548 = arith.addf %mul3A_1073, %add3A_1547 : vector<16xf32>
      %sub3A_1549 = arith.subf %add3A_1548, %mul3A_1546 : vector<16xf32>
      %div3A_1550 = arith.divf %mul3A_1546, %sub3A_1549 : vector<16xf32>
      %gt3A_1551 = arith.cmpf ogt, %div3A_1550, %select_n3A_1507 : vector<16xf32>
      %select_n3A_1552 = arith.select %gt3A_1551, %div3A_1550, %select_n3A_1507 : vector<16xi1>, vector<16xf32>
      %broadcast_in_dim3A_1553 = arith.constant 10 : i32
      %broadcast_in_dim3A_1554 = vector.broadcast %broadcast_in_dim3A_1553 : i32 to vector<16xi32>
      %select_n3A_1555 = arith.select %gt3A_1551, %broadcast_in_dim3A_1554, %select_n3A_1510 : vector<16xi1>, vector<16xi32>
      %get3A_1556 = arith.constant 10 : i32
      %get3A_1557 = arith.index_cast %get3A_1556 : i32 to index
      %get3A_1558 = arith.constant 0 : index
      %get3A_1559 = tpu.vector_load %arg10[%get3A_1557, %get3A_1558] {strides = array<i32>} : memref<16x16xf32, #tpu.memory_space<vmem>>, vector<16xf32>,
      %gt3A_1560 = arith.cmpf ogt, %div3A_1550, %get3A_1559 : vector<16xf32>
      %select_n3A_1561 = arith.select %gt3A_1560, %div3A_1550, %get3A_1559 : vector<16xi1>, vector<16xf32>
      %swap3A_1562 = arith.constant 10 : i32
      %swap3A_1563 = arith.index_cast %swap3A_1562 : i32 to index
      %swap3A_1564 = arith.constant 0 : index
      %swap3A_1565 = tpu.vector_load %arg10[%swap3A_1563, %swap3A_1564] {strides = array<i32>} : memref<16x16xf32, #tpu.memory_space<vmem>>, vector<16xf32>,
      tpu.vector_store %arg10[%swap3A_1563, %swap3A_1564], %select_n3A_1561 {strides = array<i32>} : memref<16x16xf32, #tpu.memory_space<vmem>>, vector<16xf32>,
      %get3A_1566 = arith.constant 10 : i32
      %get3A_1567 = arith.index_cast %get3A_1566 : i32 to index
      %get3A_1568 = arith.constant 0 : index
      %get3A_1569 = tpu.vector_load %arg11[%get3A_1567, %get3A_1568] {strides = array<i32>} : memref<16x16xi32, #tpu.memory_space<vmem>>, vector<16xi32>,
      %select_n3A_1570 = arith.select %gt3A_1560, %add3A_1077, %get3A_1569 : vector<16xi1>, vector<16xi32>
      %swap3A_1571 = arith.constant 10 : i32
      %swap3A_1572 = arith.index_cast %swap3A_1571 : i32 to index
      %swap3A_1573 = arith.constant 0 : index
      %swap3A_1574 = tpu.vector_load %arg11[%swap3A_1572, %swap3A_1573] {strides = array<i32>} : memref<16x16xi32, #tpu.memory_space<vmem>>, vector<16xi32>,
      tpu.vector_store %arg11[%swap3A_1572, %swap3A_1573], %select_n3A_1570 {strides = array<i32>} : memref<16x16xi32, #tpu.memory_space<vmem>>, vector<16xi32>,
      %min3A_1575 = vector.broadcast %squeeze3A_101 : f32 to vector<16xf32>
      %min3A_1576 = arith.minimumf %get3A_1066, %min3A_1575 : vector<16xf32>
      %max3A_1577 = vector.broadcast %squeeze3A_37 : f32 to vector<16xf32>
      %max3A_1578 = arith.maximumf %get3A_1058, %max3A_1577 : vector<16xf32>
      %sub3A_1579 = arith.subf %min3A_1576, %max3A_1578 : vector<16xf32>
      %max3A_1580 = arith.constant 0.000000e+00 : f32
      %max3A_1581 = vector.broadcast %max3A_1580 : f32 to vector<16xf32>
      %max3A_1582 = arith.maximumf %sub3A_1579, %max3A_1581 : vector<16xf32>
      %min3A_1583 = vector.broadcast %squeeze3A_133 : f32 to vector<16xf32>
      %min3A_1584 = arith.minimumf %get3A_1070, %min3A_1583 : vector<16xf32>
      %max3A_1585 = vector.broadcast %squeeze3A_69 : f32 to vector<16xf32>
      %max3A_1586 = arith.maximumf %get3A_1062, %max3A_1585 : vector<16xf32>
      %sub3A_1587 = arith.subf %min3A_1584, %max3A_1586 : vector<16xf32>
      %max3A_1588 = arith.constant 0.000000e+00 : f32
      %max3A_1589 = vector.broadcast %max3A_1588 : f32 to vector<16xf32>
      %max3A_1590 = arith.maximumf %sub3A_1587, %max3A_1589 : vector<16xf32>
      %mul3A_1591 = arith.mulf %max3A_1582, %max3A_1590 : vector<16xf32>
      %add3A_1592 = vector.broadcast %add3A_200 : f32 to vector<16xf32>
      %add3A_1593 = arith.addf %mul3A_1073, %add3A_1592 : vector<16xf32>
      %sub3A_1594 = arith.subf %add3A_1593, %mul3A_1591 : vector<16xf32>
      %div3A_1595 = arith.divf %mul3A_1591, %sub3A_1594 : vector<16xf32>
      %gt3A_1596 = arith.cmpf ogt, %div3A_1595, %select_n3A_1552 : vector<16xf32>
      %select_n3A_1597 = arith.select %gt3A_1596, %div3A_1595, %select_n3A_1552 : vector<16xi1>, vector<16xf32>
      %broadcast_in_dim3A_1598 = arith.constant 11 : i32
      %broadcast_in_dim3A_1599 = vector.broadcast %broadcast_in_dim3A_1598 : i32 to vector<16xi32>
      %select_n3A_1600 = arith.select %gt3A_1596, %broadcast_in_dim3A_1599, %select_n3A_1555 : vector<16xi1>, vector<16xi32>
      %get3A_1601 = arith.constant 11 : i32
      %get3A_1602 = arith.index_cast %get3A_1601 : i32 to index
      %get3A_1603 = arith.constant 0 : index
      %get3A_1604 = tpu.vector_load %arg10[%get3A_1602, %get3A_1603] {strides = array<i32>} : memref<16x16xf32, #tpu.memory_space<vmem>>, vector<16xf32>,
      %gt3A_1605 = arith.cmpf ogt, %div3A_1595, %get3A_1604 : vector<16xf32>
      %select_n3A_1606 = arith.select %gt3A_1605, %div3A_1595, %get3A_1604 : vector<16xi1>, vector<16xf32>
      %swap3A_1607 = arith.constant 11 : i32
      %swap3A_1608 = arith.index_cast %swap3A_1607 : i32 to index
      %swap3A_1609 = arith.constant 0 : index
      %swap3A_1610 = tpu.vector_load %arg10[%swap3A_1608, %swap3A_1609] {strides = array<i32>} : memref<16x16xf32, #tpu.memory_space<vmem>>, vector<16xf32>,
      tpu.vector_store %arg10[%swap3A_1608, %swap3A_1609], %select_n3A_1606 {strides = array<i32>} : memref<16x16xf32, #tpu.memory_space<vmem>>, vector<16xf32>,
      %get3A_1611 = arith.constant 11 : i32
      %get3A_1612 = arith.index_cast %get3A_1611 : i32 to index
      %get3A_1613 = arith.constant 0 : index
      %get3A_1614 = tpu.vector_load %arg11[%get3A_1612, %get3A_1613] {strides = array<i32>} : memref<16x16xi32, #tpu.memory_space<vmem>>, vector<16xi32>,
      %select_n3A_1615 = arith.select %gt3A_1605, %add3A_1077, %get3A_1614 : vector<16xi1>, vector<16xi32>
      %swap3A_1616 = arith.constant 11 : i32
      %swap3A_1617 = arith.index_cast %swap3A_1616 : i32 to index
      %swap3A_1618 = arith.constant 0 : index
      %swap3A_1619 = tpu.vector_load %arg11[%swap3A_1617, %swap3A_1618] {strides = array<i32>} : memref<16x16xi32, #tpu.memory_space<vmem>>, vector<16xi32>,
      tpu.vector_store %arg11[%swap3A_1617, %swap3A_1618], %select_n3A_1615 {strides = array<i32>} : memref<16x16xi32, #tpu.memory_space<vmem>>, vector<16xi32>,
      %min3A_1620 = vector.broadcast %squeeze3A_103 : f32 to vector<16xf32>
      %min3A_1621 = arith.minimumf %get3A_1066, %min3A_1620 : vector<16xf32>
      %max3A_1622 = vector.broadcast %squeeze3A_39 : f32 to vector<16xf32>
      %max3A_1623 = arith.maximumf %get3A_1058, %max3A_1622 : vector<16xf32>
      %sub3A_1624 = arith.subf %min3A_1621, %max3A_1623 : vector<16xf32>
      %max3A_1625 = arith.constant 0.000000e+00 : f32
      %max3A_1626 = vector.broadcast %max3A_1625 : f32 to vector<16xf32>
      %max3A_1627 = arith.maximumf %sub3A_1624, %max3A_1626 : vector<16xf32>
      %min3A_1628 = vector.broadcast %squeeze3A_135 : f32 to vector<16xf32>
      %min3A_1629 = arith.minimumf %get3A_1070, %min3A_1628 : vector<16xf32>
      %max3A_1630 = vector.broadcast %squeeze3A_71 : f32 to vector<16xf32>
      %max3A_1631 = arith.maximumf %get3A_1062, %max3A_1630 : vector<16xf32>
      %sub3A_1632 = arith.subf %min3A_1629, %max3A_1631 : vector<16xf32>
      %max3A_1633 = arith.constant 0.000000e+00 : f32
      %max3A_1634 = vector.broadcast %max3A_1633 : f32 to vector<16xf32>
      %max3A_1635 = arith.maximumf %sub3A_1632, %max3A_1634 : vector<16xf32>
      %mul3A_1636 = arith.mulf %max3A_1627, %max3A_1635 : vector<16xf32>
      %add3A_1637 = vector.broadcast %add3A_205 : f32 to vector<16xf32>
      %add3A_1638 = arith.addf %mul3A_1073, %add3A_1637 : vector<16xf32>
      %sub3A_1639 = arith.subf %add3A_1638, %mul3A_1636 : vector<16xf32>
      %div3A_1640 = arith.divf %mul3A_1636, %sub3A_1639 : vector<16xf32>
      %gt3A_1641 = arith.cmpf ogt, %div3A_1640, %select_n3A_1597 : vector<16xf32>
      %select_n3A_1642 = arith.select %gt3A_1641, %div3A_1640, %select_n3A_1597 : vector<16xi1>, vector<16xf32>
      %broadcast_in_dim3A_1643 = arith.constant 12 : i32
      %broadcast_in_dim3A_1644 = vector.broadcast %broadcast_in_dim3A_1643 : i32 to vector<16xi32>
      %select_n3A_1645 = arith.select %gt3A_1641, %broadcast_in_dim3A_1644, %select_n3A_1600 : vector<16xi1>, vector<16xi32>
      %get3A_1646 = arith.constant 12 : i32
      %get3A_1647 = arith.index_cast %get3A_1646 : i32 to index
      %get3A_1648 = arith.constant 0 : index
      %get3A_1649 = tpu.vector_load %arg10[%get3A_1647, %get3A_1648] {strides = array<i32>} : memref<16x16xf32, #tpu.memory_space<vmem>>, vector<16xf32>,
      %gt3A_1650 = arith.cmpf ogt, %div3A_1640, %get3A_1649 : vector<16xf32>
      %select_n3A_1651 = arith.select %gt3A_1650, %div3A_1640, %get3A_1649 : vector<16xi1>, vector<16xf32>
      %swap3A_1652 = arith.constant 12 : i32
      %swap3A_1653 = arith.index_cast %swap3A_1652 : i32 to index
      %swap3A_1654 = arith.constant 0 : index
      %swap3A_1655 = tpu.vector_load %arg10[%swap3A_1653, %swap3A_1654] {strides = array<i32>} : memref<16x16xf32, #tpu.memory_space<vmem>>, vector<16xf32>,
      tpu.vector_store %arg10[%swap3A_1653, %swap3A_1654], %select_n3A_1651 {strides = array<i32>} : memref<16x16xf32, #tpu.memory_space<vmem>>, vector<16xf32>,
      %get3A_1656 = arith.constant 12 : i32
      %get3A_1657 = arith.index_cast %get3A_1656 : i32 to index
      %get3A_1658 = arith.constant 0 : index
      %get3A_1659 = tpu.vector_load %arg11[%get3A_1657, %get3A_1658] {strides = array<i32>} : memref<16x16xi32, #tpu.memory_space<vmem>>, vector<16xi32>,
      %select_n3A_1660 = arith.select %gt3A_1650, %add3A_1077, %get3A_1659 : vector<16xi1>, vector<16xi32>
      %swap3A_1661 = arith.constant 12 : i32
      %swap3A_1662 = arith.index_cast %swap3A_1661 : i32 to index
      %swap3A_1663 = arith.constant 0 : index
      %swap3A_1664 = tpu.vector_load %arg11[%swap3A_1662, %swap3A_1663] {strides = array<i32>} : memref<16x16xi32, #tpu.memory_space<vmem>>, vector<16xi32>,
      tpu.vector_store %arg11[%swap3A_1662, %swap3A_1663], %select_n3A_1660 {strides = array<i32>} : memref<16x16xi32, #tpu.memory_space<vmem>>, vector<16xi32>,
      %min3A_1665 = vector.broadcast %squeeze3A_105 : f32 to vector<16xf32>
      %min3A_1666 = arith.minimumf %get3A_1066, %min3A_1665 : vector<16xf32>
      %max3A_1667 = vector.broadcast %squeeze3A_41 : f32 to vector<16xf32>
      %max3A_1668 = arith.maximumf %get3A_1058, %max3A_1667 : vector<16xf32>
      %sub3A_1669 = arith.subf %min3A_1666, %max3A_1668 : vector<16xf32>
      %max3A_1670 = arith.constant 0.000000e+00 : f32
      %max3A_1671 = vector.broadcast %max3A_1670 : f32 to vector<16xf32>
      %max3A_1672 = arith.maximumf %sub3A_1669, %max3A_1671 : vector<16xf32>
      %min3A_1673 = vector.broadcast %squeeze3A_137 : f32 to vector<16xf32>
      %min3A_1674 = arith.minimumf %get3A_1070, %min3A_1673 : vector<16xf32>
      %max3A_1675 = vector.broadcast %squeeze3A_73 : f32 to vector<16xf32>
      %max3A_1676 = arith.maximumf %get3A_1062, %max3A_1675 : vector<16xf32>
      %sub3A_1677 = arith.subf %min3A_1674, %max3A_1676 : vector<16xf32>
      %max3A_1678 = arith.constant 0.000000e+00 : f32
      %max3A_1679 = vector.broadcast %max3A_1678 : f32 to vector<16xf32>
      %max3A_1680 = arith.maximumf %sub3A_1677, %max3A_1679 : vector<16xf32>
      %mul3A_1681 = arith.mulf %max3A_1672, %max3A_1680 : vector<16xf32>
      %add3A_1682 = vector.broadcast %add3A_210 : f32 to vector<16xf32>
      %add3A_1683 = arith.addf %mul3A_1073, %add3A_1682 : vector<16xf32>
      %sub3A_1684 = arith.subf %add3A_1683, %mul3A_1681 : vector<16xf32>
      %div3A_1685 = arith.divf %mul3A_1681, %sub3A_1684 : vector<16xf32>
      %gt3A_1686 = arith.cmpf ogt, %div3A_1685, %select_n3A_1642 : vector<16xf32>
      %select_n3A_1687 = arith.select %gt3A_1686, %div3A_1685, %select_n3A_1642 : vector<16xi1>, vector<16xf32>
      %broadcast_in_dim3A_1688 = arith.constant 13 : i32
      %broadcast_in_dim3A_1689 = vector.broadcast %broadcast_in_dim3A_1688 : i32 to vector<16xi32>
      %select_n3A_1690 = arith.select %gt3A_1686, %broadcast_in_dim3A_1689, %select_n3A_1645 : vector<16xi1>, vector<16xi32>
      %get3A_1691 = arith.constant 13 : i32
      %get3A_1692 = arith.index_cast %get3A_1691 : i32 to index
      %get3A_1693 = arith.constant 0 : index
      %get3A_1694 = tpu.vector_load %arg10[%get3A_1692, %get3A_1693] {strides = array<i32>} : memref<16x16xf32, #tpu.memory_space<vmem>>, vector<16xf32>,
      %gt3A_1695 = arith.cmpf ogt, %div3A_1685, %get3A_1694 : vector<16xf32>
      %select_n3A_1696 = arith.select %gt3A_1695, %div3A_1685, %get3A_1694 : vector<16xi1>, vector<16xf32>
      %swap3A_1697 = arith.constant 13 : i32
      %swap3A_1698 = arith.index_cast %swap3A_1697 : i32 to index
      %swap3A_1699 = arith.constant 0 : index
      %swap3A_1700 = tpu.vector_load %arg10[%swap3A_1698, %swap3A_1699] {strides = array<i32>} : memref<16x16xf32, #tpu.memory_space<vmem>>, vector<16xf32>,
      tpu.vector_store %arg10[%swap3A_1698, %swap3A_1699], %select_n3A_1696 {strides = array<i32>} : memref<16x16xf32, #tpu.memory_space<vmem>>, vector<16xf32>,
      %get3A_1701 = arith.constant 13 : i32
      %get3A_1702 = arith.index_cast %get3A_1701 : i32 to index
      %get3A_1703 = arith.constant 0 : index
      %get3A_1704 = tpu.vector_load %arg11[%get3A_1702, %get3A_1703] {strides = array<i32>} : memref<16x16xi32, #tpu.memory_space<vmem>>, vector<16xi32>,
      %select_n3A_1705 = arith.select %gt3A_1695, %add3A_1077, %get3A_1704 : vector<16xi1>, vector<16xi32>
      %swap3A_1706 = arith.constant 13 : i32
      %swap3A_1707 = arith.index_cast %swap3A_1706 : i32 to index
      %swap3A_1708 = arith.constant 0 : index
      %swap3A_1709 = tpu.vector_load %arg11[%swap3A_1707, %swap3A_1708] {strides = array<i32>} : memref<16x16xi32, #tpu.memory_space<vmem>>, vector<16xi32>,
      tpu.vector_store %arg11[%swap3A_1707, %swap3A_1708], %select_n3A_1705 {strides = array<i32>} : memref<16x16xi32, #tpu.memory_space<vmem>>, vector<16xi32>,
      %min3A_1710 = vector.broadcast %squeeze3A_107 : f32 to vector<16xf32>
      %min3A_1711 = arith.minimumf %get3A_1066, %min3A_1710 : vector<16xf32>
      %max3A_1712 = vector.broadcast %squeeze3A_43 : f32 to vector<16xf32>
      %max3A_1713 = arith.maximumf %get3A_1058, %max3A_1712 : vector<16xf32>
      %sub3A_1714 = arith.subf %min3A_1711, %max3A_1713 : vector<16xf32>
      %max3A_1715 = arith.constant 0.000000e+00 : f32
      %max3A_1716 = vector.broadcast %max3A_1715 : f32 to vector<16xf32>
      %max3A_1717 = arith.maximumf %sub3A_1714, %max3A_1716 : vector<16xf32>
      %min3A_1718 = vector.broadcast %squeeze3A_139 : f32 to vector<16xf32>
      %min3A_1719 = arith.minimumf %get3A_1070, %min3A_1718 : vector<16xf32>
      %max3A_1720 = vector.broadcast %squeeze3A_75 : f32 to vector<16xf32>
      %max3A_1721 = arith.maximumf %get3A_1062, %max3A_1720 : vector<16xf32>
      %sub3A_1722 = arith.subf %min3A_1719, %max3A_1721 : vector<16xf32>
      %max3A_1723 = arith.constant 0.000000e+00 : f32
      %max3A_1724 = vector.broadcast %max3A_1723 : f32 to vector<16xf32>
      %max3A_1725 = arith.maximumf %sub3A_1722, %max3A_1724 : vector<16xf32>
      %mul3A_1726 = arith.mulf %max3A_1717, %max3A_1725 : vector<16xf32>
      %add3A_1727 = vector.broadcast %add3A_215 : f32 to vector<16xf32>
      %add3A_1728 = arith.addf %mul3A_1073, %add3A_1727 : vector<16xf32>
      %sub3A_1729 = arith.subf %add3A_1728, %mul3A_1726 : vector<16xf32>
      %div3A_1730 = arith.divf %mul3A_1726, %sub3A_1729 : vector<16xf32>
      %gt3A_1731 = arith.cmpf ogt, %div3A_1730, %select_n3A_1687 : vector<16xf32>
      %select_n3A_1732 = arith.select %gt3A_1731, %div3A_1730, %select_n3A_1687 : vector<16xi1>, vector<16xf32>
      %broadcast_in_dim3A_1733 = arith.constant 14 : i32
      %broadcast_in_dim3A_1734 = vector.broadcast %broadcast_in_dim3A_1733 : i32 to vector<16xi32>
      %select_n3A_1735 = arith.select %gt3A_1731, %broadcast_in_dim3A_1734, %select_n3A_1690 : vector<16xi1>, vector<16xi32>
      %get3A_1736 = arith.constant 14 : i32
      %get3A_1737 = arith.index_cast %get3A_1736 : i32 to index
      %get3A_1738 = arith.constant 0 : index
      %get3A_1739 = tpu.vector_load %arg10[%get3A_1737, %get3A_1738] {strides = array<i32>} : memref<16x16xf32, #tpu.memory_space<vmem>>, vector<16xf32>,
      %gt3A_1740 = arith.cmpf ogt, %div3A_1730, %get3A_1739 : vector<16xf32>
      %select_n3A_1741 = arith.select %gt3A_1740, %div3A_1730, %get3A_1739 : vector<16xi1>, vector<16xf32>
      %swap3A_1742 = arith.constant 14 : i32
      %swap3A_1743 = arith.index_cast %swap3A_1742 : i32 to index
      %swap3A_1744 = arith.constant 0 : index
      %swap3A_1745 = tpu.vector_load %arg10[%swap3A_1743, %swap3A_1744] {strides = array<i32>} : memref<16x16xf32, #tpu.memory_space<vmem>>, vector<16xf32>,
      tpu.vector_store %arg10[%swap3A_1743, %swap3A_1744], %select_n3A_1741 {strides = array<i32>} : memref<16x16xf32, #tpu.memory_space<vmem>>, vector<16xf32>,
      %get3A_1746 = arith.constant 14 : i32
      %get3A_1747 = arith.index_cast %get3A_1746 : i32 to index
      %get3A_1748 = arith.constant 0 : index
      %get3A_1749 = tpu.vector_load %arg11[%get3A_1747, %get3A_1748] {strides = array<i32>} : memref<16x16xi32, #tpu.memory_space<vmem>>, vector<16xi32>,
      %select_n3A_1750 = arith.select %gt3A_1740, %add3A_1077, %get3A_1749 : vector<16xi1>, vector<16xi32>
      %swap3A_1751 = arith.constant 14 : i32
      %swap3A_1752 = arith.index_cast %swap3A_1751 : i32 to index
      %swap3A_1753 = arith.constant 0 : index
      %swap3A_1754 = tpu.vector_load %arg11[%swap3A_1752, %swap3A_1753] {strides = array<i32>} : memref<16x16xi32, #tpu.memory_space<vmem>>, vector<16xi32>,
      tpu.vector_store %arg11[%swap3A_1752, %swap3A_1753], %select_n3A_1750 {strides = array<i32>} : memref<16x16xi32, #tpu.memory_space<vmem>>, vector<16xi32>,
      %min3A_1755 = vector.broadcast %squeeze3A_109 : f32 to vector<16xf32>
      %min3A_1756 = arith.minimumf %get3A_1066, %min3A_1755 : vector<16xf32>
      %max3A_1757 = vector.broadcast %squeeze3A_45 : f32 to vector<16xf32>
      %max3A_1758 = arith.maximumf %get3A_1058, %max3A_1757 : vector<16xf32>
      %sub3A_1759 = arith.subf %min3A_1756, %max3A_1758 : vector<16xf32>
      %max3A_1760 = arith.constant 0.000000e+00 : f32
      %max3A_1761 = vector.broadcast %max3A_1760 : f32 to vector<16xf32>
      %max3A_1762 = arith.maximumf %sub3A_1759, %max3A_1761 : vector<16xf32>
      %min3A_1763 = vector.broadcast %squeeze3A_141 : f32 to vector<16xf32>
      %min3A_1764 = arith.minimumf %get3A_1070, %min3A_1763 : vector<16xf32>
      %max3A_1765 = vector.broadcast %squeeze3A_77 : f32 to vector<16xf32>
      %max3A_1766 = arith.maximumf %get3A_1062, %max3A_1765 : vector<16xf32>
      %sub3A_1767 = arith.subf %min3A_1764, %max3A_1766 : vector<16xf32>
      %max3A_1768 = arith.constant 0.000000e+00 : f32
      %max3A_1769 = vector.broadcast %max3A_1768 : f32 to vector<16xf32>
      %max3A_1770 = arith.maximumf %sub3A_1767, %max3A_1769 : vector<16xf32>
      %mul3A_1771 = arith.mulf %max3A_1762, %max3A_1770 : vector<16xf32>
      %add3A_1772 = vector.broadcast %add3A_220 : f32 to vector<16xf32>
      %add3A_1773 = arith.addf %mul3A_1073, %add3A_1772 : vector<16xf32>
      %sub3A_1774 = arith.subf %add3A_1773, %mul3A_1771 : vector<16xf32>
      %div3A_1775 = arith.divf %mul3A_1771, %sub3A_1774 : vector<16xf32>
      %gt3A_1776 = arith.cmpf ogt, %div3A_1775, %select_n3A_1732 : vector<16xf32>
      %select_n3A_1777 = arith.select %gt3A_1776, %div3A_1775, %select_n3A_1732 : vector<16xi1>, vector<16xf32>
      %broadcast_in_dim3A_1778 = arith.constant 15 : i32
      %broadcast_in_dim3A_1779 = vector.broadcast %broadcast_in_dim3A_1778 : i32 to vector<16xi32>
      %select_n3A_1780 = arith.select %gt3A_1776, %broadcast_in_dim3A_1779, %select_n3A_1735 : vector<16xi1>, vector<16xi32>
      %get3A_1781 = arith.constant 15 : i32
      %get3A_1782 = arith.index_cast %get3A_1781 : i32 to index
      %get3A_1783 = arith.constant 0 : index
      %get3A_1784 = tpu.vector_load %arg10[%get3A_1782, %get3A_1783] {strides = array<i32>} : memref<16x16xf32, #tpu.memory_space<vmem>>, vector<16xf32>,
      %gt3A_1785 = arith.cmpf ogt, %div3A_1775, %get3A_1784 : vector<16xf32>
      %select_n3A_1786 = arith.select %gt3A_1785, %div3A_1775, %get3A_1784 : vector<16xi1>, vector<16xf32>
      %swap3A_1787 = arith.constant 15 : i32
      %swap3A_1788 = arith.index_cast %swap3A_1787 : i32 to index
      %swap3A_1789 = arith.constant 0 : index
      %swap3A_1790 = tpu.vector_load %arg10[%swap3A_1788, %swap3A_1789] {strides = array<i32>} : memref<16x16xf32, #tpu.memory_space<vmem>>, vector<16xf32>,
      tpu.vector_store %arg10[%swap3A_1788, %swap3A_1789], %select_n3A_1786 {strides = array<i32>} : memref<16x16xf32, #tpu.memory_space<vmem>>, vector<16xf32>,
      %get3A_1791 = arith.constant 15 : i32
      %get3A_1792 = arith.index_cast %get3A_1791 : i32 to index
      %get3A_1793 = arith.constant 0 : index
      %get3A_1794 = tpu.vector_load %arg11[%get3A_1792, %get3A_1793] {strides = array<i32>} : memref<16x16xi32, #tpu.memory_space<vmem>>, vector<16xi32>,
      %select_n3A_1795 = arith.select %gt3A_1785, %add3A_1077, %get3A_1794 : vector<16xi1>, vector<16xi32>
      %swap3A_1796 = arith.constant 15 : i32
      %swap3A_1797 = arith.index_cast %swap3A_1796 : i32 to index
      %swap3A_1798 = arith.constant 0 : index
      %swap3A_1799 = tpu.vector_load %arg11[%swap3A_1797, %swap3A_1798] {strides = array<i32>} : memref<16x16xi32, #tpu.memory_space<vmem>>, vector<16xi32>,
      tpu.vector_store %arg11[%swap3A_1797, %swap3A_1798], %select_n3A_1795 {strides = array<i32>} : memref<16x16xi32, #tpu.memory_space<vmem>>, vector<16xi32>,
      %swap3A_1800 = arith.index_cast %mul3A_1054 : i32 to index
      %swap3A_1801 = tpu.vector_load %arg8[%swap3A_1800] {strides = array<i32>} : memref<20000xf32, #tpu.memory_space<vmem>>, vector<16xf32>,
      tpu.vector_store %arg8[%swap3A_1800], %select_n3A_1777 {strides = array<i32>} : memref<20000xf32, #tpu.memory_space<vmem>>, vector<16xf32>,
      %swap3A_1802 = arith.index_cast %mul3A_1054 : i32 to index
      %swap3A_1803 = tpu.vector_load %arg9[%swap3A_1802] {strides = array<i32>} : memref<20000xi32, #tpu.memory_space<vmem>>, vector<16xi32>,
      tpu.vector_store %arg9[%swap3A_1802], %select_n3A_1780 {strides = array<i32>} : memref<20000xi32, #tpu.memory_space<vmem>>, vector<16xi32>,
    }
    %scan3A_415 = arith.constant 1250 : i32
    %broadcast_in_dim3A_416 = arith.constant 0 : i32
    %broadcast_in_dim3A_417 = vector.broadcast %broadcast_in_dim3A_416 : i32 to vector<16xi32>
    %get3A_418 = arith.constant 0 : i32
    %get3A_419 = arith.index_cast %get3A_418 : i32 to index
    %get3A_420 = arith.constant 0 : index
    %get3A_421 = tpu.vector_load %arg10[%get3A_419, %get3A_420] {strides = array<i32>} : memref<16x16xf32, #tpu.memory_space<vmem>>, vector<16xf32>,
    %get3A_422 = arith.constant 0 : i32
    %get3A_423 = arith.index_cast %get3A_422 : i32 to index
    %get3A_424 = arith.constant 0 : index
    %get3A_425 = tpu.vector_load %arg11[%get3A_423, %get3A_424] {strides = array<i32>} : memref<16x16xi32, #tpu.memory_space<vmem>>, vector<16xi32>,
    %reduce_max3A = arith.constant true
    %reduce_max3A_426 = vector.broadcast %reduce_max3A : i1 to vector<16xi1>
    %reduce_max3A_427 = tpu.scan <max>, %get3A_421 masked %reduce_max3A_426 : vector<16xf32>, vector<16xi1> -> vector<16xf32>
    %reduce_max3A_428 = vector.extract %reduce_max3A_427[15] : f32 from vector<16xf32>
    %eq3A = vector.broadcast %reduce_max3A_428 : f32 to vector<16xf32>
    %eq3A_429 = arith.cmpf oeq, %get3A_421, %eq3A : vector<16xf32>
    %broadcast_in_dim3A_430 = arith.constant 20000 : i32
    %broadcast_in_dim3A_431 = vector.broadcast %broadcast_in_dim3A_430 : i32 to vector<16xi32>
    %select_n3A = arith.select %eq3A_429, %get3A_425, %broadcast_in_dim3A_431 : vector<16xi1>, vector<16xi32>
    %reduce_min3A = arith.constant true
    %reduce_min3A_432 = vector.broadcast %reduce_min3A : i1 to vector<16xi1>
    %reduce_min3A_433 = arith.constant -2147483648 : i32
    %reduce_min3A_434 = vector.broadcast %reduce_min3A_433 : i32 to vector<16xi32>
    %reduce_min3A_435 = arith.xori %select_n3A, %reduce_min3A_434 : vector<16xi32>
    %reduce_min3A_436 = tpu.scan <min>, %reduce_min3A_435 masked %reduce_min3A_432 : vector<16xi32>, vector<16xi1> -> vector<16xi32>
    %reduce_min3A_437 = arith.xori %reduce_min3A_436, %reduce_min3A_434 : vector<16xi32>
    %reduce_min3A_438 = vector.extract %reduce_min3A_437[15] : i32 from vector<16xi32>
    %eq3A_439 = arith.constant 0 : i32
    %eq3A_440 = vector.broadcast %eq3A_439 : i32 to vector<16xi32>
    %eq3A_441 = arith.cmpi eq, %iota3A, %eq3A_440 : vector<16xi32>
    %broadcast_in_dim3A_442 = vector.broadcast %reduce_min3A_438 : i32 to vector<16xi32>
    %select_n3A_443 = arith.select %eq3A_441, %broadcast_in_dim3A_442, %broadcast_in_dim3A_417 : vector<16xi1>, vector<16xi32>
    %get3A_444 = arith.constant 1 : i32
    %get3A_445 = arith.index_cast %get3A_444 : i32 to index
    %get3A_446 = arith.constant 0 : index
    %get3A_447 = tpu.vector_load %arg10[%get3A_445, %get3A_446] {strides = array<i32>} : memref<16x16xf32, #tpu.memory_space<vmem>>, vector<16xf32>,
    %get3A_448 = arith.constant 1 : i32
    %get3A_449 = arith.index_cast %get3A_448 : i32 to index
    %get3A_450 = arith.constant 0 : index
    %get3A_451 = tpu.vector_load %arg11[%get3A_449, %get3A_450] {strides = array<i32>} : memref<16x16xi32, #tpu.memory_space<vmem>>, vector<16xi32>,
    %reduce_max3A_452 = arith.constant true
    %reduce_max3A_453 = vector.broadcast %reduce_max3A_452 : i1 to vector<16xi1>
    %reduce_max3A_454 = tpu.scan <max>, %get3A_447 masked %reduce_max3A_453 : vector<16xf32>, vector<16xi1> -> vector<16xf32>
    %reduce_max3A_455 = vector.extract %reduce_max3A_454[15] : f32 from vector<16xf32>
    %eq3A_456 = vector.broadcast %reduce_max3A_455 : f32 to vector<16xf32>
    %eq3A_457 = arith.cmpf oeq, %get3A_447, %eq3A_456 : vector<16xf32>
    %broadcast_in_dim3A_458 = arith.constant 20000 : i32
    %broadcast_in_dim3A_459 = vector.broadcast %broadcast_in_dim3A_458 : i32 to vector<16xi32>
    %select_n3A_460 = arith.select %eq3A_457, %get3A_451, %broadcast_in_dim3A_459 : vector<16xi1>, vector<16xi32>
    %reduce_min3A_461 = arith.constant true
    %reduce_min3A_462 = vector.broadcast %reduce_min3A_461 : i1 to vector<16xi1>
    %reduce_min3A_463 = arith.constant -2147483648 : i32
    %reduce_min3A_464 = vector.broadcast %reduce_min3A_463 : i32 to vector<16xi32>
    %reduce_min3A_465 = arith.xori %select_n3A_460, %reduce_min3A_464 : vector<16xi32>
    %reduce_min3A_466 = tpu.scan <min>, %reduce_min3A_465 masked %reduce_min3A_462 : vector<16xi32>, vector<16xi1> -> vector<16xi32>
    %reduce_min3A_467 = arith.xori %reduce_min3A_466, %reduce_min3A_464 : vector<16xi32>
    %reduce_min3A_468 = vector.extract %reduce_min3A_467[15] : i32 from vector<16xi32>
    %eq3A_469 = arith.constant 1 : i32
    %eq3A_470 = vector.broadcast %eq3A_469 : i32 to vector<16xi32>
    %eq3A_471 = arith.cmpi eq, %iota3A, %eq3A_470 : vector<16xi32>
    %broadcast_in_dim3A_472 = vector.broadcast %reduce_min3A_468 : i32 to vector<16xi32>
    %select_n3A_473 = arith.select %eq3A_471, %broadcast_in_dim3A_472, %select_n3A_443 : vector<16xi1>, vector<16xi32>
    %get3A_474 = arith.constant 2 : i32
    %get3A_475 = arith.index_cast %get3A_474 : i32 to index
    %get3A_476 = arith.constant 0 : index
    %get3A_477 = tpu.vector_load %arg10[%get3A_475, %get3A_476] {strides = array<i32>} : memref<16x16xf32, #tpu.memory_space<vmem>>, vector<16xf32>,
    %get3A_478 = arith.constant 2 : i32
    %get3A_479 = arith.index_cast %get3A_478 : i32 to index
    %get3A_480 = arith.constant 0 : index
    %get3A_481 = tpu.vector_load %arg11[%get3A_479, %get3A_480] {strides = array<i32>} : memref<16x16xi32, #tpu.memory_space<vmem>>, vector<16xi32>,
    %reduce_max3A_482 = arith.constant true
    %reduce_max3A_483 = vector.broadcast %reduce_max3A_482 : i1 to vector<16xi1>
    %reduce_max3A_484 = tpu.scan <max>, %get3A_477 masked %reduce_max3A_483 : vector<16xf32>, vector<16xi1> -> vector<16xf32>
    %reduce_max3A_485 = vector.extract %reduce_max3A_484[15] : f32 from vector<16xf32>
    %eq3A_486 = vector.broadcast %reduce_max3A_485 : f32 to vector<16xf32>
    %eq3A_487 = arith.cmpf oeq, %get3A_477, %eq3A_486 : vector<16xf32>
    %broadcast_in_dim3A_488 = arith.constant 20000 : i32
    %broadcast_in_dim3A_489 = vector.broadcast %broadcast_in_dim3A_488 : i32 to vector<16xi32>
    %select_n3A_490 = arith.select %eq3A_487, %get3A_481, %broadcast_in_dim3A_489 : vector<16xi1>, vector<16xi32>
    %reduce_min3A_491 = arith.constant true
    %reduce_min3A_492 = vector.broadcast %reduce_min3A_491 : i1 to vector<16xi1>
    %reduce_min3A_493 = arith.constant -2147483648 : i32
    %reduce_min3A_494 = vector.broadcast %reduce_min3A_493 : i32 to vector<16xi32>
    %reduce_min3A_495 = arith.xori %select_n3A_490, %reduce_min3A_494 : vector<16xi32>
    %reduce_min3A_496 = tpu.scan <min>, %reduce_min3A_495 masked %reduce_min3A_492 : vector<16xi32>, vector<16xi1> -> vector<16xi32>
    %reduce_min3A_497 = arith.xori %reduce_min3A_496, %reduce_min3A_494 : vector<16xi32>
    %reduce_min3A_498 = vector.extract %reduce_min3A_497[15] : i32 from vector<16xi32>
    %eq3A_499 = arith.constant 2 : i32
    %eq3A_500 = vector.broadcast %eq3A_499 : i32 to vector<16xi32>
    %eq3A_501 = arith.cmpi eq, %iota3A, %eq3A_500 : vector<16xi32>
    %broadcast_in_dim3A_502 = vector.broadcast %reduce_min3A_498 : i32 to vector<16xi32>
    %select_n3A_503 = arith.select %eq3A_501, %broadcast_in_dim3A_502, %select_n3A_473 : vector<16xi1>, vector<16xi32>
    %get3A_504 = arith.constant 3 : i32
    %get3A_505 = arith.index_cast %get3A_504 : i32 to index
    %get3A_506 = arith.constant 0 : index
    %get3A_507 = tpu.vector_load %arg10[%get3A_505, %get3A_506] {strides = array<i32>} : memref<16x16xf32, #tpu.memory_space<vmem>>, vector<16xf32>,
    %get3A_508 = arith.constant 3 : i32
    %get3A_509 = arith.index_cast %get3A_508 : i32 to index
    %get3A_510 = arith.constant 0 : index
    %get3A_511 = tpu.vector_load %arg11[%get3A_509, %get3A_510] {strides = array<i32>} : memref<16x16xi32, #tpu.memory_space<vmem>>, vector<16xi32>,
    %reduce_max3A_512 = arith.constant true
    %reduce_max3A_513 = vector.broadcast %reduce_max3A_512 : i1 to vector<16xi1>
    %reduce_max3A_514 = tpu.scan <max>, %get3A_507 masked %reduce_max3A_513 : vector<16xf32>, vector<16xi1> -> vector<16xf32>
    %reduce_max3A_515 = vector.extract %reduce_max3A_514[15] : f32 from vector<16xf32>
    %eq3A_516 = vector.broadcast %reduce_max3A_515 : f32 to vector<16xf32>
    %eq3A_517 = arith.cmpf oeq, %get3A_507, %eq3A_516 : vector<16xf32>
    %broadcast_in_dim3A_518 = arith.constant 20000 : i32
    %broadcast_in_dim3A_519 = vector.broadcast %broadcast_in_dim3A_518 : i32 to vector<16xi32>
    %select_n3A_520 = arith.select %eq3A_517, %get3A_511, %broadcast_in_dim3A_519 : vector<16xi1>, vector<16xi32>
    %reduce_min3A_521 = arith.constant true
    %reduce_min3A_522 = vector.broadcast %reduce_min3A_521 : i1 to vector<16xi1>
    %reduce_min3A_523 = arith.constant -2147483648 : i32
    %reduce_min3A_524 = vector.broadcast %reduce_min3A_523 : i32 to vector<16xi32>
    %reduce_min3A_525 = arith.xori %select_n3A_520, %reduce_min3A_524 : vector<16xi32>
    %reduce_min3A_526 = tpu.scan <min>, %reduce_min3A_525 masked %reduce_min3A_522 : vector<16xi32>, vector<16xi1> -> vector<16xi32>
    %reduce_min3A_527 = arith.xori %reduce_min3A_526, %reduce_min3A_524 : vector<16xi32>
    %reduce_min3A_528 = vector.extract %reduce_min3A_527[15] : i32 from vector<16xi32>
    %eq3A_529 = arith.constant 3 : i32
    %eq3A_530 = vector.broadcast %eq3A_529 : i32 to vector<16xi32>
    %eq3A_531 = arith.cmpi eq, %iota3A, %eq3A_530 : vector<16xi32>
    %broadcast_in_dim3A_532 = vector.broadcast %reduce_min3A_528 : i32 to vector<16xi32>
    %select_n3A_533 = arith.select %eq3A_531, %broadcast_in_dim3A_532, %select_n3A_503 : vector<16xi1>, vector<16xi32>
    %get3A_534 = arith.constant 4 : i32
    %get3A_535 = arith.index_cast %get3A_534 : i32 to index
    %get3A_536 = arith.constant 0 : index
    %get3A_537 = tpu.vector_load %arg10[%get3A_535, %get3A_536] {strides = array<i32>} : memref<16x16xf32, #tpu.memory_space<vmem>>, vector<16xf32>,
    %get3A_538 = arith.constant 4 : i32
    %get3A_539 = arith.index_cast %get3A_538 : i32 to index
    %get3A_540 = arith.constant 0 : index
    %get3A_541 = tpu.vector_load %arg11[%get3A_539, %get3A_540] {strides = array<i32>} : memref<16x16xi32, #tpu.memory_space<vmem>>, vector<16xi32>,
    %reduce_max3A_542 = arith.constant true
    %reduce_max3A_543 = vector.broadcast %reduce_max3A_542 : i1 to vector<16xi1>
    %reduce_max3A_544 = tpu.scan <max>, %get3A_537 masked %reduce_max3A_543 : vector<16xf32>, vector<16xi1> -> vector<16xf32>
    %reduce_max3A_545 = vector.extract %reduce_max3A_544[15] : f32 from vector<16xf32>
    %eq3A_546 = vector.broadcast %reduce_max3A_545 : f32 to vector<16xf32>
    %eq3A_547 = arith.cmpf oeq, %get3A_537, %eq3A_546 : vector<16xf32>
    %broadcast_in_dim3A_548 = arith.constant 20000 : i32
    %broadcast_in_dim3A_549 = vector.broadcast %broadcast_in_dim3A_548 : i32 to vector<16xi32>
    %select_n3A_550 = arith.select %eq3A_547, %get3A_541, %broadcast_in_dim3A_549 : vector<16xi1>, vector<16xi32>
    %reduce_min3A_551 = arith.constant true
    %reduce_min3A_552 = vector.broadcast %reduce_min3A_551 : i1 to vector<16xi1>
    %reduce_min3A_553 = arith.constant -2147483648 : i32
    %reduce_min3A_554 = vector.broadcast %reduce_min3A_553 : i32 to vector<16xi32>
    %reduce_min3A_555 = arith.xori %select_n3A_550, %reduce_min3A_554 : vector<16xi32>
    %reduce_min3A_556 = tpu.scan <min>, %reduce_min3A_555 masked %reduce_min3A_552 : vector<16xi32>, vector<16xi1> -> vector<16xi32>
    %reduce_min3A_557 = arith.xori %reduce_min3A_556, %reduce_min3A_554 : vector<16xi32>
    %reduce_min3A_558 = vector.extract %reduce_min3A_557[15] : i32 from vector<16xi32>
    %eq3A_559 = arith.constant 4 : i32
    %eq3A_560 = vector.broadcast %eq3A_559 : i32 to vector<16xi32>
    %eq3A_561 = arith.cmpi eq, %iota3A, %eq3A_560 : vector<16xi32>
    %broadcast_in_dim3A_562 = vector.broadcast %reduce_min3A_558 : i32 to vector<16xi32>
    %select_n3A_563 = arith.select %eq3A_561, %broadcast_in_dim3A_562, %select_n3A_533 : vector<16xi1>, vector<16xi32>
    %get3A_564 = arith.constant 5 : i32
    %get3A_565 = arith.index_cast %get3A_564 : i32 to index
    %get3A_566 = arith.constant 0 : index
    %get3A_567 = tpu.vector_load %arg10[%get3A_565, %get3A_566] {strides = array<i32>} : memref<16x16xf32, #tpu.memory_space<vmem>>, vector<16xf32>,
    %get3A_568 = arith.constant 5 : i32
    %get3A_569 = arith.index_cast %get3A_568 : i32 to index
    %get3A_570 = arith.constant 0 : index
    %get3A_571 = tpu.vector_load %arg11[%get3A_569, %get3A_570] {strides = array<i32>} : memref<16x16xi32, #tpu.memory_space<vmem>>, vector<16xi32>,
    %reduce_max3A_572 = arith.constant true
    %reduce_max3A_573 = vector.broadcast %reduce_max3A_572 : i1 to vector<16xi1>
    %reduce_max3A_574 = tpu.scan <max>, %get3A_567 masked %reduce_max3A_573 : vector<16xf32>, vector<16xi1> -> vector<16xf32>
    %reduce_max3A_575 = vector.extract %reduce_max3A_574[15] : f32 from vector<16xf32>
    %eq3A_576 = vector.broadcast %reduce_max3A_575 : f32 to vector<16xf32>
    %eq3A_577 = arith.cmpf oeq, %get3A_567, %eq3A_576 : vector<16xf32>
    %broadcast_in_dim3A_578 = arith.constant 20000 : i32
    %broadcast_in_dim3A_579 = vector.broadcast %broadcast_in_dim3A_578 : i32 to vector<16xi32>
    %select_n3A_580 = arith.select %eq3A_577, %get3A_571, %broadcast_in_dim3A_579 : vector<16xi1>, vector<16xi32>
    %reduce_min3A_581 = arith.constant true
    %reduce_min3A_582 = vector.broadcast %reduce_min3A_581 : i1 to vector<16xi1>
    %reduce_min3A_583 = arith.constant -2147483648 : i32
    %reduce_min3A_584 = vector.broadcast %reduce_min3A_583 : i32 to vector<16xi32>
    %reduce_min3A_585 = arith.xori %select_n3A_580, %reduce_min3A_584 : vector<16xi32>
    %reduce_min3A_586 = tpu.scan <min>, %reduce_min3A_585 masked %reduce_min3A_582 : vector<16xi32>, vector<16xi1> -> vector<16xi32>
    %reduce_min3A_587 = arith.xori %reduce_min3A_586, %reduce_min3A_584 : vector<16xi32>
    %reduce_min3A_588 = vector.extract %reduce_min3A_587[15] : i32 from vector<16xi32>
    %eq3A_589 = arith.constant 5 : i32
    %eq3A_590 = vector.broadcast %eq3A_589 : i32 to vector<16xi32>
    %eq3A_591 = arith.cmpi eq, %iota3A, %eq3A_590 : vector<16xi32>
    %broadcast_in_dim3A_592 = vector.broadcast %reduce_min3A_588 : i32 to vector<16xi32>
    %select_n3A_593 = arith.select %eq3A_591, %broadcast_in_dim3A_592, %select_n3A_563 : vector<16xi1>, vector<16xi32>
    %get3A_594 = arith.constant 6 : i32
    %get3A_595 = arith.index_cast %get3A_594 : i32 to index
    %get3A_596 = arith.constant 0 : index
    %get3A_597 = tpu.vector_load %arg10[%get3A_595, %get3A_596] {strides = array<i32>} : memref<16x16xf32, #tpu.memory_space<vmem>>, vector<16xf32>,
    %get3A_598 = arith.constant 6 : i32
    %get3A_599 = arith.index_cast %get3A_598 : i32 to index
    %get3A_600 = arith.constant 0 : index
    %get3A_601 = tpu.vector_load %arg11[%get3A_599, %get3A_600] {strides = array<i32>} : memref<16x16xi32, #tpu.memory_space<vmem>>, vector<16xi32>,
    %reduce_max3A_602 = arith.constant true
    %reduce_max3A_603 = vector.broadcast %reduce_max3A_602 : i1 to vector<16xi1>
    %reduce_max3A_604 = tpu.scan <max>, %get3A_597 masked %reduce_max3A_603 : vector<16xf32>, vector<16xi1> -> vector<16xf32>
    %reduce_max3A_605 = vector.extract %reduce_max3A_604[15] : f32 from vector<16xf32>
    %eq3A_606 = vector.broadcast %reduce_max3A_605 : f32 to vector<16xf32>
    %eq3A_607 = arith.cmpf oeq, %get3A_597, %eq3A_606 : vector<16xf32>
    %broadcast_in_dim3A_608 = arith.constant 20000 : i32
    %broadcast_in_dim3A_609 = vector.broadcast %broadcast_in_dim3A_608 : i32 to vector<16xi32>
    %select_n3A_610 = arith.select %eq3A_607, %get3A_601, %broadcast_in_dim3A_609 : vector<16xi1>, vector<16xi32>
    %reduce_min3A_611 = arith.constant true
    %reduce_min3A_612 = vector.broadcast %reduce_min3A_611 : i1 to vector<16xi1>
    %reduce_min3A_613 = arith.constant -2147483648 : i32
    %reduce_min3A_614 = vector.broadcast %reduce_min3A_613 : i32 to vector<16xi32>
    %reduce_min3A_615 = arith.xori %select_n3A_610, %reduce_min3A_614 : vector<16xi32>
    %reduce_min3A_616 = tpu.scan <min>, %reduce_min3A_615 masked %reduce_min3A_612 : vector<16xi32>, vector<16xi1> -> vector<16xi32>
    %reduce_min3A_617 = arith.xori %reduce_min3A_616, %reduce_min3A_614 : vector<16xi32>
    %reduce_min3A_618 = vector.extract %reduce_min3A_617[15] : i32 from vector<16xi32>
    %eq3A_619 = arith.constant 6 : i32
    %eq3A_620 = vector.broadcast %eq3A_619 : i32 to vector<16xi32>
    %eq3A_621 = arith.cmpi eq, %iota3A, %eq3A_620 : vector<16xi32>
    %broadcast_in_dim3A_622 = vector.broadcast %reduce_min3A_618 : i32 to vector<16xi32>
    %select_n3A_623 = arith.select %eq3A_621, %broadcast_in_dim3A_622, %select_n3A_593 : vector<16xi1>, vector<16xi32>
    %get3A_624 = arith.constant 7 : i32
    %get3A_625 = arith.index_cast %get3A_624 : i32 to index
    %get3A_626 = arith.constant 0 : index
    %get3A_627 = tpu.vector_load %arg10[%get3A_625, %get3A_626] {strides = array<i32>} : memref<16x16xf32, #tpu.memory_space<vmem>>, vector<16xf32>,
    %get3A_628 = arith.constant 7 : i32
    %get3A_629 = arith.index_cast %get3A_628 : i32 to index
    %get3A_630 = arith.constant 0 : index
    %get3A_631 = tpu.vector_load %arg11[%get3A_629, %get3A_630] {strides = array<i32>} : memref<16x16xi32, #tpu.memory_space<vmem>>, vector<16xi32>,
    %reduce_max3A_632 = arith.constant true
    %reduce_max3A_633 = vector.broadcast %reduce_max3A_632 : i1 to vector<16xi1>
    %reduce_max3A_634 = tpu.scan <max>, %get3A_627 masked %reduce_max3A_633 : vector<16xf32>, vector<16xi1> -> vector<16xf32>
    %reduce_max3A_635 = vector.extract %reduce_max3A_634[15] : f32 from vector<16xf32>
    %eq3A_636 = vector.broadcast %reduce_max3A_635 : f32 to vector<16xf32>
    %eq3A_637 = arith.cmpf oeq, %get3A_627, %eq3A_636 : vector<16xf32>
    %broadcast_in_dim3A_638 = arith.constant 20000 : i32
    %broadcast_in_dim3A_639 = vector.broadcast %broadcast_in_dim3A_638 : i32 to vector<16xi32>
    %select_n3A_640 = arith.select %eq3A_637, %get3A_631, %broadcast_in_dim3A_639 : vector<16xi1>, vector<16xi32>
    %reduce_min3A_641 = arith.constant true
    %reduce_min3A_642 = vector.broadcast %reduce_min3A_641 : i1 to vector<16xi1>
    %reduce_min3A_643 = arith.constant -2147483648 : i32
    %reduce_min3A_644 = vector.broadcast %reduce_min3A_643 : i32 to vector<16xi32>
    %reduce_min3A_645 = arith.xori %select_n3A_640, %reduce_min3A_644 : vector<16xi32>
    %reduce_min3A_646 = tpu.scan <min>, %reduce_min3A_645 masked %reduce_min3A_642 : vector<16xi32>, vector<16xi1> -> vector<16xi32>
    %reduce_min3A_647 = arith.xori %reduce_min3A_646, %reduce_min3A_644 : vector<16xi32>
    %reduce_min3A_648 = vector.extract %reduce_min3A_647[15] : i32 from vector<16xi32>
    %eq3A_649 = arith.constant 7 : i32
    %eq3A_650 = vector.broadcast %eq3A_649 : i32 to vector<16xi32>
    %eq3A_651 = arith.cmpi eq, %iota3A, %eq3A_650 : vector<16xi32>
    %broadcast_in_dim3A_652 = vector.broadcast %reduce_min3A_648 : i32 to vector<16xi32>
    %select_n3A_653 = arith.select %eq3A_651, %broadcast_in_dim3A_652, %select_n3A_623 : vector<16xi1>, vector<16xi32>
    %get3A_654 = arith.constant 8 : i32
    %get3A_655 = arith.index_cast %get3A_654 : i32 to index
    %get3A_656 = arith.constant 0 : index
    %get3A_657 = tpu.vector_load %arg10[%get3A_655, %get3A_656] {strides = array<i32>} : memref<16x16xf32, #tpu.memory_space<vmem>>, vector<16xf32>,
    %get3A_658 = arith.constant 8 : i32
    %get3A_659 = arith.index_cast %get3A_658 : i32 to index
    %get3A_660 = arith.constant 0 : index
    %get3A_661 = tpu.vector_load %arg11[%get3A_659, %get3A_660] {strides = array<i32>} : memref<16x16xi32, #tpu.memory_space<vmem>>, vector<16xi32>,
    %reduce_max3A_662 = arith.constant true
    %reduce_max3A_663 = vector.broadcast %reduce_max3A_662 : i1 to vector<16xi1>
    %reduce_max3A_664 = tpu.scan <max>, %get3A_657 masked %reduce_max3A_663 : vector<16xf32>, vector<16xi1> -> vector<16xf32>
    %reduce_max3A_665 = vector.extract %reduce_max3A_664[15] : f32 from vector<16xf32>
    %eq3A_666 = vector.broadcast %reduce_max3A_665 : f32 to vector<16xf32>
    %eq3A_667 = arith.cmpf oeq, %get3A_657, %eq3A_666 : vector<16xf32>
    %broadcast_in_dim3A_668 = arith.constant 20000 : i32
    %broadcast_in_dim3A_669 = vector.broadcast %broadcast_in_dim3A_668 : i32 to vector<16xi32>
    %select_n3A_670 = arith.select %eq3A_667, %get3A_661, %broadcast_in_dim3A_669 : vector<16xi1>, vector<16xi32>
    %reduce_min3A_671 = arith.constant true
    %reduce_min3A_672 = vector.broadcast %reduce_min3A_671 : i1 to vector<16xi1>
    %reduce_min3A_673 = arith.constant -2147483648 : i32
    %reduce_min3A_674 = vector.broadcast %reduce_min3A_673 : i32 to vector<16xi32>
    %reduce_min3A_675 = arith.xori %select_n3A_670, %reduce_min3A_674 : vector<16xi32>
    %reduce_min3A_676 = tpu.scan <min>, %reduce_min3A_675 masked %reduce_min3A_672 : vector<16xi32>, vector<16xi1> -> vector<16xi32>
    %reduce_min3A_677 = arith.xori %reduce_min3A_676, %reduce_min3A_674 : vector<16xi32>
    %reduce_min3A_678 = vector.extract %reduce_min3A_677[15] : i32 from vector<16xi32>
    %eq3A_679 = arith.constant 8 : i32
    %eq3A_680 = vector.broadcast %eq3A_679 : i32 to vector<16xi32>
    %eq3A_681 = arith.cmpi eq, %iota3A, %eq3A_680 : vector<16xi32>
    %broadcast_in_dim3A_682 = vector.broadcast %reduce_min3A_678 : i32 to vector<16xi32>
    %select_n3A_683 = arith.select %eq3A_681, %broadcast_in_dim3A_682, %select_n3A_653 : vector<16xi1>, vector<16xi32>
    %get3A_684 = arith.constant 9 : i32
    %get3A_685 = arith.index_cast %get3A_684 : i32 to index
    %get3A_686 = arith.constant 0 : index
    %get3A_687 = tpu.vector_load %arg10[%get3A_685, %get3A_686] {strides = array<i32>} : memref<16x16xf32, #tpu.memory_space<vmem>>, vector<16xf32>,
    %get3A_688 = arith.constant 9 : i32
    %get3A_689 = arith.index_cast %get3A_688 : i32 to index
    %get3A_690 = arith.constant 0 : index
    %get3A_691 = tpu.vector_load %arg11[%get3A_689, %get3A_690] {strides = array<i32>} : memref<16x16xi32, #tpu.memory_space<vmem>>, vector<16xi32>,
    %reduce_max3A_692 = arith.constant true
    %reduce_max3A_693 = vector.broadcast %reduce_max3A_692 : i1 to vector<16xi1>
    %reduce_max3A_694 = tpu.scan <max>, %get3A_687 masked %reduce_max3A_693 : vector<16xf32>, vector<16xi1> -> vector<16xf32>
    %reduce_max3A_695 = vector.extract %reduce_max3A_694[15] : f32 from vector<16xf32>
    %eq3A_696 = vector.broadcast %reduce_max3A_695 : f32 to vector<16xf32>
    %eq3A_697 = arith.cmpf oeq, %get3A_687, %eq3A_696 : vector<16xf32>
    %broadcast_in_dim3A_698 = arith.constant 20000 : i32
    %broadcast_in_dim3A_699 = vector.broadcast %broadcast_in_dim3A_698 : i32 to vector<16xi32>
    %select_n3A_700 = arith.select %eq3A_697, %get3A_691, %broadcast_in_dim3A_699 : vector<16xi1>, vector<16xi32>
    %reduce_min3A_701 = arith.constant true
    %reduce_min3A_702 = vector.broadcast %reduce_min3A_701 : i1 to vector<16xi1>
    %reduce_min3A_703 = arith.constant -2147483648 : i32
    %reduce_min3A_704 = vector.broadcast %reduce_min3A_703 : i32 to vector<16xi32>
    %reduce_min3A_705 = arith.xori %select_n3A_700, %reduce_min3A_704 : vector<16xi32>
    %reduce_min3A_706 = tpu.scan <min>, %reduce_min3A_705 masked %reduce_min3A_702 : vector<16xi32>, vector<16xi1> -> vector<16xi32>
    %reduce_min3A_707 = arith.xori %reduce_min3A_706, %reduce_min3A_704 : vector<16xi32>
    %reduce_min3A_708 = vector.extract %reduce_min3A_707[15] : i32 from vector<16xi32>
    %eq3A_709 = arith.constant 9 : i32
    %eq3A_710 = vector.broadcast %eq3A_709 : i32 to vector<16xi32>
    %eq3A_711 = arith.cmpi eq, %iota3A, %eq3A_710 : vector<16xi32>
    %broadcast_in_dim3A_712 = vector.broadcast %reduce_min3A_708 : i32 to vector<16xi32>
    %select_n3A_713 = arith.select %eq3A_711, %broadcast_in_dim3A_712, %select_n3A_683 : vector<16xi1>, vector<16xi32>
    %get3A_714 = arith.constant 10 : i32
    %get3A_715 = arith.index_cast %get3A_714 : i32 to index
    %get3A_716 = arith.constant 0 : index
    %get3A_717 = tpu.vector_load %arg10[%get3A_715, %get3A_716] {strides = array<i32>} : memref<16x16xf32, #tpu.memory_space<vmem>>, vector<16xf32>,
    %get3A_718 = arith.constant 10 : i32
    %get3A_719 = arith.index_cast %get3A_718 : i32 to index
    %get3A_720 = arith.constant 0 : index
    %get3A_721 = tpu.vector_load %arg11[%get3A_719, %get3A_720] {strides = array<i32>} : memref<16x16xi32, #tpu.memory_space<vmem>>, vector<16xi32>,
    %reduce_max3A_722 = arith.constant true
    %reduce_max3A_723 = vector.broadcast %reduce_max3A_722 : i1 to vector<16xi1>
    %reduce_max3A_724 = tpu.scan <max>, %get3A_717 masked %reduce_max3A_723 : vector<16xf32>, vector<16xi1> -> vector<16xf32>
    %reduce_max3A_725 = vector.extract %reduce_max3A_724[15] : f32 from vector<16xf32>
    %eq3A_726 = vector.broadcast %reduce_max3A_725 : f32 to vector<16xf32>
    %eq3A_727 = arith.cmpf oeq, %get3A_717, %eq3A_726 : vector<16xf32>
    %broadcast_in_dim3A_728 = arith.constant 20000 : i32
    %broadcast_in_dim3A_729 = vector.broadcast %broadcast_in_dim3A_728 : i32 to vector<16xi32>
    %select_n3A_730 = arith.select %eq3A_727, %get3A_721, %broadcast_in_dim3A_729 : vector<16xi1>, vector<16xi32>
    %reduce_min3A_731 = arith.constant true
    %reduce_min3A_732 = vector.broadcast %reduce_min3A_731 : i1 to vector<16xi1>
    %reduce_min3A_733 = arith.constant -2147483648 : i32
    %reduce_min3A_734 = vector.broadcast %reduce_min3A_733 : i32 to vector<16xi32>
    %reduce_min3A_735 = arith.xori %select_n3A_730, %reduce_min3A_734 : vector<16xi32>
    %reduce_min3A_736 = tpu.scan <min>, %reduce_min3A_735 masked %reduce_min3A_732 : vector<16xi32>, vector<16xi1> -> vector<16xi32>
    %reduce_min3A_737 = arith.xori %reduce_min3A_736, %reduce_min3A_734 : vector<16xi32>
    %reduce_min3A_738 = vector.extract %reduce_min3A_737[15] : i32 from vector<16xi32>
    %eq3A_739 = arith.constant 10 : i32
    %eq3A_740 = vector.broadcast %eq3A_739 : i32 to vector<16xi32>
    %eq3A_741 = arith.cmpi eq, %iota3A, %eq3A_740 : vector<16xi32>
    %broadcast_in_dim3A_742 = vector.broadcast %reduce_min3A_738 : i32 to vector<16xi32>
    %select_n3A_743 = arith.select %eq3A_741, %broadcast_in_dim3A_742, %select_n3A_713 : vector<16xi1>, vector<16xi32>
    %get3A_744 = arith.constant 11 : i32
    %get3A_745 = arith.index_cast %get3A_744 : i32 to index
    %get3A_746 = arith.constant 0 : index
    %get3A_747 = tpu.vector_load %arg10[%get3A_745, %get3A_746] {strides = array<i32>} : memref<16x16xf32, #tpu.memory_space<vmem>>, vector<16xf32>,
    %get3A_748 = arith.constant 11 : i32
    %get3A_749 = arith.index_cast %get3A_748 : i32 to index
    %get3A_750 = arith.constant 0 : index
    %get3A_751 = tpu.vector_load %arg11[%get3A_749, %get3A_750] {strides = array<i32>} : memref<16x16xi32, #tpu.memory_space<vmem>>, vector<16xi32>,
    %reduce_max3A_752 = arith.constant true
    %reduce_max3A_753 = vector.broadcast %reduce_max3A_752 : i1 to vector<16xi1>
    %reduce_max3A_754 = tpu.scan <max>, %get3A_747 masked %reduce_max3A_753 : vector<16xf32>, vector<16xi1> -> vector<16xf32>
    %reduce_max3A_755 = vector.extract %reduce_max3A_754[15] : f32 from vector<16xf32>
    %eq3A_756 = vector.broadcast %reduce_max3A_755 : f32 to vector<16xf32>
    %eq3A_757 = arith.cmpf oeq, %get3A_747, %eq3A_756 : vector<16xf32>
    %broadcast_in_dim3A_758 = arith.constant 20000 : i32
    %broadcast_in_dim3A_759 = vector.broadcast %broadcast_in_dim3A_758 : i32 to vector<16xi32>
    %select_n3A_760 = arith.select %eq3A_757, %get3A_751, %broadcast_in_dim3A_759 : vector<16xi1>, vector<16xi32>
    %reduce_min3A_761 = arith.constant true
    %reduce_min3A_762 = vector.broadcast %reduce_min3A_761 : i1 to vector<16xi1>
    %reduce_min3A_763 = arith.constant -2147483648 : i32
    %reduce_min3A_764 = vector.broadcast %reduce_min3A_763 : i32 to vector<16xi32>
    %reduce_min3A_765 = arith.xori %select_n3A_760, %reduce_min3A_764 : vector<16xi32>
    %reduce_min3A_766 = tpu.scan <min>, %reduce_min3A_765 masked %reduce_min3A_762 : vector<16xi32>, vector<16xi1> -> vector<16xi32>
    %reduce_min3A_767 = arith.xori %reduce_min3A_766, %reduce_min3A_764 : vector<16xi32>
    %reduce_min3A_768 = vector.extract %reduce_min3A_767[15] : i32 from vector<16xi32>
    %eq3A_769 = arith.constant 11 : i32
    %eq3A_770 = vector.broadcast %eq3A_769 : i32 to vector<16xi32>
    %eq3A_771 = arith.cmpi eq, %iota3A, %eq3A_770 : vector<16xi32>
    %broadcast_in_dim3A_772 = vector.broadcast %reduce_min3A_768 : i32 to vector<16xi32>
    %select_n3A_773 = arith.select %eq3A_771, %broadcast_in_dim3A_772, %select_n3A_743 : vector<16xi1>, vector<16xi32>
    %get3A_774 = arith.constant 12 : i32
    %get3A_775 = arith.index_cast %get3A_774 : i32 to index
    %get3A_776 = arith.constant 0 : index
    %get3A_777 = tpu.vector_load %arg10[%get3A_775, %get3A_776] {strides = array<i32>} : memref<16x16xf32, #tpu.memory_space<vmem>>, vector<16xf32>,
    %get3A_778 = arith.constant 12 : i32
    %get3A_779 = arith.index_cast %get3A_778 : i32 to index
    %get3A_780 = arith.constant 0 : index
    %get3A_781 = tpu.vector_load %arg11[%get3A_779, %get3A_780] {strides = array<i32>} : memref<16x16xi32, #tpu.memory_space<vmem>>, vector<16xi32>,
    %reduce_max3A_782 = arith.constant true
    %reduce_max3A_783 = vector.broadcast %reduce_max3A_782 : i1 to vector<16xi1>
    %reduce_max3A_784 = tpu.scan <max>, %get3A_777 masked %reduce_max3A_783 : vector<16xf32>, vector<16xi1> -> vector<16xf32>
    %reduce_max3A_785 = vector.extract %reduce_max3A_784[15] : f32 from vector<16xf32>
    %eq3A_786 = vector.broadcast %reduce_max3A_785 : f32 to vector<16xf32>
    %eq3A_787 = arith.cmpf oeq, %get3A_777, %eq3A_786 : vector<16xf32>
    %broadcast_in_dim3A_788 = arith.constant 20000 : i32
    %broadcast_in_dim3A_789 = vector.broadcast %broadcast_in_dim3A_788 : i32 to vector<16xi32>
    %select_n3A_790 = arith.select %eq3A_787, %get3A_781, %broadcast_in_dim3A_789 : vector<16xi1>, vector<16xi32>
    %reduce_min3A_791 = arith.constant true
    %reduce_min3A_792 = vector.broadcast %reduce_min3A_791 : i1 to vector<16xi1>
    %reduce_min3A_793 = arith.constant -2147483648 : i32
    %reduce_min3A_794 = vector.broadcast %reduce_min3A_793 : i32 to vector<16xi32>
    %reduce_min3A_795 = arith.xori %select_n3A_790, %reduce_min3A_794 : vector<16xi32>
    %reduce_min3A_796 = tpu.scan <min>, %reduce_min3A_795 masked %reduce_min3A_792 : vector<16xi32>, vector<16xi1> -> vector<16xi32>
    %reduce_min3A_797 = arith.xori %reduce_min3A_796, %reduce_min3A_794 : vector<16xi32>
    %reduce_min3A_798 = vector.extract %reduce_min3A_797[15] : i32 from vector<16xi32>
    %eq3A_799 = arith.constant 12 : i32
    %eq3A_800 = vector.broadcast %eq3A_799 : i32 to vector<16xi32>
    %eq3A_801 = arith.cmpi eq, %iota3A, %eq3A_800 : vector<16xi32>
    %broadcast_in_dim3A_802 = vector.broadcast %reduce_min3A_798 : i32 to vector<16xi32>
    %select_n3A_803 = arith.select %eq3A_801, %broadcast_in_dim3A_802, %select_n3A_773 : vector<16xi1>, vector<16xi32>
    %get3A_804 = arith.constant 13 : i32
    %get3A_805 = arith.index_cast %get3A_804 : i32 to index
    %get3A_806 = arith.constant 0 : index
    %get3A_807 = tpu.vector_load %arg10[%get3A_805, %get3A_806] {strides = array<i32>} : memref<16x16xf32, #tpu.memory_space<vmem>>, vector<16xf32>,
    %get3A_808 = arith.constant 13 : i32
    %get3A_809 = arith.index_cast %get3A_808 : i32 to index
    %get3A_810 = arith.constant 0 : index
    %get3A_811 = tpu.vector_load %arg11[%get3A_809, %get3A_810] {strides = array<i32>} : memref<16x16xi32, #tpu.memory_space<vmem>>, vector<16xi32>,
    %reduce_max3A_812 = arith.constant true
    %reduce_max3A_813 = vector.broadcast %reduce_max3A_812 : i1 to vector<16xi1>
    %reduce_max3A_814 = tpu.scan <max>, %get3A_807 masked %reduce_max3A_813 : vector<16xf32>, vector<16xi1> -> vector<16xf32>
    %reduce_max3A_815 = vector.extract %reduce_max3A_814[15] : f32 from vector<16xf32>
    %eq3A_816 = vector.broadcast %reduce_max3A_815 : f32 to vector<16xf32>
    %eq3A_817 = arith.cmpf oeq, %get3A_807, %eq3A_816 : vector<16xf32>
    %broadcast_in_dim3A_818 = arith.constant 20000 : i32
    %broadcast_in_dim3A_819 = vector.broadcast %broadcast_in_dim3A_818 : i32 to vector<16xi32>
    %select_n3A_820 = arith.select %eq3A_817, %get3A_811, %broadcast_in_dim3A_819 : vector<16xi1>, vector<16xi32>
    %reduce_min3A_821 = arith.constant true
    %reduce_min3A_822 = vector.broadcast %reduce_min3A_821 : i1 to vector<16xi1>
    %reduce_min3A_823 = arith.constant -2147483648 : i32
    %reduce_min3A_824 = vector.broadcast %reduce_min3A_823 : i32 to vector<16xi32>
    %reduce_min3A_825 = arith.xori %select_n3A_820, %reduce_min3A_824 : vector<16xi32>
    %reduce_min3A_826 = tpu.scan <min>, %reduce_min3A_825 masked %reduce_min3A_822 : vector<16xi32>, vector<16xi1> -> vector<16xi32>
    %reduce_min3A_827 = arith.xori %reduce_min3A_826, %reduce_min3A_824 : vector<16xi32>
    %reduce_min3A_828 = vector.extract %reduce_min3A_827[15] : i32 from vector<16xi32>
    %eq3A_829 = arith.constant 13 : i32
    %eq3A_830 = vector.broadcast %eq3A_829 : i32 to vector<16xi32>
    %eq3A_831 = arith.cmpi eq, %iota3A, %eq3A_830 : vector<16xi32>
    %broadcast_in_dim3A_832 = vector.broadcast %reduce_min3A_828 : i32 to vector<16xi32>
    %select_n3A_833 = arith.select %eq3A_831, %broadcast_in_dim3A_832, %select_n3A_803 : vector<16xi1>, vector<16xi32>
    %get3A_834 = arith.constant 14 : i32
    %get3A_835 = arith.index_cast %get3A_834 : i32 to index
    %get3A_836 = arith.constant 0 : index
    %get3A_837 = tpu.vector_load %arg10[%get3A_835, %get3A_836] {strides = array<i32>} : memref<16x16xf32, #tpu.memory_space<vmem>>, vector<16xf32>,
    %get3A_838 = arith.constant 14 : i32
    %get3A_839 = arith.index_cast %get3A_838 : i32 to index
    %get3A_840 = arith.constant 0 : index
    %get3A_841 = tpu.vector_load %arg11[%get3A_839, %get3A_840] {strides = array<i32>} : memref<16x16xi32, #tpu.memory_space<vmem>>, vector<16xi32>,
    %reduce_max3A_842 = arith.constant true
    %reduce_max3A_843 = vector.broadcast %reduce_max3A_842 : i1 to vector<16xi1>
    %reduce_max3A_844 = tpu.scan <max>, %get3A_837 masked %reduce_max3A_843 : vector<16xf32>, vector<16xi1> -> vector<16xf32>
    %reduce_max3A_845 = vector.extract %reduce_max3A_844[15] : f32 from vector<16xf32>
    %eq3A_846 = vector.broadcast %reduce_max3A_845 : f32 to vector<16xf32>
    %eq3A_847 = arith.cmpf oeq, %get3A_837, %eq3A_846 : vector<16xf32>
    %broadcast_in_dim3A_848 = arith.constant 20000 : i32
    %broadcast_in_dim3A_849 = vector.broadcast %broadcast_in_dim3A_848 : i32 to vector<16xi32>
    %select_n3A_850 = arith.select %eq3A_847, %get3A_841, %broadcast_in_dim3A_849 : vector<16xi1>, vector<16xi32>
    %reduce_min3A_851 = arith.constant true
    %reduce_min3A_852 = vector.broadcast %reduce_min3A_851 : i1 to vector<16xi1>
    %reduce_min3A_853 = arith.constant -2147483648 : i32
    %reduce_min3A_854 = vector.broadcast %reduce_min3A_853 : i32 to vector<16xi32>
    %reduce_min3A_855 = arith.xori %select_n3A_850, %reduce_min3A_854 : vector<16xi32>
    %reduce_min3A_856 = tpu.scan <min>, %reduce_min3A_855 masked %reduce_min3A_852 : vector<16xi32>, vector<16xi1> -> vector<16xi32>
    %reduce_min3A_857 = arith.xori %reduce_min3A_856, %reduce_min3A_854 : vector<16xi32>
    %reduce_min3A_858 = vector.extract %reduce_min3A_857[15] : i32 from vector<16xi32>
    %eq3A_859 = arith.constant 14 : i32
    %eq3A_860 = vector.broadcast %eq3A_859 : i32 to vector<16xi32>
    %eq3A_861 = arith.cmpi eq, %iota3A, %eq3A_860 : vector<16xi32>
    %broadcast_in_dim3A_862 = vector.broadcast %reduce_min3A_858 : i32 to vector<16xi32>
    %select_n3A_863 = arith.select %eq3A_861, %broadcast_in_dim3A_862, %select_n3A_833 : vector<16xi1>, vector<16xi32>
    %get3A_864 = arith.constant 15 : i32
    %get3A_865 = arith.index_cast %get3A_864 : i32 to index
    %get3A_866 = arith.constant 0 : index
    %get3A_867 = tpu.vector_load %arg10[%get3A_865, %get3A_866] {strides = array<i32>} : memref<16x16xf32, #tpu.memory_space<vmem>>, vector<16xf32>,
    %get3A_868 = arith.constant 15 : i32
    %get3A_869 = arith.index_cast %get3A_868 : i32 to index
    %get3A_870 = arith.constant 0 : index
    %get3A_871 = tpu.vector_load %arg11[%get3A_869, %get3A_870] {strides = array<i32>} : memref<16x16xi32, #tpu.memory_space<vmem>>, vector<16xi32>,
    %reduce_max3A_872 = arith.constant true
    %reduce_max3A_873 = vector.broadcast %reduce_max3A_872 : i1 to vector<16xi1>
    %reduce_max3A_874 = tpu.scan <max>, %get3A_867 masked %reduce_max3A_873 : vector<16xf32>, vector<16xi1> -> vector<16xf32>
    %reduce_max3A_875 = vector.extract %reduce_max3A_874[15] : f32 from vector<16xf32>
    %eq3A_876 = vector.broadcast %reduce_max3A_875 : f32 to vector<16xf32>
    %eq3A_877 = arith.cmpf oeq, %get3A_867, %eq3A_876 : vector<16xf32>
    %broadcast_in_dim3A_878 = arith.constant 20000 : i32
    %broadcast_in_dim3A_879 = vector.broadcast %broadcast_in_dim3A_878 : i32 to vector<16xi32>
    %select_n3A_880 = arith.select %eq3A_877, %get3A_871, %broadcast_in_dim3A_879 : vector<16xi1>, vector<16xi32>
    %reduce_min3A_881 = arith.constant true
    %reduce_min3A_882 = vector.broadcast %reduce_min3A_881 : i1 to vector<16xi1>
    %reduce_min3A_883 = arith.constant -2147483648 : i32
    %reduce_min3A_884 = vector.broadcast %reduce_min3A_883 : i32 to vector<16xi32>
    %reduce_min3A_885 = arith.xori %select_n3A_880, %reduce_min3A_884 : vector<16xi32>
    %reduce_min3A_886 = tpu.scan <min>, %reduce_min3A_885 masked %reduce_min3A_882 : vector<16xi32>, vector<16xi1> -> vector<16xi32>
    %reduce_min3A_887 = arith.xori %reduce_min3A_886, %reduce_min3A_884 : vector<16xi32>
    %reduce_min3A_888 = vector.extract %reduce_min3A_887[15] : i32 from vector<16xi32>
    %eq3A_889 = arith.constant 15 : i32
    %eq3A_890 = vector.broadcast %eq3A_889 : i32 to vector<16xi32>
    %eq3A_891 = arith.cmpi eq, %iota3A, %eq3A_890 : vector<16xi32>
    %broadcast_in_dim3A_892 = vector.broadcast %reduce_min3A_888 : i32 to vector<16xi32>
    %select_n3A_893 = arith.select %eq3A_891, %broadcast_in_dim3A_892, %select_n3A_863 : vector<16xi1>, vector<16xi32>
    %broadcast_in_dim3A_894 = arith.constant 2.000000e+00 : f32
    %broadcast_in_dim3A_895 = vector.broadcast %broadcast_in_dim3A_894 : f32 to vector<16xf32>
    tpu.vector_store_idx %arg8[%select_n3A_893], %broadcast_in_dim3A_895 : memref<20000xf32, #tpu.memory_space<vmem>>[vector<16xi32>], vector<16xf32>,
    "tpu.region"() ({
      %run_scoped3A = tpu.sem_alloc : memref<!tpu.dma_semaphore, #tpu.memory_space<semaphore_mem>>
      %dma_start3A = arith.constant 0 : i32
      %dma_start3A_1052 = arith.constant 0 : i32
      %dma_start3A_1053 = tpu.memref_slice %arg2[%add3A, %dma_start3A, %dma_start3A_1052] : memref<32x4x20000xf32, #tpu.memory_space<hbm>> -> memref<1x4x20000xf32, #tpu.memory_space<hbm>>
      %dma_start3A_1054 = tpu.memref_squeeze %dma_start3A_1053 : memref<1x4x20000xf32, #tpu.memory_space<hbm>> -> memref<4x20000xf32, #tpu.memory_space<hbm>>
      %dma_start3A_1055 = arith.constant 0 : i32
      %dma_start3A_1056 = arith.constant 0 : i32
      %dma_start3A_1057 = tpu.memref_slice %arg2[%add3A, %dma_start3A_1055, %dma_start3A_1056] : memref<32x4x20000xf32, #tpu.memory_space<hbm>> -> memref<1x4x20000xf32, #tpu.memory_space<hbm>>
      %dma_start3A_1058 = tpu.memref_squeeze %dma_start3A_1057 : memref<1x4x20000xf32, #tpu.memory_space<hbm>> -> memref<4x20000xf32, #tpu.memory_space<hbm>>
      tpu.enqueue_dma source(%dma_start3A_1058 : memref<4x20000xf32, #tpu.memory_space<hbm>>) target(%arg7 : memref<4x20000xf32, #tpu.memory_space<vmem>>) target_semaphore(%run_scoped3A : memref<!tpu.dma_semaphore, #tpu.memory_space<semaphore_mem>>)
      %dma_wait3A = arith.constant 0 : i32
      %dma_wait3A_1059 = arith.constant 0 : i32
      %dma_wait3A_1060 = tpu.memref_slice %arg2[%add3A, %dma_wait3A, %dma_wait3A_1059] : memref<32x4x20000xf32, #tpu.memory_space<hbm>> -> memref<1x4x20000xf32, #tpu.memory_space<hbm>>
      %dma_wait3A_1061 = tpu.memref_squeeze %dma_wait3A_1060 : memref<1x4x20000xf32, #tpu.memory_space<hbm>> -> memref<4x20000xf32, #tpu.memory_space<hbm>>
      %dma_wait3A_1062 = arith.constant 0 : i32
      %dma_wait3A_1063 = arith.constant 0 : i32
      %dma_wait3A_1064 = tpu.memref_slice %arg2[%add3A, %dma_wait3A_1062, %dma_wait3A_1063] : memref<32x4x20000xf32, #tpu.memory_space<hbm>> -> memref<1x4x20000xf32, #tpu.memory_space<hbm>>
      %dma_wait3A_1065 = tpu.memref_squeeze %dma_wait3A_1064 : memref<1x4x20000xf32, #tpu.memory_space<hbm>> -> memref<4x20000xf32, #tpu.memory_space<hbm>>
      tpu.wait_dma2 semaphore(%run_scoped3A : memref<!tpu.dma_semaphore, #tpu.memory_space<semaphore_mem>>) src(%dma_wait3A_1065 : memref<4x20000xf32, #tpu.memory_space<hbm>>) dst(%arg7 : memref<4x20000xf32, #tpu.memory_space<vmem>>)
      tpu.yield
    }) : () -> ()
    %broadcast_in_dim3A_896 = arith.constant 0.000000e+00 : f32
    %broadcast_in_dim3A_897 = vector.broadcast %broadcast_in_dim3A_896 : f32 to vector<16xf32>
    %scan3A_898 = arith.constant 0 : i32
    %scan3A_899 = arith.constant 10 : i32
    %scan3A_900 = arith.addi %scan3A_898, %scan3A_899 : i32
    %scan3A_901 = arith.constant 1 : i32
    %scan3A_902:4 = scf.for %scan3A_1052 = %scan3A_898 to %scan3A_900 step %scan3A_901 iter_args(%scan3A_1053 = %broadcast_in_dim3A_897, %scan3A_1054 = %broadcast_in_dim3A_897, %scan3A_1055 = %broadcast_in_dim3A_897, %scan3A_1056 = %broadcast_in_dim3A_897) -> (vector<16xf32>, vector<16xf32>, vector<16xf32>, vector<16xf32>)  : i32 {
      %mul3A_1057 = arith.constant 20000 : i32
      %mul3A_1058 = arith.muli %add3A, %mul3A_1057 : i32
      %mul3A_1059 = arith.constant 2000 : i32
      %mul3A_1060 = arith.muli %scan3A_1052, %mul3A_1059 : i32
      %add3A_1061 = arith.addi %mul3A_1058, %mul3A_1060 : i32
      "tpu.region"() ({
        %run_scoped3A = tpu.sem_alloc : memref<!tpu.dma_semaphore, #tpu.memory_space<semaphore_mem>>
        %dma_start3A = tpu.memref_slice %arg3[%add3A_1061] : memref<640000xf32, #tpu.memory_space<hbm>> -> memref<2000xf32, #tpu.memory_space<hbm>>
        %dma_start3A_1068 = tpu.memref_slice %arg3[%add3A_1061] : memref<640000xf32, #tpu.memory_space<hbm>> -> memref<2000xf32, #tpu.memory_space<hbm>>
        tpu.enqueue_dma source(%dma_start3A_1068 : memref<2000xf32, #tpu.memory_space<hbm>>) target(%arg16 : memref<2000xf32, #tpu.memory_space<vmem>>) target_semaphore(%run_scoped3A : memref<!tpu.dma_semaphore, #tpu.memory_space<semaphore_mem>>)
        %dma_wait3A = tpu.memref_slice %arg3[%add3A_1061] : memref<640000xf32, #tpu.memory_space<hbm>> -> memref<2000xf32, #tpu.memory_space<hbm>>
        %dma_wait3A_1069 = tpu.memref_slice %arg3[%add3A_1061] : memref<640000xf32, #tpu.memory_space<hbm>> -> memref<2000xf32, #tpu.memory_space<hbm>>
        tpu.wait_dma2 semaphore(%run_scoped3A : memref<!tpu.dma_semaphore, #tpu.memory_space<semaphore_mem>>) src(%dma_wait3A_1069 : memref<2000xf32, #tpu.memory_space<hbm>>) dst(%arg16 : memref<2000xf32, #tpu.memory_space<vmem>>)
        tpu.yield
      }) : () -> ()
      %scan3A_1062 = arith.constant 0 : i32
      %scan3A_1063 = arith.constant 125 : i32
      %scan3A_1064 = arith.addi %scan3A_1062, %scan3A_1063 : i32
      %scan3A_1065 = arith.constant 1 : i32
      %scan3A_1066:4 = scf.for %scan3A_1068 = %scan3A_1062 to %scan3A_1064 step %scan3A_1065 iter_args(%scan3A_1069 = %scan3A_1053, %scan3A_1070 = %scan3A_1054, %scan3A_1071 = %scan3A_1055, %scan3A_1072 = %scan3A_1056) -> (vector<16xf32>, vector<16xf32>, vector<16xf32>, vector<16xf32>)  : i32 {
        %mul3A_1073 = arith.constant 2000 : i32
        %mul3A_1074 = arith.muli %scan3A_1052, %mul3A_1073 : i32
        %mul3A_1075 = arith.constant 16 : i32
        %mul3A_1076 = arith.muli %scan3A_1068, %mul3A_1075 : i32
        %add3A_1077 = arith.addi %mul3A_1074, %mul3A_1076 : i32
        %mul3A_1078 = arith.constant 16 : i32
        %mul3A_1079 = arith.muli %scan3A_1068, %mul3A_1078 : i32
        %get3A_1080 = arith.index_cast %add3A_1077 : i32 to index
        %get3A_1081 = tpu.vector_load %arg8[%get3A_1080] {strides = array<i32>} : memref<20000xf32, #tpu.memory_space<vmem>>, vector<16xf32>,
        %get3A_1082 = arith.index_cast %add3A_1077 : i32 to index
        %get3A_1083 = tpu.vector_load %arg9[%get3A_1082] {strides = array<i32>} : memref<20000xi32, #tpu.memory_space<vmem>>, vector<16xi32>,
        %gt3A = arith.constant 5.000000e-01 : f32
        %gt3A_1084 = vector.broadcast %gt3A : f32 to vector<16xf32>
        %gt3A_1085 = arith.cmpf ogt, %get3A_1081, %gt3A_1084 : vector<16xf32>
        %jit3A_1086 = arith.constant 1.000000e+00 : f32
        %jit3A_1087 = arith.constant 0.000000e+00 : f32
        %broadcast_in_dim3A_1088 = vector.broadcast %jit3A_1086 : f32 to vector<16xf32>
        %broadcast_in_dim3A_1089 = vector.broadcast %jit3A_1087 : f32 to vector<16xf32>
        %select_n3A_1090 = arith.select %gt3A_1085, %broadcast_in_dim3A_1088, %broadcast_in_dim3A_1089 : vector<16xi1>, vector<16xf32>
        %gather3A = tpu.vector_load_idx %arg12[%get3A_1083] : memref<16xf32, #tpu.memory_space<vmem>>[vector<16xi32>], vector<16xf32>,
        %gather3A_1091 = tpu.vector_load_idx %arg13[%get3A_1083] : memref<16xf32, #tpu.memory_space<vmem>>[vector<16xi32>], vector<16xf32>,
        %gather3A_1092 = tpu.vector_load_idx %arg14[%get3A_1083] : memref<16xf32, #tpu.memory_space<vmem>>[vector<16xi32>], vector<16xf32>,
        %gather3A_1093 = tpu.vector_load_idx %arg15[%get3A_1083] : memref<16xf32, #tpu.memory_space<vmem>>[vector<16xi32>], vector<16xf32>,
        %get3A_1094 = arith.constant 0 : i32
        %get3A_1095 = arith.index_cast %get3A_1094 : i32 to index
        %get3A_1096 = arith.index_cast %add3A_1077 : i32 to index
        %get3A_1097 = tpu.vector_load %arg7[%get3A_1095, %get3A_1096] {strides = array<i32>} : memref<4x20000xf32, #tpu.memory_space<vmem>>, vector<16xf32>,
        %get3A_1098 = arith.constant 1 : i32
        %get3A_1099 = arith.index_cast %get3A_1098 : i32 to index
        %get3A_1100 = arith.index_cast %add3A_1077 : i32 to index
        %get3A_1101 = tpu.vector_load %arg7[%get3A_1099, %get3A_1100] {strides = array<i32>} : memref<4x20000xf32, #tpu.memory_space<vmem>>, vector<16xf32>,
        %get3A_1102 = arith.constant 2 : i32
        %get3A_1103 = arith.index_cast %get3A_1102 : i32 to index
        %get3A_1104 = arith.index_cast %add3A_1077 : i32 to index
        %get3A_1105 = tpu.vector_load %arg7[%get3A_1103, %get3A_1104] {strides = array<i32>} : memref<4x20000xf32, #tpu.memory_space<vmem>>, vector<16xf32>,
        %get3A_1106 = arith.constant 3 : i32
        %get3A_1107 = arith.index_cast %get3A_1106 : i32 to index
        %get3A_1108 = arith.index_cast %add3A_1077 : i32 to index
        %get3A_1109 = tpu.vector_load %arg7[%get3A_1107, %get3A_1108] {strides = array<i32>} : memref<4x20000xf32, #tpu.memory_space<vmem>>, vector<16xf32>,
        %sub3A_1110 = arith.subf %get3A_1105, %get3A_1097 : vector<16xf32>
        %sub3A_1111 = arith.subf %get3A_1109, %get3A_1101 : vector<16xf32>
        %mul3A_1112 = arith.mulf %sub3A_1110, %sub3A_1111 : vector<16xf32>
        %sub3A_1113 = arith.subf %gather3A_1092, %gather3A : vector<16xf32>
        %sub3A_1114 = arith.subf %gather3A_1093, %gather3A_1091 : vector<16xf32>
        %mul3A_1115 = arith.mulf %sub3A_1113, %sub3A_1114 : vector<16xf32>
        %min3A_1116 = arith.minimumf %get3A_1105, %gather3A_1092 : vector<16xf32>
        %max3A = arith.maximumf %get3A_1097, %gather3A : vector<16xf32>
        %sub3A_1117 = arith.subf %min3A_1116, %max3A : vector<16xf32>
        %max3A_1118 = arith.constant 0.000000e+00 : f32
        %max3A_1119 = vector.broadcast %max3A_1118 : f32 to vector<16xf32>
        %max3A_1120 = arith.maximumf %sub3A_1117, %max3A_1119 : vector<16xf32>
        %min3A_1121 = arith.minimumf %get3A_1109, %gather3A_1093 : vector<16xf32>
        %max3A_1122 = arith.maximumf %get3A_1101, %gather3A_1091 : vector<16xf32>
        %sub3A_1123 = arith.subf %min3A_1121, %max3A_1122 : vector<16xf32>
        %max3A_1124 = arith.constant 0.000000e+00 : f32
        %max3A_1125 = vector.broadcast %max3A_1124 : f32 to vector<16xf32>
        %max3A_1126 = arith.maximumf %sub3A_1123, %max3A_1125 : vector<16xf32>
        %mul3A_1127 = arith.mulf %max3A_1120, %max3A_1126 : vector<16xf32>
        %add3A_1128 = arith.addf %mul3A_1112, %mul3A_1115 : vector<16xf32>
        %sub3A_1129 = arith.subf %add3A_1128, %mul3A_1127 : vector<16xf32>
        %add3A_1130 = arith.constant 1.000000e-07 : f32
        %add3A_1131 = vector.broadcast %add3A_1130 : f32 to vector<16xf32>
        %add3A_1132 = arith.addf %sub3A_1129, %add3A_1131 : vector<16xf32>
        %div3A_1133 = arith.divf %mul3A_1127, %add3A_1132 : vector<16xf32>
        %add3A_1134 = arith.addf %get3A_1097, %get3A_1105 : vector<16xf32>
        %add3A_1135 = arith.addf %gather3A, %gather3A_1092 : vector<16xf32>
        %sub3A_1136 = arith.subf %add3A_1134, %add3A_1135 : vector<16xf32>
        %add3A_1137 = arith.addf %get3A_1101, %get3A_1109 : vector<16xf32>
        %add3A_1138 = arith.addf %gather3A_1091, %gather3A_1093 : vector<16xf32>
        %sub3A_1139 = arith.subf %add3A_1137, %add3A_1138 : vector<16xf32>
        %mul3A_1140 = arith.mulf %sub3A_1136, %sub3A_1136 : vector<16xf32>
        %mul3A_1141 = arith.mulf %sub3A_1139, %sub3A_1139 : vector<16xf32>
        %add3A_1142 = arith.addf %mul3A_1140, %mul3A_1141 : vector<16xf32>
        %mul3A_1143 = arith.constant 2.500000e-01 : f32
        %mul3A_1144 = vector.broadcast %mul3A_1143 : f32 to vector<16xf32>
        %mul3A_1145 = arith.mulf %mul3A_1144, %add3A_1142 : vector<16xf32>
        %max3A_1146 = arith.maximumf %get3A_1105, %gather3A_1092 : vector<16xf32>
        %min3A_1147 = arith.minimumf %get3A_1097, %gather3A : vector<16xf32>
        %sub3A_1148 = arith.subf %max3A_1146, %min3A_1147 : vector<16xf32>
        %max3A_1149 = arith.maximumf %get3A_1109, %gather3A_1093 : vector<16xf32>
        %min3A_1150 = arith.minimumf %get3A_1101, %gather3A_1091 : vector<16xf32>
        %sub3A_1151 = arith.subf %max3A_1149, %min3A_1150 : vector<16xf32>
        %mul3A_1152 = arith.mulf %sub3A_1148, %sub3A_1148 : vector<16xf32>
        %mul3A_1153 = arith.mulf %sub3A_1151, %sub3A_1151 : vector<16xf32>
        %add3A_1154 = arith.addf %mul3A_1152, %mul3A_1153 : vector<16xf32>
        %add3A_1155 = arith.constant 1.000000e-07 : f32
        %add3A_1156 = vector.broadcast %add3A_1155 : f32 to vector<16xf32>
        %add3A_1157 = arith.addf %add3A_1154, %add3A_1156 : vector<16xf32>
        %sub3A_1158 = arith.constant 1.000000e+00 : f32
        %sub3A_1159 = vector.broadcast %sub3A_1158 : f32 to vector<16xf32>
        %sub3A_1160 = arith.subf %sub3A_1159, %div3A_1133 : vector<16xf32>
        %div3A_1161 = arith.divf %mul3A_1145, %add3A_1157 : vector<16xf32>
        %add3A_1162 = arith.addf %sub3A_1160, %div3A_1161 : vector<16xf32>
        %min3A_1163 = arith.constant 1.000000e+02 : f32
        %min3A_1164 = vector.broadcast %min3A_1163 : f32 to vector<16xf32>
        %min3A_1165 = arith.minimumf %add3A_1162, %min3A_1164 : vector<16xf32>
        %mul3A_1166 = arith.mulf %min3A_1165, %select_n3A_1090 : vector<16xf32>
        %add3A_1167 = arith.addf %scan3A_1069, %mul3A_1166 : vector<16xf32>
        %get3A_1168 = arith.index_cast %mul3A_1079 : i32 to index
        %get3A_1169 = tpu.vector_load %arg16[%get3A_1168] {strides = array<i32>} : memref<2000xf32, #tpu.memory_space<vmem>>, vector<16xf32>,
        %abs3A = math.absf %get3A_1169 : vector<16xf32>
        %neg3A = arith.constant 0.000000e+00 : f32
        %neg3A_1170 = vector.broadcast %neg3A : f32 to vector<16xf32>
        %neg3A_1171 = arith.subf %neg3A_1170, %abs3A : vector<16xf32>
        %exp3A = math.exp %neg3A_1171 : vector<16xf32>
        %max3A_1172 = arith.constant 0.000000e+00 : f32
        %max3A_1173 = vector.broadcast %max3A_1172 : f32 to vector<16xf32>
        %max3A_1174 = arith.maximumf %get3A_1169, %max3A_1173 : vector<16xf32>
        %mul3A_1175 = arith.mulf %get3A_1169, %select_n3A_1090 : vector<16xf32>
        %sub3A_1176 = arith.subf %max3A_1174, %mul3A_1175 : vector<16xf32>
        %add3A_1177 = arith.constant 1.000000e+00 : f32
        %add3A_1178 = vector.broadcast %add3A_1177 : f32 to vector<16xf32>
        %add3A_1179 = arith.addf %add3A_1178, %exp3A : vector<16xf32>
        %bitcast_convert_type3A = tpu.bitcast %add3A_1179 : vector<16xf32> -> vector<16xi32>
        %shift_right_arithmetic3A = arith.constant 23 : i32
        %shift_right_arithmetic3A_1180 = vector.broadcast %shift_right_arithmetic3A : i32 to vector<16xi32>
        %shift_right_arithmetic3A_1181 = arith.shrsi %bitcast_convert_type3A, %shift_right_arithmetic3A_1180 : vector<16xi32>
        %sub3A_1182 = arith.constant 127 : i32
        %sub3A_1183 = vector.broadcast %sub3A_1182 : i32 to vector<16xi32>
        %sub3A_1184 = arith.subi %shift_right_arithmetic3A_1181, %sub3A_1183 : vector<16xi32>
        %convert_element_type3A_1185 = arith.sitofp %sub3A_1184 : vector<16xi32> to vector<16xf32>
        %and3A = arith.constant 8388607 : i32
        %and3A_1186 = vector.broadcast %and3A : i32 to vector<16xi32>
        %and3A_1187 = arith.andi %bitcast_convert_type3A, %and3A_1186 : vector<16xi32>
        %or3A = arith.constant 1065353216 : i32
        %or3A_1188 = vector.broadcast %or3A : i32 to vector<16xi32>
        %or3A_1189 = arith.ori %and3A_1187, %or3A_1188 : vector<16xi32>
        %bitcast_convert_type3A_1190 = tpu.bitcast %or3A_1189 : vector<16xi32> -> vector<16xf32>
        %sub3A_1191 = arith.constant 1.000000e+00 : f32
        %sub3A_1192 = vector.broadcast %sub3A_1191 : f32 to vector<16xf32>
        %sub3A_1193 = arith.subf %bitcast_convert_type3A_1190, %sub3A_1192 : vector<16xf32>
        %add3A_1194 = arith.constant 2.000000e+00 : f32
        %add3A_1195 = vector.broadcast %add3A_1194 : f32 to vector<16xf32>
        %add3A_1196 = arith.addf %add3A_1195, %sub3A_1193 : vector<16xf32>
        %div3A_1197 = arith.divf %sub3A_1193, %add3A_1196 : vector<16xf32>
        %mul3A_1198 = arith.mulf %div3A_1197, %div3A_1197 : vector<16xf32>
        %div3A_1199 = arith.constant 9.000000e+00 : f32
        %div3A_1200 = vector.broadcast %div3A_1199 : f32 to vector<16xf32>
        %div3A_1201 = arith.divf %mul3A_1198, %div3A_1200 : vector<16xf32>
        %add3A_1202 = arith.constant 0.142857149 : f32
        %add3A_1203 = vector.broadcast %add3A_1202 : f32 to vector<16xf32>
        %add3A_1204 = arith.addf %add3A_1203, %div3A_1201 : vector<16xf32>
        %mul3A_1205 = arith.mulf %mul3A_1198, %add3A_1204 : vector<16xf32>
        %add3A_1206 = arith.constant 2.000000e-01 : f32
        %add3A_1207 = vector.broadcast %add3A_1206 : f32 to vector<16xf32>
        %add3A_1208 = arith.addf %add3A_1207, %mul3A_1205 : vector<16xf32>
        %mul3A_1209 = arith.mulf %mul3A_1198, %add3A_1208 : vector<16xf32>
        %add3A_1210 = arith.constant 0.333333343 : f32
        %add3A_1211 = vector.broadcast %add3A_1210 : f32 to vector<16xf32>
        %add3A_1212 = arith.addf %add3A_1211, %mul3A_1209 : vector<16xf32>
        %mul3A_1213 = arith.mulf %mul3A_1198, %add3A_1212 : vector<16xf32>
        %add3A_1214 = arith.constant 1.000000e+00 : f32
        %add3A_1215 = vector.broadcast %add3A_1214 : f32 to vector<16xf32>
        %add3A_1216 = arith.addf %add3A_1215, %mul3A_1213 : vector<16xf32>
        %mul3A_1217 = arith.mulf %div3A_1197, %add3A_1216 : vector<16xf32>
        %mul3A_1218 = arith.constant 2.885390e+00 : f32
        %mul3A_1219 = vector.broadcast %mul3A_1218 : f32 to vector<16xf32>
        %mul3A_1220 = arith.mulf %mul3A_1219, %mul3A_1217 : vector<16xf32>
        %add3A_1221 = arith.addf %convert_element_type3A_1185, %mul3A_1220 : vector<16xf32>
        %mul3A_1222 = arith.constant 0.693147182 : f32
        %mul3A_1223 = vector.broadcast %mul3A_1222 : f32 to vector<16xf32>
        %mul3A_1224 = arith.mulf %add3A_1221, %mul3A_1223 : vector<16xf32>
        %add3A_1225 = arith.addf %sub3A_1176, %mul3A_1224 : vector<16xf32>
        %ge3A_1226 = arith.constant 0.000000e+00 : f32
        %ge3A_1227 = vector.broadcast %ge3A_1226 : f32 to vector<16xf32>
        %ge3A_1228 = arith.cmpf oge, %get3A_1169, %ge3A_1227 : vector<16xf32>
        %jit3A_1229 = arith.constant 1.000000e+00 : f32
        %broadcast_in_dim3A_1230 = vector.broadcast %jit3A_1229 : f32 to vector<16xf32>
        %select_n3A_1231 = arith.select %ge3A_1228, %broadcast_in_dim3A_1230, %exp3A : vector<16xi1>, vector<16xf32>
        %add3A_1232 = arith.constant 1.000000e+00 : f32
        %add3A_1233 = vector.broadcast %add3A_1232 : f32 to vector<16xf32>
        %add3A_1234 = arith.addf %add3A_1233, %exp3A : vector<16xf32>
        %div3A_1235 = arith.divf %select_n3A_1231, %add3A_1234 : vector<16xf32>
        %mul3A_1236 = arith.mulf %div3A_1235, %select_n3A_1090 : vector<16xf32>
        %sub3A_1237 = arith.constant 1.000000e+00 : f32
        %sub3A_1238 = vector.broadcast %sub3A_1237 : f32 to vector<16xf32>
        %sub3A_1239 = arith.subf %sub3A_1238, %div3A_1235 : vector<16xf32>
        %sub3A_1240 = arith.constant 1.000000e+00 : f32
        %sub3A_1241 = vector.broadcast %sub3A_1240 : f32 to vector<16xf32>
        %sub3A_1242 = arith.subf %sub3A_1241, %select_n3A_1090 : vector<16xf32>
        %mul3A_1243 = arith.mulf %sub3A_1239, %sub3A_1242 : vector<16xf32>
        %add3A_1244 = arith.addf %mul3A_1236, %mul3A_1243 : vector<16xf32>
        %mul3A_1245 = arith.constant 2.500000e-01 : f32
        %mul3A_1246 = vector.broadcast %mul3A_1245 : f32 to vector<16xf32>
        %mul3A_1247 = arith.mulf %mul3A_1246, %select_n3A_1090 : vector<16xf32>
        %sub3A_1248 = arith.constant 1.000000e+00 : f32
        %sub3A_1249 = vector.broadcast %sub3A_1248 : f32 to vector<16xf32>
        %sub3A_1250 = arith.subf %sub3A_1249, %select_n3A_1090 : vector<16xf32>
        %mul3A_1251 = arith.constant 7.500000e-01 : f32
        %mul3A_1252 = vector.broadcast %mul3A_1251 : f32 to vector<16xf32>
        %mul3A_1253 = arith.mulf %mul3A_1252, %sub3A_1250 : vector<16xf32>
        %add3A_1254 = arith.addf %mul3A_1247, %mul3A_1253 : vector<16xf32>
        %sub3A_1255 = arith.constant 1.000000e+00 : f32
        %sub3A_1256 = vector.broadcast %sub3A_1255 : f32 to vector<16xf32>
        %sub3A_1257 = arith.subf %sub3A_1256, %add3A_1244 : vector<16xf32>
        %mul3A_1258 = arith.mulf %sub3A_1257, %sub3A_1257 : vector<16xf32>
        %mul3A_1259 = arith.mulf %add3A_1254, %mul3A_1258 : vector<16xf32>
        %mul3A_1260 = arith.mulf %mul3A_1259, %add3A_1225 : vector<16xf32>
        %min3A_1261 = arith.constant 1.000000e+02 : f32
        %min3A_1262 = vector.broadcast %min3A_1261 : f32 to vector<16xf32>
        %min3A_1263 = arith.minimumf %mul3A_1260, %min3A_1262 : vector<16xf32>
        %mul3A_1264 = arith.mulf %min3A_1263, %select_n3A_1090 : vector<16xf32>
        %add3A_1265 = arith.addf %scan3A_1070, %mul3A_1264 : vector<16xf32>
        %add3A_1266 = arith.addf %scan3A_1071, %select_n3A_1090 : vector<16xf32>
        %jit3A_1267 = arith.constant 0.000000e+00 : f32
        %broadcast_in_dim3A_1268 = vector.broadcast %jit3A_1267 : f32 to vector<16xf32>
        %select_n3A_1269 = arith.select %gt3A_1085, %broadcast_in_dim3A_1268, %min3A_1263 : vector<16xi1>, vector<16xf32>
        %max3A_1270 = arith.maximumf %scan3A_1072, %select_n3A_1269 : vector<16xf32>
        %swap3A_1271 = arith.index_cast %add3A_1077 : i32 to index
        %swap3A_1272 = tpu.vector_load %arg8[%swap3A_1271] {strides = array<i32>} : memref<20000xf32, #tpu.memory_space<vmem>>, vector<16xf32>,
        tpu.vector_store %arg8[%swap3A_1271], %select_n3A_1269 {strides = array<i32>} : memref<20000xf32, #tpu.memory_space<vmem>>, vector<16xf32>,
        scf.yield %add3A_1167, %add3A_1265, %add3A_1266, %max3A_1270 : vector<16xf32>, vector<16xf32>, vector<16xf32>, vector<16xf32>
      }
      %scan3A_1067 = arith.constant 125 : i32
      scf.yield %scan3A_1066#0, %scan3A_1066#1, %scan3A_1066#2, %scan3A_1066#3 : vector<16xf32>, vector<16xf32>, vector<16xf32>, vector<16xf32>
    }
    %scan3A_903 = arith.constant 10 : i32
    %reduce_sum3A = arith.constant true
    %reduce_sum3A_904 = vector.broadcast %reduce_sum3A : i1 to vector<16xi1>
    %reduce_sum3A_905 = tpu.scan <sum>, %scan3A_902#0 masked %reduce_sum3A_904 : vector<16xf32>, vector<16xi1> -> vector<16xf32>
    %reduce_sum3A_906 = vector.extract %reduce_sum3A_905[15] : f32 from vector<16xf32>
    %reduce_sum3A_907 = arith.constant true
    %reduce_sum3A_908 = vector.broadcast %reduce_sum3A_907 : i1 to vector<16xi1>
    %reduce_sum3A_909 = tpu.scan <sum>, %scan3A_902#1 masked %reduce_sum3A_908 : vector<16xf32>, vector<16xi1> -> vector<16xf32>
    %reduce_sum3A_910 = vector.extract %reduce_sum3A_909[15] : f32 from vector<16xf32>
    %reduce_sum3A_911 = arith.constant true
    %reduce_sum3A_912 = vector.broadcast %reduce_sum3A_911 : i1 to vector<16xi1>
    %reduce_sum3A_913 = tpu.scan <sum>, %scan3A_902#2 masked %reduce_sum3A_912 : vector<16xf32>, vector<16xi1> -> vector<16xf32>
    %reduce_sum3A_914 = vector.extract %reduce_sum3A_913[15] : f32 from vector<16xf32>
    %sub3A_915 = arith.constant 2.000000e+04 : f32
    %sub3A_916 = arith.subf %sub3A_915, %reduce_sum3A_914 : f32
    %mul3A_917 = arith.constant 3.000000e+00 : f32
    %mul3A_918 = arith.mulf %reduce_sum3A_914, %mul3A_917 : f32
    %min3A = arith.minimumf %sub3A_916, %mul3A_918 : f32
    %broadcast_in_dim3A_919 = arith.constant 1.000000e+00 : f32
    %broadcast_in_dim3A_920 = vector.broadcast %broadcast_in_dim3A_919 : f32 to vector<16xf32>
    %reduce_max3A_921 = arith.constant true
    %reduce_max3A_922 = vector.broadcast %reduce_max3A_921 : i1 to vector<16xi1>
    %reduce_max3A_923 = tpu.scan <max>, %scan3A_902#3 masked %reduce_max3A_922 : vector<16xf32>, vector<16xi1> -> vector<16xf32>
    %reduce_max3A_924 = vector.extract %reduce_max3A_923[15] : f32 from vector<16xf32>
    %mul3A_925 = arith.constant 1.00000095 : f32
    %mul3A_926 = arith.mulf %reduce_max3A_924, %mul3A_925 : f32
    %add3A_927 = arith.constant 9.99999968E-21 : f32
    %add3A_928 = arith.addf %mul3A_926, %add3A_927 : f32
    %sub3A_929 = arith.constant 0.000000e+00 : f32
    %sub3A_930 = arith.subf %add3A_928, %sub3A_929 : f32
    %mul3A_931 = arith.constant 7.812500e-03 : f32
    %mul3A_932 = arith.mulf %sub3A_930, %mul3A_931 : f32
    %broadcast_in_dim3A_933 = vector.broadcast %mul3A_932 : f32 to vector<16xf32>
    %div3A = arith.constant 1.000000e+00 : f32
    %div3A_934 = vector.broadcast %div3A : f32 to vector<16xf32>
    %div3A_935 = arith.divf %div3A_934, %broadcast_in_dim3A_933 : vector<16xf32>
    %slice3A_936 = vector.extract_strided_slice %div3A_935 {offsets = [0], sizes = [1], strides = [1]} : vector<16xf32> to vector<1xf32>
    %squeeze3A_937 = vector.extract %slice3A_936[0] : f32 from vector<1xf32>
    %scan3A_938 = arith.constant 0 : i32
    %scan3A_939 = arith.constant 0 : i32
    %scan3A_940 = arith.constant 128 : i32
    %scan3A_941 = arith.addi %scan3A_939, %scan3A_940 : i32
    %scan3A_942 = arith.constant 1 : i32
    scf.for %scan3A_1052 = %scan3A_939 to %scan3A_941 step %scan3A_942  : i32 {
      %broadcast_in_dim3A_1053 = arith.constant 0.000000e+00 : f32
      %broadcast_in_dim3A_1054 = vector.broadcast %broadcast_in_dim3A_1053 : f32 to vector<16xf32>
      %mul3A_1055 = arith.constant 16 : i32
      %mul3A_1056 = arith.muli %scan3A_1052, %mul3A_1055 : i32
      %swap3A_1057 = arith.index_cast %mul3A_1056 : i32 to index
      %swap3A_1058 = tpu.vector_load %arg18[%swap3A_1057] {strides = array<i32>} : memref<2048xf32, #tpu.memory_space<vmem>>, vector<16xf32>,
      tpu.vector_store %arg18[%swap3A_1057], %broadcast_in_dim3A_1054 {strides = array<i32>} : memref<2048xf32, #tpu.memory_space<vmem>>, vector<16xf32>,
    }
    %scan3A_943 = arith.constant 128 : i32
    %scan3A_944 = arith.constant 0 : i32
    %scan3A_945 = arith.constant 0.000000e+00 : f32
    %scan3A_946 = arith.constant 0 : i32
    %scan3A_947 = arith.constant 1250 : i32
    %scan3A_948 = arith.addi %scan3A_946, %scan3A_947 : i32
    %scan3A_949 = arith.constant 1 : i32
    scf.for %scan3A_1052 = %scan3A_946 to %scan3A_948 step %scan3A_949  : i32 {
      %mul3A_1053 = arith.constant 16 : i32
      %mul3A_1054 = arith.muli %scan3A_1052, %mul3A_1053 : i32
      %get3A_1055 = arith.index_cast %mul3A_1054 : i32 to index
      %get3A_1056 = tpu.vector_load %arg8[%get3A_1055] {strides = array<i32>} : memref<20000xf32, #tpu.memory_space<vmem>>, vector<16xf32>,
      %sub3A_1057 = vector.broadcast %scan3A_945 : f32 to vector<16xf32>
      %sub3A_1058 = arith.subf %get3A_1056, %sub3A_1057 : vector<16xf32>
      %mul3A_1059 = vector.broadcast %squeeze3A_937 : f32 to vector<16xf32>
      %mul3A_1060 = arith.mulf %sub3A_1058, %mul3A_1059 : vector<16xf32>
      %convert_element_type3A_1061 = arith.fptosi %mul3A_1060 : vector<16xf32> to vector<16xi32>
      %ge3A_1062 = vector.broadcast %scan3A_945 : f32 to vector<16xf32>
      %ge3A_1063 = arith.cmpf oge, %get3A_1056, %ge3A_1062 : vector<16xf32>
      %le3A = arith.constant 127 : i32
      %le3A_1064 = vector.broadcast %le3A : i32 to vector<16xi32>
      %le3A_1065 = arith.cmpi sle, %convert_element_type3A_1061, %le3A_1064 : vector<16xi32>
      %and3A = arith.andi %ge3A_1063, %le3A_1065 : vector<16xi1>
      %max3A = arith.constant 0 : i32
      %max3A_1066 = vector.broadcast %max3A : i32 to vector<16xi32>
      %max3A_1067 = arith.maxsi %convert_element_type3A_1061, %max3A_1066 : vector<16xi32>
      %min3A_1068 = arith.constant 127 : i32
      %min3A_1069 = vector.broadcast %min3A_1068 : i32 to vector<16xi32>
      %min3A_1070 = arith.minsi %max3A_1067, %min3A_1069 : vector<16xi32>
      %mul3A_1071 = arith.constant 16 : i32
      %mul3A_1072 = vector.broadcast %mul3A_1071 : i32 to vector<16xi32>
      %mul3A_1073 = arith.muli %min3A_1070, %mul3A_1072 : vector<16xi32>
      %add3A_1074 = arith.addi %mul3A_1073, %iota3A : vector<16xi32>
      %jit3A_1075 = arith.constant 1.000000e+00 : f32
      %jit3A_1076 = arith.constant 0.000000e+00 : f32
      %broadcast_in_dim3A_1077 = vector.broadcast %jit3A_1075 : f32 to vector<16xf32>
      %broadcast_in_dim3A_1078 = vector.broadcast %jit3A_1076 : f32 to vector<16xf32>
      %select_n3A_1079 = arith.select %and3A, %broadcast_in_dim3A_1077, %broadcast_in_dim3A_1078 : vector<16xi1>, vector<16xf32>
      tpu.vector_store_idx %arg18[%add3A_1074], %select_n3A_1079 {add = true} : memref<2048xf32, #tpu.memory_space<vmem>>[vector<16xi32>], vector<16xf32>,
    }
    %scan3A_950 = arith.constant 1250 : i32
    %scan3A_951 = arith.constant 0.000000e+00 : f32
    %scan3A_952 = arith.constant 0.000000e+00 : f32
    %scan3A_953 = arith.constant 0.000000e+00 : f32
    %scan3A_954 = arith.constant 0 : i32
    %scan3A_955 = arith.constant 0.000000e+00 : f32
    %scan3A_956 = arith.constant 0 : i32
    %scan3A_957 = arith.constant 128 : i32
    %scan3A_958 = arith.addi %scan3A_956, %scan3A_957 : i32
    %scan3A_959 = arith.constant 1 : i32
    %scan3A_960:4 = scf.for %scan3A_1052 = %scan3A_956 to %scan3A_958 step %scan3A_959 iter_args(%scan3A_1053 = %scan3A_952, %scan3A_1054 = %scan3A_953, %scan3A_1055 = %scan3A_954, %scan3A_1056 = %scan3A_955) -> (f32, f32, i32, f32)  : i32 {
      %sub3A_1057 = arith.constant 127 : i32
      %sub3A_1058 = arith.subi %sub3A_1057, %scan3A_1052 : i32
      %mul3A_1059 = arith.constant 16 : i32
      %mul3A_1060 = arith.muli %sub3A_1058, %mul3A_1059 : i32
      %get3A_1061 = arith.index_cast %mul3A_1060 : i32 to index
      %get3A_1062 = tpu.vector_load %arg18[%get3A_1061] {strides = array<i32>} : memref<2048xf32, #tpu.memory_space<vmem>>, vector<16xf32>,
      %reduce_sum3A_1063 = arith.constant true
      %reduce_sum3A_1064 = vector.broadcast %reduce_sum3A_1063 : i1 to vector<16xi1>
      %reduce_sum3A_1065 = tpu.scan <sum>, %get3A_1062 masked %reduce_sum3A_1064 : vector<16xf32>, vector<16xi1> -> vector<16xf32>
      %reduce_sum3A_1066 = vector.extract %reduce_sum3A_1065[15] : f32 from vector<16xf32>
      %add3A_1067 = arith.addf %scan3A_1053, %reduce_sum3A_1066 : f32
      %lt3A = arith.constant 5.000000e-01 : f32
      %lt3A_1068 = arith.cmpf olt, %scan3A_1056, %lt3A : f32
      %add3A_1069 = arith.addf %scan3A_951, %add3A_1067 : f32
      %ge3A_1070 = arith.cmpf oge, %add3A_1069, %min3A : f32
      %and3A = arith.andi %lt3A_1068, %ge3A_1070 : i1
      %select_n3A_1071 = arith.select %and3A, %scan3A_1053, %scan3A_1054 : f32
      %select_n3A_1072 = arith.select %and3A, %sub3A_1058, %scan3A_1055 : i32
      %jit3A_1073 = arith.constant 1.000000e+00 : f32
      %select_n3A_1074 = arith.select %and3A, %jit3A_1073, %scan3A_1056 : f32
      scf.yield %add3A_1067, %select_n3A_1071, %select_n3A_1072, %select_n3A_1074 : f32, f32, i32, f32
    }
    %scan3A_961 = arith.constant 128 : i32
    %add3A_962 = arith.constant 0.000000e+00 : f32
    %add3A_963 = arith.addf %add3A_962, %scan3A_960#1 : f32
    %convert_element_type3A = arith.sitofp %scan3A_960#2 : i32 to f32
    %add3A_964 = arith.constant 1.000000e+00 : f32
    %add3A_965 = arith.addf %convert_element_type3A, %add3A_964 : f32
    %mul3A_966 = arith.mulf %add3A_965, %mul3A_932 : f32
    %add3A_967 = arith.constant 0.000000e+00 : f32
    %add3A_968 = arith.addf %add3A_967, %mul3A_966 : f32
    %mul3A_969 = arith.mulf %convert_element_type3A, %mul3A_932 : f32
    %add3A_970 = arith.constant 0.000000e+00 : f32
    %add3A_971 = arith.addf %add3A_970, %mul3A_969 : f32
    %sub3A_972 = arith.subf %add3A_968, %add3A_971 : f32
    %mul3A_973 = arith.constant 7.812500e-03 : f32
    %mul3A_974 = arith.mulf %sub3A_972, %mul3A_973 : f32
    %broadcast_in_dim3A_975 = vector.broadcast %mul3A_974 : f32 to vector<16xf32>
    %div3A_976 = arith.constant 1.000000e+00 : f32
    %div3A_977 = vector.broadcast %div3A_976 : f32 to vector<16xf32>
    %div3A_978 = arith.divf %div3A_977, %broadcast_in_dim3A_975 : vector<16xf32>
    %slice3A_979 = vector.extract_strided_slice %div3A_978 {offsets = [0], sizes = [1], strides = [1]} : vector<16xf32> to vector<1xf32>
    %squeeze3A_980 = vector.extract %slice3A_979[0] : f32 from vector<1xf32>
    %scan3A_981 = arith.constant 0 : i32
    %scan3A_982 = arith.constant 0 : i32
    %scan3A_983 = arith.constant 128 : i32
    %scan3A_984 = arith.addi %scan3A_982, %scan3A_983 : i32
    %scan3A_985 = arith.constant 1 : i32
    scf.for %scan3A_1052 = %scan3A_982 to %scan3A_984 step %scan3A_985  : i32 {
      %broadcast_in_dim3A_1053 = arith.constant 0.000000e+00 : f32
      %broadcast_in_dim3A_1054 = vector.broadcast %broadcast_in_dim3A_1053 : f32 to vector<16xf32>
      %mul3A_1055 = arith.constant 16 : i32
      %mul3A_1056 = arith.muli %scan3A_1052, %mul3A_1055 : i32
      %swap3A_1057 = arith.index_cast %mul3A_1056 : i32 to index
      %swap3A_1058 = tpu.vector_load %arg18[%swap3A_1057] {strides = array<i32>} : memref<2048xf32, #tpu.memory_space<vmem>>, vector<16xf32>,
      tpu.vector_store %arg18[%swap3A_1057], %broadcast_in_dim3A_1054 {strides = array<i32>} : memref<2048xf32, #tpu.memory_space<vmem>>, vector<16xf32>,
    }
    %scan3A_986 = arith.constant 128 : i32
    %scan3A_987 = arith.constant 0 : i32
    %scan3A_988 = arith.constant 0 : i32
    %scan3A_989 = arith.constant 1250 : i32
    %scan3A_990 = arith.addi %scan3A_988, %scan3A_989 : i32
    %scan3A_991 = arith.constant 1 : i32
    scf.for %scan3A_1052 = %scan3A_988 to %scan3A_990 step %scan3A_991  : i32 {
      %mul3A_1053 = arith.constant 16 : i32
      %mul3A_1054 = arith.muli %scan3A_1052, %mul3A_1053 : i32
      %get3A_1055 = arith.index_cast %mul3A_1054 : i32 to index
      %get3A_1056 = tpu.vector_load %arg8[%get3A_1055] {strides = array<i32>} : memref<20000xf32, #tpu.memory_space<vmem>>, vector<16xf32>,
      %sub3A_1057 = vector.broadcast %add3A_971 : f32 to vector<16xf32>
      %sub3A_1058 = arith.subf %get3A_1056, %sub3A_1057 : vector<16xf32>
      %mul3A_1059 = vector.broadcast %squeeze3A_980 : f32 to vector<16xf32>
      %mul3A_1060 = arith.mulf %sub3A_1058, %mul3A_1059 : vector<16xf32>
      %convert_element_type3A_1061 = arith.fptosi %mul3A_1060 : vector<16xf32> to vector<16xi32>
      %ge3A_1062 = vector.broadcast %add3A_971 : f32 to vector<16xf32>
      %ge3A_1063 = arith.cmpf oge, %get3A_1056, %ge3A_1062 : vector<16xf32>
      %le3A = arith.constant 127 : i32
      %le3A_1064 = vector.broadcast %le3A : i32 to vector<16xi32>
      %le3A_1065 = arith.cmpi sle, %convert_element_type3A_1061, %le3A_1064 : vector<16xi32>
      %and3A = arith.andi %ge3A_1063, %le3A_1065 : vector<16xi1>
      %max3A = arith.constant 0 : i32
      %max3A_1066 = vector.broadcast %max3A : i32 to vector<16xi32>
      %max3A_1067 = arith.maxsi %convert_element_type3A_1061, %max3A_1066 : vector<16xi32>
      %min3A_1068 = arith.constant 127 : i32
      %min3A_1069 = vector.broadcast %min3A_1068 : i32 to vector<16xi32>
      %min3A_1070 = arith.minsi %max3A_1067, %min3A_1069 : vector<16xi32>
      %mul3A_1071 = arith.constant 16 : i32
      %mul3A_1072 = vector.broadcast %mul3A_1071 : i32 to vector<16xi32>
      %mul3A_1073 = arith.muli %min3A_1070, %mul3A_1072 : vector<16xi32>
      %add3A_1074 = arith.addi %mul3A_1073, %iota3A : vector<16xi32>
      %jit3A_1075 = arith.constant 1.000000e+00 : f32
      %jit3A_1076 = arith.constant 0.000000e+00 : f32
      %broadcast_in_dim3A_1077 = vector.broadcast %jit3A_1075 : f32 to vector<16xf32>
      %broadcast_in_dim3A_1078 = vector.broadcast %jit3A_1076 : f32 to vector<16xf32>
      %select_n3A_1079 = arith.select %and3A, %broadcast_in_dim3A_1077, %broadcast_in_dim3A_1078 : vector<16xi1>, vector<16xf32>
      tpu.vector_store_idx %arg18[%add3A_1074], %select_n3A_1079 {add = true} : memref<2048xf32, #tpu.memory_space<vmem>>[vector<16xi32>], vector<16xf32>,
    }
    %scan3A_992 = arith.constant 1250 : i32
    %scan3A_993 = arith.constant 0.000000e+00 : f32
    %scan3A_994 = arith.constant 0.000000e+00 : f32
    %scan3A_995 = arith.constant 0 : i32
    %scan3A_996 = arith.constant 0.000000e+00 : f32
    %scan3A_997 = arith.constant 0 : i32
    %scan3A_998 = arith.constant 128 : i32
    %scan3A_999 = arith.addi %scan3A_997, %scan3A_998 : i32
    %scan3A_1000 = arith.constant 1 : i32
    %scan3A_1001:4 = scf.for %scan3A_1052 = %scan3A_997 to %scan3A_999 step %scan3A_1000 iter_args(%scan3A_1053 = %scan3A_993, %scan3A_1054 = %scan3A_994, %scan3A_1055 = %scan3A_995, %scan3A_1056 = %scan3A_996) -> (f32, f32, i32, f32)  : i32 {
      %sub3A_1057 = arith.constant 127 : i32
      %sub3A_1058 = arith.subi %sub3A_1057, %scan3A_1052 : i32
      %mul3A_1059 = arith.constant 16 : i32
      %mul3A_1060 = arith.muli %sub3A_1058, %mul3A_1059 : i32
      %get3A_1061 = arith.index_cast %mul3A_1060 : i32 to index
      %get3A_1062 = tpu.vector_load %arg18[%get3A_1061] {strides = array<i32>} : memref<2048xf32, #tpu.memory_space<vmem>>, vector<16xf32>,
      %reduce_sum3A_1063 = arith.constant true
      %reduce_sum3A_1064 = vector.broadcast %reduce_sum3A_1063 : i1 to vector<16xi1>
      %reduce_sum3A_1065 = tpu.scan <sum>, %get3A_1062 masked %reduce_sum3A_1064 : vector<16xf32>, vector<16xi1> -> vector<16xf32>
      %reduce_sum3A_1066 = vector.extract %reduce_sum3A_1065[15] : f32 from vector<16xf32>
      %add3A_1067 = arith.addf %scan3A_1053, %reduce_sum3A_1066 : f32
      %lt3A = arith.constant 5.000000e-01 : f32
      %lt3A_1068 = arith.cmpf olt, %scan3A_1056, %lt3A : f32
      %add3A_1069 = arith.addf %add3A_963, %add3A_1067 : f32
      %ge3A_1070 = arith.cmpf oge, %add3A_1069, %min3A : f32
      %and3A = arith.andi %lt3A_1068, %ge3A_1070 : i1
      %select_n3A_1071 = arith.select %and3A, %scan3A_1053, %scan3A_1054 : f32
      %select_n3A_1072 = arith.select %and3A, %sub3A_1058, %scan3A_1055 : i32
      %jit3A_1073 = arith.constant 1.000000e+00 : f32
      %select_n3A_1074 = arith.select %and3A, %jit3A_1073, %scan3A_1056 : f32
      scf.yield %add3A_1067, %select_n3A_1071, %select_n3A_1072, %select_n3A_1074 : f32, f32, i32, f32
    }
    %scan3A_1002 = arith.constant 128 : i32
    %add3A_1003 = arith.addf %add3A_963, %scan3A_1001#1 : f32
    %convert_element_type3A_1004 = arith.sitofp %scan3A_1001#2 : i32 to f32
    %add3A_1005 = arith.constant 1.000000e+00 : f32
    %add3A_1006 = arith.addf %convert_element_type3A_1004, %add3A_1005 : f32
    %mul3A_1007 = arith.mulf %add3A_1006, %mul3A_974 : f32
    %add3A_1008 = arith.addf %add3A_971, %mul3A_1007 : f32
    %mul3A_1009 = arith.mulf %convert_element_type3A_1004, %mul3A_974 : f32
    %add3A_1010 = arith.addf %add3A_971, %mul3A_1009 : f32
    %scan3A_1011 = arith.constant 0 : i32
    %scan3A_1012 = arith.constant 1250 : i32
    %scan3A_1013 = arith.addi %scan3A_1011, %scan3A_1012 : i32
    %scan3A_1014 = arith.constant 1 : i32
    %scan3A_1015:2 = scf.for %scan3A_1052 = %scan3A_1011 to %scan3A_1013 step %scan3A_1014 iter_args(%scan3A_1053 = %broadcast_in_dim3A_897, %scan3A_1054 = %broadcast_in_dim3A_897) -> (vector<16xf32>, vector<16xf32>)  : i32 {
      %mul3A_1055 = arith.constant 16 : i32
      %mul3A_1056 = arith.muli %scan3A_1052, %mul3A_1055 : i32
      %get3A_1057 = arith.index_cast %mul3A_1056 : i32 to index
      %get3A_1058 = tpu.vector_load %arg8[%get3A_1057] {strides = array<i32>} : memref<20000xf32, #tpu.memory_space<vmem>>, vector<16xf32>,
      %gt3A = vector.broadcast %add3A_1010 : f32 to vector<16xf32>
      %gt3A_1059 = arith.cmpf ogt, %get3A_1058, %gt3A : vector<16xf32>
      %jit3A_1060 = arith.constant 0.000000e+00 : f32
      %broadcast_in_dim3A_1061 = vector.broadcast %jit3A_1060 : f32 to vector<16xf32>
      %select_n3A_1062 = arith.select %gt3A_1059, %get3A_1058, %broadcast_in_dim3A_1061 : vector<16xi1>, vector<16xf32>
      %add3A_1063 = arith.addf %scan3A_1053, %select_n3A_1062 : vector<16xf32>
      %jit3A_1064 = arith.constant 1.000000e+00 : f32
      %jit3A_1065 = arith.constant 0.000000e+00 : f32
      %broadcast_in_dim3A_1066 = vector.broadcast %jit3A_1064 : f32 to vector<16xf32>
      %broadcast_in_dim3A_1067 = vector.broadcast %jit3A_1065 : f32 to vector<16xf32>
      %select_n3A_1068 = arith.select %gt3A_1059, %broadcast_in_dim3A_1066, %broadcast_in_dim3A_1067 : vector<16xi1>, vector<16xf32>
      %add3A_1069 = arith.addf %scan3A_1054, %select_n3A_1068 : vector<16xf32>
      scf.yield %add3A_1063, %add3A_1069 : vector<16xf32>, vector<16xf32>
    }
    %scan3A_1016 = arith.constant 1250 : i32
    %reduce_sum3A_1017 = arith.constant true
    %reduce_sum3A_1018 = vector.broadcast %reduce_sum3A_1017 : i1 to vector<16xi1>
    %reduce_sum3A_1019 = tpu.scan <sum>, %scan3A_1015#0 masked %reduce_sum3A_1018 : vector<16xf32>, vector<16xi1> -> vector<16xf32>
    %reduce_sum3A_1020 = vector.extract %reduce_sum3A_1019[15] : f32 from vector<16xf32>
    %reduce_sum3A_1021 = arith.constant true
    %reduce_sum3A_1022 = vector.broadcast %reduce_sum3A_1021 : i1 to vector<16xi1>
    %reduce_sum3A_1023 = tpu.scan <sum>, %scan3A_1015#1 masked %reduce_sum3A_1022 : vector<16xf32>, vector<16xi1> -> vector<16xf32>
    %reduce_sum3A_1024 = vector.extract %reduce_sum3A_1023[15] : f32 from vector<16xf32>
    %sub3A_1025 = arith.subf %min3A, %reduce_sum3A_1024 : f32
    %mul3A_1026 = arith.mulf %add3A_1010, %sub3A_1025 : f32
    %add3A_1027 = arith.addf %reduce_sum3A_1020, %mul3A_1026 : f32
    %ge3A = arith.constant 5.000000e-01 : f32
    %ge3A_1028 = arith.cmpf oge, %min3A, %ge3A : f32
    %jit3A = arith.constant 0.000000e+00 : f32
    %select_n3A_1029 = arith.select %ge3A_1028, %add3A_1027, %jit3A : f32
    %add3A_1030 = arith.addf %reduce_sum3A_910, %select_n3A_1029 : f32
    %eq3A_1031 = arith.constant 0 : i32
    %eq3A_1032 = vector.broadcast %eq3A_1031 : i32 to vector<16xi32>
    %eq3A_1033 = arith.cmpi eq, %iota3A, %eq3A_1032 : vector<16xi32>
    %eq3A_1034 = arith.constant 1 : i32
    %eq3A_1035 = vector.broadcast %eq3A_1034 : i32 to vector<16xi32>
    %eq3A_1036 = arith.cmpi eq, %iota3A, %eq3A_1035 : vector<16xi32>
    %eq3A_1037 = arith.constant 2 : i32
    %eq3A_1038 = vector.broadcast %eq3A_1037 : i32 to vector<16xi32>
    %eq3A_1039 = arith.cmpi eq, %iota3A, %eq3A_1038 : vector<16xi32>
    %jit3A_1040 = arith.constant 0.000000e+00 : f32
    %broadcast_in_dim3A_1041 = vector.broadcast %reduce_sum3A_914 : f32 to vector<16xf32>
    %broadcast_in_dim3A_1042 = vector.broadcast %jit3A_1040 : f32 to vector<16xf32>
    %select_n3A_1043 = arith.select %eq3A_1039, %broadcast_in_dim3A_1041, %broadcast_in_dim3A_1042 : vector<16xi1>, vector<16xf32>
    %broadcast_in_dim3A_1044 = vector.broadcast %add3A_1030 : f32 to vector<16xf32>
    %select_n3A_1045 = arith.select %eq3A_1036, %broadcast_in_dim3A_1044, %select_n3A_1043 : vector<16xi1>, vector<16xf32>
    %broadcast_in_dim3A_1046 = vector.broadcast %reduce_sum3A_906 : f32 to vector<16xf32>
    %select_n3A_1047 = arith.select %eq3A_1033, %broadcast_in_dim3A_1046, %select_n3A_1045 : vector<16xi1>, vector<16xf32>
    %swap3A_1048 = arith.constant 0 : index
    %swap3A_1049 = tpu.vector_load %arg17[%swap3A_1048] {strides = array<i32>} : memref<16xf32, #tpu.memory_space<vmem>>, vector<16xf32>,
    tpu.vector_store %arg17[%swap3A_1048], %select_n3A_1047 {strides = array<i32>} : memref<16xf32, #tpu.memory_space<vmem>>, vector<16xf32>,
    %mul3A_1050 = arith.constant 16 : i32
    %mul3A_1051 = arith.muli %add3A, %mul3A_1050 : i32
    "tpu.region"() ({
      %run_scoped3A = tpu.sem_alloc : memref<!tpu.dma_semaphore, #tpu.memory_space<semaphore_mem>>
      %dma_start3A = tpu.memref_slice %arg6[%mul3A_1051] : memref<512xf32, #tpu.memory_space<hbm>> -> memref<16xf32, #tpu.memory_space<hbm>>
      %dma_start3A_1052 = tpu.memref_slice %arg6[%mul3A_1051] : memref<512xf32, #tpu.memory_space<hbm>> -> memref<16xf32, #tpu.memory_space<hbm>>
      tpu.enqueue_dma source(%arg17 : memref<16xf32, #tpu.memory_space<vmem>>) target(%dma_start3A_1052 : memref<16xf32, #tpu.memory_space<hbm>>) target_semaphore(%run_scoped3A : memref<!tpu.dma_semaphore, #tpu.memory_space<semaphore_mem>>)
      %dma_wait3A = tpu.memref_slice %arg6[%mul3A_1051] : memref<512xf32, #tpu.memory_space<hbm>> -> memref<16xf32, #tpu.memory_space<hbm>>
      %dma_wait3A_1053 = tpu.memref_slice %arg6[%mul3A_1051] : memref<512xf32, #tpu.memory_space<hbm>> -> memref<16xf32, #tpu.memory_space<hbm>>
      tpu.wait_dma2 semaphore(%run_scoped3A : memref<!tpu.dma_semaphore, #tpu.memory_space<semaphore_mem>>) src(%arg17 : memref<16xf32, #tpu.memory_space<vmem>>) dst(%dma_wait3A_1053 : memref<16xf32, #tpu.memory_space<hbm>>)
      tpu.yield
    }) : () -> ()
    return
  }
}

</mosaic_0001>

<sc_bundles>
// kernel: _run.3.cloned.1.call-start
scs
__scs_entry_jumppad:
0x0: {  	(pc) =	sbr.rel $0x88, $3  }
0x1: {  	(tag) =	ssettag $0x0;
	lr =	simm.s32 $0x1  }
0x2: {  	[smem:$0x3F9D] =	sst lr;
	_ =	strace $0xD0000000  }
0x3: {  	_ = 	snop  }
0x4: {  	_ = 	snop  }
0x5: {  	_ = 	snop  }
0x6: {  	_ = 	snop  }
0x7: {  	_ = 	snop  }
__scs_overlays_trampoline_lowered:
0x8: {  	[smem:$0x3FAC] =	sst s0  }
0x9: {  	[smem:$0x3FAD] =	sst s1  }
0xa: {  	[smem:$0x3FAE] =	sst s2  }
0xb: {  	[smem:$0x3FAF] =	sst s3  }
0xc: {  	[smem:$0x3FB0] =	sst s4  }
0xd: {  	[smem:$0x3FB1] =	sst s5  }
0xe: {  	[smem:$0x3FB2] =	sst s6  }
0xf: {  	[smem:$0x3FB3] =	sst s7  }
0x10: {  	[smem:$0x3FB4] =	sst s8  }
0x11: {  	[smem:$0x3FB5] =	sst s9;
	s0 =	simm.s32 @!p0 $0x0  }
0x12: {  	s1 =	sld [smem:$0x3F9B];
	s0 =	simm.s32 @p0 $0x1  }
0x13: {  	[smem:$0x3FB6] =	sst s0;
	s0 =	simm.s32 @!p1 $0x0  }
0x14: {  	s2 =	sld [smem:$0x3F9A];
	s0 =	simm.s32 @p1 $0x1  }
0x15: {  	[smem:$0x3FB7] =	sst s0;
	s0 =	simm.s32 @!p2 $0x0  }
0x16: {  	s3 =	sld [smem:$0x3FDB];
	s0 =	simm.s32 @p2 $0x1  }
0x17: {  	s4 =	simm.s32 $0x1BF5;
	[smem:$0x3FB9] =	sst s0  }
0x18: {  	s0 =	sld [smem:$0x3F9C];
	_ =	swait.ge [sflag:s4], $0x0  }
0x19: {  	s7 =	sld [smem:$0x3F9D]  }
0x1a: {  	s8 =	sadd.s32 $0xFFFFE003, lr  }
0x1b: {  	s9 =	sadd.s32 $0xFFFFFEF7, lr;
	s5 =	simm.s32 $0xFFFFFFFF;
	p2 =	slt.u32 s8, $0xFFFFF086  }
0x1c: {  	p1 =	slt.u32 s9, $0xF7A;
	s5 =	simm.s32 @!p2 $0x0  }
0x1d: {  	s5 =	simm.s32 @p1 $0x1;
	p0 =	seq.s32 s7, s2  }
0x1e: {  	s7 =	smul.u32 @!p0 $0xF7A, s2;
	p2 =	seq.s32 @!p0 s5, $0x0  }
0x1f: {  	s9 =	smul.u32 $0xF7A, s1;
	s8 =	simm.s32 @!p0 $0x1BF5;
	p2 =	por !p2, p0  }
0x20: {  	[sflag:s8] =	ssyncset.s32 @!p0 $0xFFFFF086;
	s6 =	sadd.s32 @!p0 s3, s7;
	s7 =	simm.s32 @!p0 $0x108  }
0x21: {  	s3 =	sadd.s32 s3, s9;
	s6 =	sadd.s32 @!p0 $0x88, s6;
	s7 =	simm.s32 @p2 $0x1082  }
0x22: {  	[simem:s7], [sflag:s8] =	dma.local @!p0 [hbm:s6], $0xF7A  }
0x23: {  	s9 =	sor.u32 $0xD0000000, s2;
	s6 =	simm.s32 $0x108;
	_ =	swait.ge @!p0 [sflag:s8], $0x0  }
0x24: {  	s3 =	sadd.s32 $0x88, s3;
	s6 =	simm.s32 @!p1 $0x1082;
	[sflag:s4] =	ssyncset.s32 $0xFFFFF086  }
0x25: {  	[simem:s6], [sflag:s4] =	dma.local [hbm:s3], $0xF7A  }
0x26: {  	[smem:$0x3F9D] =	sst s1;
	(tag) =	ssettag s2;
	_ =	strace s9  }
0x27: {  	s1 =	sld [smem:$0x3FAD]  }
0x28: {  	s2 =	sld [smem:$0x3FAE]  }
0x29: {  	s4 =	sld [smem:$0x3FB0]  }
0x2a: {  	p0 =	seq.s32 s5, $0x0;
	s5 =	sld [smem:$0x3FB1]  }
0x2b: {  	s6 =	sld [smem:$0x3FB2]  }
0x2c: {  	s7 =	sld [smem:$0x3FB3]  }
0x2d: {  	s3 =	simm.s32 $0x108;
	s8 =	sld [smem:$0x3FB4]  }
0x2e: {  	s3 =	simm.s32 @!p0 $0x1082;
	s9 =	sld [smem:$0x3FB5]  }
0x2f: {  	lr =	sadd.s32 s0, s3;
	s0 =	sld [smem:$0x3FAC]  }
0x30: {  	s3 =	sld [smem:$0x3FAF]  }
0x31: {  	[smem:$0x3FB8] =	sst s10  }
0x32: {  	s10 =	sld [smem:$0x3FB6];
	_ =	sdelay $0x3  }
0x33: {  	p0 =	seq.s32 s10, $0x1;
	s10 =	sld [smem:$0x3FB8];
	_ =	sdelay $0x3  }
0x34: {  	[smem:$0x3FB8] =	sst s10  }
0x35: {  	s10 =	sld [smem:$0x3FB7];
	_ =	sdelay $0x3  }
0x36: {  	p1 =	seq.s32 s10, $0x1;
	s10 =	sld [smem:$0x3FB8];
	_ =	sdelay $0x3  }
0x37: {  	[smem:$0x3FB8] =	sst s10  }
0x38: {  	s10 =	sld [smem:$0x3FB9]  }
0x39: {  	_ = 	snop;
	(pc) =	sbr.ind lr, $3  }
0x3a: {  	_ = 	snop  }
0x3b: {  	_ = 	snop  }
0x3c: {  	p2 =	seq.s32 s10, $0x1;
	s10 =	sld [smem:$0x3FB8]  }
0x3d: {  	_ =	shalt  }
0x3e: {  	_ =	shalt  }
0x3f: {  	_ =	shalt  }
0x40: {  	_ =	shalt  }
0x41: {  	_ =	shalt  }
0x42: {  	_ =	shalt  }
0x43: {  	_ =	shalt  }
0x44: {  	_ =	shalt  }
0x45: {  	_ =	shalt  }
0x46: {  	_ =	shalt  }
0x47: {  	_ =	shalt  }
0x48: {  	_ =	shalt  }
0x49: {  	_ =	shalt  }
0x4a: {  	_ =	shalt  }
0x4b: {  	_ =	shalt  }
0x4c: {  	_ =	shalt  }
0x4d: {  	_ =	shalt  }
0x4e: {  	_ =	shalt  }
0x4f: {  	_ =	shalt  }
0x50: {  	_ =	shalt  }
0x51: {  	_ =	shalt  }
0x52: {  	_ =	shalt  }
0x53: {  	_ =	shalt  }
0x54: {  	_ =	shalt  }
0x55: {  	_ =	shalt  }
0x56: {  	_ =	shalt  }
0x57: {  	_ =	shalt  }
0x58: {  	_ =	shalt  }
0x59: {  	_ =	shalt  }
0x5a: {  	_ =	shalt  }
0x5b: {  	_ =	shalt  }
0x5c: {  	_ =	shalt  }
0x5d: {  	_ =	shalt  }
0x5e: {  	_ =	shalt  }
0x5f: {  	_ =	shalt  }
0x60: {  	_ =	shalt  }
0x61: {  	_ =	shalt  }
0x62: {  	_ =	shalt  }
0x63: {  	_ =	shalt  }
0x64: {  	_ =	shalt  }
0x65: {  	_ =	shalt  }
0x66: {  	_ =	shalt  }
0x67: {  	_ =	shalt  }
0x68: {  	_ =	shalt  }
0x69: {  	_ =	shalt  }
0x6a: {  	_ =	shalt  }
0x6b: {  	_ =	shalt  }
0x6c: {  	_ =	shalt  }
0x6d: {  	_ =	shalt  }
0x6e: {  	_ =	shalt  }
0x6f: {  	_ =	shalt  }
0x70: {  	_ =	shalt  }
0x71: {  	_ =	shalt  }
0x72: {  	_ =	shalt  }
0x73: {  	_ =	shalt  }
0x74: {  	_ =	shalt  }
0x75: {  	_ =	shalt  }
0x76: {  	_ =	shalt  }
0x77: {  	_ =	shalt  }
0x78: {  	_ =	shalt  }
0x79: {  	_ =	shalt  }
0x7a: {  	_ =	shalt  }
0x7b: {  	_ =	shalt  }
0x7c: {  	_ =	shalt  }
0x7d: {  	_ =	shalt  }
0x7e: {  	_ =	shalt  }
0x7f: {  	_ =	shalt  }
0x80: {  	_ =	shalt  }
0x81: {  	_ =	shalt  }
0x82: {  	_ =	shalt  }
0x83: {  	_ =	shalt  }
0x84: {  	_ =	shalt  }
0x85: {  	_ =	shalt  }
0x86: {  	_ =	shalt  }
0x87: {  	_ =	shalt  }
.Lfunc_end0:
.L_simem_size_0:
called_computation_lowered:
.L_overlay_start_0:
0x88: {  	s2 =	sld [smem:$0x3FD9]  }
0x89: {  	s3 =	sld [smem:$0x3FFE];
	_ =	sdelay $0x1  }
0x8a: {  	s1 =	srdreg.scid  }
0x8b: {  	s0 =	sand.u32 $0x1, s1  }
0x8c: {  	s18 =	sshll.u32 s0, $0xA;
	s2 =	sadd.s32 s3, s2  }
0x8d: {  	s2 =	sadd.s32 s2, s18  }
0x8e: {  	[smem:$0x3FC4] =	sst s2  }
0x8f: {  	_ = 	snop  }
0x90: {  	s2 =	sld [smem:$0x3FC9]  }
0x91: {  	s19 =	sld [smem:$0x3FC8]  }
0x92: {  	s4 =	sld [smem:$0x3FC7]  }
0x93: {  	s5 =	sld [smem:$0x3FC6]  }
0x94: {  	s6 =	sld [smem:$0x3FD0];
	(tm) =	ssettm $0x1  }
0x95: {  	s7 =	sld [smem:$0x3FFB];
	_ =	sdelay $0x3  }
0x96: {  	_ =	strace s7  }
0x97: {  	s7 =	sld [smem:$0x3FFC];
	_ =	sdelay $0x3  }
0x98: {  	_ =	strace s7  }
0x99: {  	s7 =	sld [smem:$0x3FFD];
	_ =	sdelay $0x3  }
0x9a: {  	_ =	strace s7  }
0x9b: {  	_ =	strace $0x8FFFFFFF  }
0x9c: {  	s20 =	sld [smem:$0x3FDB];
	_ =	sdelay $0x1  }
0x9d: {  	s8 =	simm.s32 $_scs_section_size  }
0x9e: {  	s9 =	simm.s32 $_size__tile_overlayer_lowered;
	s10 =	simm.s32 $_tile_overlayer_lowered  }
0x9f: {  	s23 =	simm.s32 $0x1BFF;
	s22 =	sshll.u32 s10, $0x1;
	s7 =	sadd.s32 s8, s20  }
0xa0: {  	s11 =	simm.s32 $0x0;
	s21 =	sshll.u32 s9, $0x1;
	s9 =	sadd.s32 s22, s7  }
0xa1: {  	[timem:s11], [sflag:s23] =	dma.local [hbm:s9], s21  }
0xa2: {  	_ =	swait.ge [sflag:s23], s21  }
0xa3: {  	s8 =	ssub.s32 $0x0, s21;
	[sflag:s23] =	ssyncset.done $0x0  }
0xa4: {  	[sflag:s23] =	ssyncadd.s32 s8;
	_ =	sdelay $0x1  }
0xa5: {  	s24 =	simm.s32 $0x1B8B  }
0xa6: {  	_ =	swait.ge [sflag:s24], $0x1  }
0xa7: {  	[sflag:s24] =	ssyncset.done $0x0  }
0xa8: {  	s25 =	simm.s32 $0x1B8E;
	[sflag:s24] =	ssyncadd.s32 $0xFFFFFFFF  }
0xa9: {  	s26 =	simm.s32 $execute0_lowered;
	[smem:$0x3FD2] =	sst s25  }
0xaa: {  	s8 =	sshll.u32 s26, $0x1;
	_ =	strace $0x80000046;
	[dreg:$0x1] =	wrdreg $0xFFFFFFFF  }
0xab: {  	s28 =	simm.s32 $_size_execute0_lowered;
	s7 =	sadd.s32 s7, s8;
	[dreg:$0x0] =	wrdreg $0x0  }
0xac: {  	s8 =	sshll.u32 s28, $0x1;
	[dreg:$0x2] =	wrdreg s7  }
0xad: {  	[dreg:$0x3] =	wrdreg s8  }
0xae: {  	[dreg:$0x4] =	wrdreg $0xC0  }
0xaf: {  	_ =	task [dreg:s11], $0x5FFFF  }
0xb0: {  	[dreg:$0x1] =	wrdreg $0xFFFFFFFF  }
0xb1: {  	[dreg:$0x0] =	wrdreg $0x60  }
0xb2: {  	[dreg:$0x2] =	wrdreg s2  }
0xb3: {  	[dreg:$0x3] =	wrdreg s19  }
0xb4: {  	[dreg:$0x4] =	wrdreg s4  }
0xb5: {  	[dreg:$0x5] =	wrdreg s5  }
0xb6: {  	[dreg:$0x6] =	wrdreg s6  }
0xb7: {  	[dreg:$0x7] =	wrdreg $0x9  }
0xb8: {  	_ =	task.clear_ibuf [dreg:s11], $0x8FFFF;
	_ =	strace $0x90000046  }
0xb9: {  	s29 =	simm.s32 $0x9;
	_ =	strace $0x80000048  }
0xba: {  	_ =	swait.ge [sflag:s29], $0x1  }
0xbb: {  	[sflag:s29] =	ssyncadd.s32 $0xFFFFFFFF  }
0xbc: {  	_ =	strace $0x90000048  }
0xbd: {  	_ =	sfence  }
0xbe: {  	s30 =	sld [smem:$0x0];
	_ =	sdelay $0x2  }
0xbf: {  	s31 =	sshll.u32 s1, $0xD;
	s1 =	sshrl.u32 s1, $0x2  }
0xc0: {  	s3 =	sand.u32 $0x4000, s31;
	s1 =	sadd.s32 s1, s30  }
0xc1: {  	s0 =	sor.u32 s3, s0;
	s1 =	sshll.u32 s1, $0x11  }
0xc2: {  	s0 =	sor.u32 s1, s0  }
0xc3: {  	s0 =	sadd.s32 $0x8F2B, s0  }
0xc4: {  	[sflag:s0] =	ssyncadd.remote.s32 $0x1  }
0xc5: {  	_ =	sfence.sel $0xFFFF  }
0xc6: {  	[dreg:$0x0] =	wrdreg $0xFFFFFFFF;
	(pc) =	sbr.abs _section_cstart, $3  }
0xc7: {  	[dreg:$0x1] =	wrdreg $0xFFFFFFFF  }
0xc8: {  	_ =	task.clear_ibuf [dreg:s11], $0x2FFFF;
	_ =	strace $0x9FFFFFFF  }
0xc9: {  	(tm) =	ssettm $0x7FFFFFFF  }
tec
execute0_lowered:
.L_overlay_start_1:
0x0: {  	(tag) =	ssettag $0x1  }
0x1: {  	s0 =	rddreg [dreg:$0x0]  }
0x2: {  	s1 =	rddreg [dreg:$0x3]  }
0x3: {  	s7 =	simm.s32 $0x0;
	s3 =	srdreg.scid;
	s4 =	stileid.u32  }
0x4: {  	[smem:$0x7FF] =	sst s7;
	s3 =	sand.u32 $0x1, s3;
	s4 =	sshll.u32 s4, $0x1  }
0x5: {  	s2 =	rddreg [dreg:$0x4];
	v0 =	vimm.f32 $9.000000000e+00;
	_ =	strace $0x80000047;
	s4 =	sor.u32 s3, s4  }
0x6: {  	s13 =	simm.s32 $0x1;
	(erf) = vrcp.f32 v0;
	s5 =	sshll.u32 s4, $0x3  }
0x7: {  	s14 =	simm.s32 $0x1E700;
	s20 =	smul.u32 $0x4E20, s4;
	s5 =	sadd.s32 s1, s5  }
0x8: {  	s15 =	simm.s32 $0x1E780;
	s16 =	simm.s32 $0x1E800;
	[dreg:$0x6] =	wrdreg s5  }
0x9: {  	s3 =	ssub.s32 $0x2, s3;
	s28 =	sadd.s32 $0x2, s5;
	[dreg:$0xb] =	wrdreg s20  }
0xa: {  	s26 =	smul.u32 $0x2740, s4;
	s29 =	sadd.s32 $0x4, s5;
	[dreg:$0x7] =	wrdreg s28  }
0xb: {  	s6 =	sshrl.u32 s3, $0x1;
	s5 =	sadd.s32 $0x6, s5;
	[dreg:$0x8] =	wrdreg s29  }
0xc: {  	s3 =	ssub.s32 s3, s6;
	s0 =	sadd.s32 s0, s26;
	[dreg:$0x9] =	wrdreg s5  }
0xd: {  	v48 =	vimm.s32 $0x0;
	s30 =	sshll.u32 s4, $0x1;
	s31 =	smax.u32 s3, $0x1;
	[dreg:$0xa] =	wrdreg s0  }
0xe: {  	v2 =	vlaneseq.u32;
	vm2 =	vcmask $0xB08;
	s17 =	simm.s32 $0x1E880;
	vm12 =	vcmask $0x3330;
	s0 =	sadd.s32 s2, s30;
	[dreg:$0xd] =	wrdreg s31  }
0xf: {  	vm13 =	vcmask $0x3734;
	vm14 =	vcmask $0x3B38;
	v5 =	vimm.f32 $0.0e+00;
	s19 =	simm.s32 $0x1F180;
	s1 =	simm.s32 $0x0;
	[dreg:$0xc] =	wrdreg s0;
	v3 =	vpop (erf)  }
.LBB2_1:
0x10: {  	[dreg:$0xe] =	wrdreg s1  }
0x11: {  	s0 =	rddreg [dreg:$0x2]  }
0x12: {  	[tilespmem:s7], [sflag:$0x1] =	stream.linear.gather [hbm4b:s0+s7], $0x13A00, $0x38;
	[tilespmem:$0x1F980] =	vst v63  }
0x13: {  	_ =	swait.ge [sflag:s13], $0x13A00  }
0x14: {  	[sflag:s13] =	ssyncset.done $0x0  }
0x15: {  	s12 =	rddreg [dreg:$0x6];
	[sflag:s13] =	ssyncadd.s32 $0xFFFEC600  }
0x16: {  	[tilespmem:s14], [sflag:$0x1] =	stream.linear.gather [hbm4b:s12+s7], $0x10, $0x38;
	[tilespmem:$0x1F980] =	vst v63  }
0x17: {  	_ =	swait.ge [sflag:s13], $0x10  }
0x18: {  	[sflag:s13] =	ssyncset.done $0x0  }
0x19: {  	s18 =	rddreg [dreg:$0x7];
	[sflag:s13] =	ssyncadd.s32 $0xFFFFFFF0  }
0x1a: {  	[tilespmem:s15], [sflag:$0x1] =	stream.linear.gather [hbm4b:s18+s7], $0x10, $0x38;
	[tilespmem:$0x1F980] =	vst v63  }
0x1b: {  	_ =	swait.ge [sflag:s13], $0x10  }
0x1c: {  	[sflag:s13] =	ssyncset.done $0x0  }
0x1d: {  	s20 =	rddreg [dreg:$0x8];
	[sflag:s13] =	ssyncadd.s32 $0xFFFFFFF0  }
0x1e: {  	[tilespmem:s16], [sflag:$0x1] =	stream.linear.gather [hbm4b:s20+s7], $0x10, $0x38;
	[tilespmem:$0x1F980] =	vst v63  }
0x1f: {  	_ =	swait.ge [sflag:s13], $0x10  }
0x20: {  	[sflag:s13] =	ssyncset.done $0x0  }
0x21: {  	s21 =	rddreg [dreg:$0x9];
	[sflag:s13] =	ssyncadd.s32 $0xFFFFFFF0  }
0x22: {  	[tilespmem:s17], [sflag:$0x1] =	stream.linear.gather [hbm4b:s21+s7], $0x10, $0x38;
	[tilespmem:$0x1F980] =	vst v63  }
0x23: {  	_ =	swait.ge [sflag:s13], $0x10  }
0x24: {  	[sflag:s13] =	ssyncset.done $0x0  }
0x25: {  	[sflag:s13] =	ssyncadd.s32 $0xFFFFFFF0  }
0x26: {  	v6 =	vld [tilespmem:$0x1E700];
	_ =	sdelay $0x4  }
0x27: {  	(v2sf) =	vpush v6, $0x0  }
0x28: {  	(v2sf) =	vpush v6, $0x1  }
0x29: {  	(v2sf) =	vpush v6, $0x2  }
0x2a: {  	(v2sf) =	vpush v6, $0x3  }
0x2b: {  	(v2sf) =	vpush v6, $0x4  }
0x2c: {  	(v2sf) =	vpush v6, $0x5  }
0x2d: {  	(v2sf) =	vpush v6, $0x6  }
0x2e: {  	(v2sf) =	vpush v6, $0x7  }
0x2f: {  	(v2sf) =	vpush v6, $0x8  }
0x30: {  	(v2sf) =	vpush v6, $0x9  }
0x31: {  	(v2sf) =	vpush v6, $0xA  }
0x32: {  	v8 =	vld [tilespmem:$0x1E780];
	(v2sf) =	vpush v6, $0xB  }
0x33: {  	(v2sf) =	vpush v6, $0xC  }
0x34: {  	(v2sf) =	vpush v6, $0xD  }
0x35: {  	(v2sf) =	vpush v6, $0xE  }
0x36: {  	s22 =	spop (v2sf);
	(v2sf) =	vpush v6, $0xF  }
0x37: {  	s23 =	spop (v2sf);
	(v2sf) =	vpush v8, $0x0  }
0x38: {  	s24 =	spop (v2sf);
	(v2sf) =	vpush v8, $0x1  }
0x39: {  	s25 =	spop (v2sf);
	(v2sf) =	vpush v8, $0x2  }
0x3a: {  	s26 =	spop (v2sf);
	(v2sf) =	vpush v8, $0x3  }
0x3b: {  	s28 =	spop (v2sf);
	(v2sf) =	vpush v8, $0x4  }
0x3c: {  	s29 =	spop (v2sf);
	(v2sf) =	vpush v8, $0x5  }
0x3d: {  	s30 =	spop (v2sf);
	(v2sf) =	vpush v8, $0x6  }
0x3e: {  	s31 =	spop (v2sf);
	(v2sf) =	vpush v8, $0x7  }
0x3f: {  	s1 =	spop (v2sf);
	(v2sf) =	vpush v8, $0x8  }
0x40: {  	s2 =	spop (v2sf);
	(v2sf) =	vpush v8, $0x9  }
0x41: {  	s3 =	spop (v2sf);
	(v2sf) =	vpush v8, $0xA  }
0x42: {  	v1 =	vld [tilespmem:$0x1E800];
	s4 =	spop (v2sf);
	(v2sf) =	vpush v8, $0xB  }
0x43: {  	s5 =	spop (v2sf);
	(v2sf) =	vpush v8, $0xC  }
0x44: {  	s6 =	spop (v2sf);
	(v2sf) =	vpush v8, $0xD  }
0x45: {  	s7 =	spop (v2sf);
	(v2sf) =	vpush v8, $0xE  }
0x46: {  	s21 =	spop (v2sf);
	(v2sf) =	vpush v8, $0xF  }
0x47: {  	s9 =	spop (v2sf);
	(v2sf) =	vpush v1, $0x0  }
0x48: {  	s11 =	spop (v2sf);
	(v2sf) =	vpush v1, $0x1  }
0x49: {  	s12 =	spop (v2sf);
	(v2sf) =	vpush v1, $0x2  }
0x4a: {  	s18 =	spop (v2sf);
	(v2sf) =	vpush v1, $0x3  }
0x4b: {  	s20 =	spop (v2sf);
	(v2sf) =	vpush v1, $0x4  }
0x4c: {  	[smem:$0x7EB] =	sst s24;
	s24 =	spop (v2sf);
	(v2sf) =	vpush v1, $0x5  }
0x4d: {  	[smem:$0x7ED] =	sst s26;
	s26 =	spop (v2sf);
	(v2sf) =	vpush v1, $0x6  }
0x4e: {  	[smem:$0x7EE] =	sst s28;
	s28 =	spop (v2sf);
	(v2sf) =	vpush v1, $0x7  }
0x4f: {  	[dreg:$0x1b] =	wrdreg s30;
	s30 =	spop (v2sf);
	(v2sf) =	vpush v1, $0x8  }
0x50: {  	(v2sf) =	vpush v1, $0x9;
	s8 =	spop (v2sf)  }
0x51: {  	(v2sf) =	vpush v1, $0xA;
	s10 =	spop (v2sf)  }
0x52: {  	[smem:$0x7E9] =	sst s22;
	(v2sf) =	vpush v1, $0xB;
	s22 =	spop (v2sf)  }
0x53: {  	[smem:$0x7EA] =	sst s23;
	(v2sf) =	vpush v1, $0xC;
	s23 =	spop (v2sf)  }
0x54: {  	[smem:$0x7EC] =	sst s25;
	(v2sf) =	vpush v1, $0xD;
	s25 =	spop (v2sf)  }
0x55: {  	[smem:$0x7EF] =	sst s29;
	(v2sf) =	vpush v1, $0xE;
	s29 =	spop (v2sf)  }
0x56: {  	v7 =	vld [tilespmem:$0x1E880];
	[dreg:$0x1a] =	wrdreg s22;
	(v2sf) =	vpush v1, $0xF;
	s22 =	spop (v2sf)  }
0x57: {  	s0 =	spop (v2sf)  }
0x58: {  	[dreg:$0x17] =	wrdreg s1;
	s1 =	spop (v2sf)  }
0x59: {  	[dreg:$0x15] =	wrdreg s2;
	s2 =	spop (v2sf)  }
0x5a: {  	[dreg:$0x13] =	wrdreg s3;
	s3 =	spop (v2sf)  }
0x5b: {  	[dreg:$0x12] =	wrdreg s4;
	(v2sf) =	vpush v7, $0x0;
	s4 =	spop (v2sf)  }
0x5c: {  	[dreg:$0x11] =	wrdreg s5;
	s5 =	spop (v2sf)  }
0x5d: {  	[dreg:$0x10] =	wrdreg s6;
	s6 =	spop (v2sf)  }
0x5e: {  	[dreg:$0xf] =	wrdreg s7;
	s7 =	spop (v2sf)  }
0x5f: {  	[smem:$0x7F0] =	sst s8;
	s8 =	spop (v2sf)  }
0x60: {  	[smem:$0x7F1] =	sst s10;
	s10 =	spop (v2sf)  }
0x61: {  	[dreg:$0x18] =	wrdreg s23;
	s23 =	spop (v2sf)  }
0x62: {  	[dreg:$0x16] =	wrdreg s25;
	(v2sf) =	vpush v7, $0x1;
	s25 =	spop (v2sf)  }
0x63: {  	[dreg:$0x14] =	wrdreg s29;
	s29 =	spop (v2sf)  }
0x64: {  	[dreg:$0x19] =	wrdreg s31;
	s31 =	spop (v2sf)  }
0x65: {  	[smem:$0x7F2] =	sst s31;
	s31 =	spop (v2sf)  }
0x66: {  	[smem:$0x7F3] =	sst s31  }
0x67: {  	s31 =	sld [smem:$0x7E9];
	_ =	sdelay $0x1  }
0x68: {  	(v2sf) =	vpush v7, $0x2  }
0x69: {  	s22 =	ssub.f32 s22, s31;
	s31 =	spop (v2sf)  }
0x6a: {  	s21 =	ssub.f32 s31, s21  }
0x6b: {  	s31 =	sld [smem:$0x7EA];
	_ =	sdelay $0x1  }
0x6c: {  	v0 =	vbroadcast v1, $0x0  }
0x6d: {  	s0 =	ssub.f32 s0, s31  }
0x6e: {  	[tilespmem:$0x1FD00] =	vst v0;
	v0 =	vbroadcast v6, $0x0;
	(v2sf) =	vpush v7, $0x3  }
0x6f: {  	s31 =	spop (v2sf);
	[smem:$0x7F4] =	sst s0  }
0x70: {  	[tilespmem:$0x1FD10] =	vst v0;
	v0 =	vbroadcast v7, $0x0;
	s0 =	ssub.f32 s31, s9  }
0x71: {  	s31 =	sld [smem:$0x7EB]  }
0x72: {  	[tilespmem:$0x1FD20] =	vst v0;
	v0 =	vbroadcast v8, $0x0  }
0x73: {  	[smem:$0x7F5] =	sst s0  }
0x74: {  	[tilespmem:$0x1FD30] =	vst v0;
	v0 =	vbroadcast v1, $0x1;
	s0 =	ssub.f32 s1, s31  }
0x75: {  	(v2sf) =	vpush v7, $0x4  }
0x76: {  	[tilespmem:$0x1FD40] =	vst v0;
	v0 =	vbroadcast v6, $0x1;
	s9 =	spop (v2sf);
	[smem:$0x7F6] =	sst s0  }
0x77: {  	s0 =	ssub.f32 s9, s11  }
0x78: {  	[tilespmem:$0x1FD50] =	vst v0;
	v0 =	vbroadcast v7, $0x1;
	s11 =	sld [smem:$0x7EC]  }
0x79: {  	s1 =	sld [smem:$0x7ED]  }
0x7a: {  	[tilespmem:$0x1FD60] =	vst v0;
	v0 =	vbroadcast v8, $0x1;
	[smem:$0x7F7] =	sst s0  }
0x7b: {  	s0 =	ssub.f32 s2, s11  }
0x7c: {  	[tilespmem:$0x1FD70] =	vst v0;
	v0 =	vbroadcast v1, $0x2;
	(v2sf) =	vpush v7, $0x5;
	s11 =	sld [smem:$0x7EF]  }
0x7d: {  	s31 =	spop (v2sf);
	[smem:$0x7F8] =	sst s0  }
0x7e: {  	[tilespmem:$0x1FD80] =	vst v0;
	v0 =	vbroadcast v6, $0x2;
	s0 =	ssub.f32 s31, s12  }
0x7f: {  	(v2sf) =	vpush v7, $0x6;
	s31 =	ssub.f32 s5, s11  }
0x80: {  	[tilespmem:$0x1FD90] =	vst v0;
	v0 =	vbroadcast v7, $0x2;
	s5 =	rddreg [dreg:$0x13]  }
0x81: {  	[smem:$0x7F9] =	sst s0  }
0x82: {  	[tilespmem:$0x1FDA0] =	vst v0;
	v0 =	vbroadcast v8, $0x2;
	s0 =	ssub.f32 s3, s1  }
0x83: {  	s3 =	sld [smem:$0x7EE]  }
0x84: {  	[tilespmem:$0x1FDB0] =	vst v0;
	v0 =	vbroadcast v1, $0x3;
	s2 =	spop (v2sf);
	[dreg:$0x1e] =	wrdreg s0  }
0x85: {  	(v2sf) =	vpush v7, $0x7;
	s0 =	ssub.f32 s2, s18  }
0x86: {  	[tilespmem:$0x1FDC0] =	vst v0;
	v0 =	vbroadcast v6, $0x3;
	(v2sf) =	vpush v7, $0x8;
	s18 =	rddreg [dreg:$0x1b]  }
0x87: {  	s2 =	rddreg [dreg:$0x15]  }
0x88: {  	[tilespmem:$0x1FDD0] =	vst v0;
	v0 =	vbroadcast v7, $0x3;
	[smem:$0x7FA] =	sst s0  }
0x89: {  	s0 =	ssub.f32 s4, s3  }
0x8a: {  	[tilespmem:$0x1FDE0] =	vst v0;
	v0 =	vbroadcast v8, $0x3;
	s4 =	sld [smem:$0x7F0]  }
0x8b: {  	(v2sf) =	vpush v7, $0x9;
	s9 =	spop (v2sf);
	[dreg:$0x1c] =	wrdreg s0  }
0x8c: {  	[tilespmem:$0x1FDF0] =	vst v0;
	v0 =	vbroadcast v1, $0x4;
	s0 =	ssub.f32 s9, s20  }
0x8d: {  	s9 =	rddreg [dreg:$0x12]  }
0x8e: {  	[tilespmem:$0x1FE00] =	vst v0;
	v0 =	vbroadcast v6, $0x4;
	s12 =	spop (v2sf);
	[smem:$0x7FB] =	sst s0  }
0x8f: {  	s0 =	ssub.f32 s12, s24  }
0x90: {  	[tilespmem:$0x1FE10] =	vst v0;
	v0 =	vbroadcast v7, $0x4;
	s24 =	rddreg [dreg:$0x19]  }
0x91: {  	[dreg:$0x1f] =	wrdreg s0  }
0x92: {  	[tilespmem:$0x1FE20] =	vst v0;
	v0 =	vbroadcast v8, $0x4;
	(v2sf) =	vpush v7, $0xA;
	s0 =	ssub.f32 s6, s18  }
0x93: {  	s12 =	rddreg [dreg:$0x1a]  }
0x94: {  	[tilespmem:$0x1FE30] =	vst v0;
	v0 =	vbroadcast v1, $0x5;
	s20 =	spop (v2sf);
	[dreg:$0x1d] =	wrdreg s0  }
0x95: {  	s0 =	ssub.f32 s20, s26;
	s26 =	spop (v2sf)  }
0x96: {  	v19 =	vimm.f32 $-1.000000000e+00;
	[tilespmem:$0x1FE40] =	vst v0;
	v0 =	vbroadcast v6, $0x5;
	s18 =	ssub.f32 s26, s28  }
0x97: {  	[tilespmem:$0x1D700] =	vst v19;
	s28 =	rddreg [dreg:$0x17]  }
0x98: {  	[tilespmem:$0x1FE50] =	vst v0;
	v0 =	vbroadcast v7, $0x5;
	[smem:$0x7FC] =	sst s0  }
0x99: {  	[tilespmem:$0x1DF00] =	vst v48;
	(v2sf) =	vpush v7, $0xB;
	s0 =	ssub.f32 s7, s24  }
0x9a: {  	[tilespmem:$0x1FE60] =	vst v0;
	v0 =	vbroadcast v8, $0x5;
	s1 =	spop (v2sf);
	s26 =	ssub.f32 s8, s28  }
0x9b: {  	[tilespmem:$0x1D780] =	vst v19;
	(v2sf) =	vpush v7, $0xC;
	s11 =	ssub.f32 s1, s30  }
0x9c: {  	[tilespmem:$0x1FE70] =	vst v0;
	v0 =	vbroadcast v1, $0x6;
	s24 =	ssub.f32 s10, s2  }
0x9d: {  	[tilespmem:$0x1DF80] =	vst v48;
	s8 =	ssub.f32 s23, s5  }
0x9e: {  	[tilespmem:$0x1FE80] =	vst v0;
	v0 =	vbroadcast v6, $0x6;
	s7 =	sld [smem:$0x7F1]  }
0x9f: {  	[tilespmem:$0x1D800] =	vst v19;
	s23 =	rddreg [dreg:$0x11]  }
0xa0: {  	[tilespmem:$0x1FE90] =	vst v0;
	v0 =	vbroadcast v7, $0x6;
	s28 =	rddreg [dreg:$0x18]  }
0xa1: {  	[tilespmem:$0x1E000] =	vst v48;
	(v2sf) =	vpush v7, $0xD;
	s3 =	spop (v2sf);
	s30 =	sld [smem:$0x7F2]  }
0xa2: {  	[tilespmem:$0x1FEA0] =	vst v0;
	v0 =	vbroadcast v8, $0x6;
	s5 =	smul.f32 s21, s22;
	s21 =	sld [smem:$0x7F3]  }
0xa3: {  	[tilespmem:$0x1D880] =	vst v19;
	s20 =	ssub.f32 s3, s4  }
0xa4: {  	[tilespmem:$0x1FEB0] =	vst v0;
	v0 =	vbroadcast v1, $0x7;
	s2 =	ssub.f32 s29, s23  }
0xa5: {  	[tilespmem:$0x1E080] =	vst v48;
	s29 =	rddreg [dreg:$0x10]  }
0xa6: {  	[tilespmem:$0x1FEC0] =	vst v0;
	v0 =	vbroadcast v6, $0x7;
	(v2sf) =	vpush v7, $0xE;
	s23 =	sld [smem:$0x7F4]  }
0xa7: {  	[tilespmem:$0x1D900] =	vst v19;
	[smem:$0x7FD] =	sst s0  }
0xa8: {  	[tilespmem:$0x1FED0] =	vst v0;
	v0 =	vbroadcast v7, $0x7;
	s6 =	spop (v2sf);
	s5 =	sadd.f32 $1.000000010e-07, s5  }
0xa9: {  	[tilespmem:$0x1E100] =	vst v48;
	s4 =	ssub.f32 s6, s7  }
0xaa: {  	[tilespmem:$0x1FEE0] =	vst v0;
	v0 =	vbroadcast v8, $0x7;
	s10 =	spop (v2sf);
	s6 =	ssub.f32 s25, s9  }
0xab: {  	[tilespmem:$0x1D980] =	vst v19;
	s1 =	ssub.f32 s10, s12  }
0xac: {  	[tilespmem:$0x1FEF0] =	vst v0;
	v0 =	vbroadcast v1, $0x8;
	(v2sf) =	vpush v7, $0xF;
	s12 =	ssub.f32 s30, s29  }
0xad: {  	[tilespmem:$0x1E180] =	vst v48;
	s9 =	rddreg [dreg:$0x16]  }
0xae: {  	[tilespmem:$0x1FF00] =	vst v0;
	v0 =	vbroadcast v6, $0x8;
	s10 =	rddreg [dreg:$0xf]  }
0xaf: {  	[tilespmem:$0x1DA00] =	vst v19;
	s29 =	sld [smem:$0x7F6]  }
0xb0: {  	[tilespmem:$0x1FF10] =	vst v0;
	v0 =	vbroadcast v7, $0x8;
	s25 =	spop (v2sf);
	s30 =	sld [smem:$0x7F7]  }
0xb1: {  	[tilespmem:$0x1E200] =	vst v48;
	s0 =	ssub.f32 s25, s28  }
0xb2: {  	[tilespmem:$0x1FF20] =	vst v0;
	v0 =	vbroadcast v8, $0x8;
	s3 =	ssub.f32 s21, s10  }
0xb3: {  	[tilespmem:$0x1DA80] =	vst v19;
	s11 =	smul.f32 s11, s26;
	s25 =	sld [smem:$0x7F5]  }
0xb4: {  	[tilespmem:$0x1FF30] =	vst v0;
	v0 =	vbroadcast v1, $0x9;
	s20 =	smul.f32 s20, s24;
	s28 =	rddreg [dreg:$0x14]  }
0xb5: {  	[tilespmem:$0x1E280] =	vst v48;
	s7 =	spop (v2sf);
	s24 =	sadd.f32 $1.000000010e-07, s11  }
0xb6: {  	[tilespmem:$0x1FF40] =	vst v0;
	v0 =	vbroadcast v6, $0x9;
	s9 =	ssub.f32 s7, s9  }
0xb7: {  	[tilespmem:$0x1DB00] =	vst v19;
	s21 =	smul.f32 s30, s29;
	s29 =	sld [smem:$0x7FA]  }
0xb8: {  	[tilespmem:$0x1FF50] =	vst v0;
	v0 =	vbroadcast v7, $0x9;
	s1 =	smul.f32 s1, s6;
	s30 =	rddreg [dreg:$0x1c]  }
0xb9: {  	[tilespmem:$0x1E300] =	vst v48;
	s10 =	smul.f32 s25, s23;
	s23 =	sld [smem:$0x7F8]  }
0xba: {  	[tilespmem:$0x1FF60] =	vst v0;
	v0 =	vbroadcast v8, $0x9;
	s25 =	sld [smem:$0x7F9]  }
0xbb: {  	[tilespmem:$0x1DB80] =	vst v19;
	s22 =	spop (v2sf);
	s1 =	sadd.f32 $1.000000010e-07, s1  }
0xbc: {  	[tilespmem:$0x1FF70] =	vst v0;
	v0 =	vbroadcast v1, $0xA;
	s7 =	ssub.f32 s22, s28  }
0xbd: {  	[tilespmem:$0x1E380] =	vst v48;
	s0 =	smul.f32 s0, s2;
	s28 =	rddreg [dreg:$0x1e]  }
0xbe: {  	[tilespmem:$0x1FF80] =	vst v0;
	v0 =	vbroadcast v6, $0xA;
	s21 =	sadd.f32 $1.000000010e-07, s21  }
0xbf: {  	[tilespmem:$0x1DC00] =	vst v19;
	s0 =	sadd.f32 $1.000000010e-07, s0  }
0xc0: {  	[tilespmem:$0x1FF90] =	vst v0;
	v0 =	vbroadcast v7, $0xA;
	s10 =	sadd.f32 $1.000000010e-07, s10;
	s22 =	smul.f32 s25, s23  }
0xc1: {  	[tilespmem:$0x1E400] =	vst v48;
	s23 =	smul.f32 s29, s28;
	s29 =	sld [smem:$0x7FB]  }
0xc2: {  	[tilespmem:$0x1FFA0] =	vst v0;
	v0 =	vbroadcast v8, $0xA;
	s3 =	smul.f32 s7, s3;
	s22 =	sadd.f32 $1.000000010e-07, s22  }
0xc3: {  	[tilespmem:$0x1DC80] =	vst v19;
	v54 =	vbroadcast v1, $0xC;
	v55 =	vbroadcast v6, $0xC;
	s23 =	sadd.f32 $1.000000010e-07, s23  }
0xc4: {  	v56 =	vbroadcast v7, $0xC;
	[tilespmem:$0x1FFB0] =	vst v0;
	v0 =	vbroadcast v1, $0xB;
	s4 =	smul.f32 s4, s8;
	s3 =	sadd.f32 $1.000000010e-07, s3  }
0xc5: {  	[tilespmem:$0x1E480] =	vst v48;
	v57 =	vbroadcast v8, $0xC;
	v58 =	vbroadcast v1, $0xD;
	s25 =	smul.f32 s29, s30;
	s30 =	rddreg [dreg:$0x1f]  }
0xc6: {  	v59 =	vbroadcast v6, $0xD;
	[tilespmem:$0x1FFC0] =	vst v0;
	v0 =	vbroadcast v6, $0xB;
	s28 =	smul.f32 s30, s31;
	s31 =	sld [smem:$0x7FC]  }
0xc7: {  	[tilespmem:$0x1DD00] =	vst v19;
	v60 =	vbroadcast v7, $0xD;
	v61 =	vbroadcast v8, $0xD;
	s29 =	rddreg [dreg:$0x1d]  }
0xc8: {  	v62 =	vbroadcast v1, $0xE;
	[tilespmem:$0x1FFD0] =	vst v0;
	v0 =	vbroadcast v7, $0xB;
	s30 =	sadd.f32 $1.000000010e-07, s4  }
0xc9: {  	[tilespmem:$0x1E500] =	vst v48;
	v63 =	vbroadcast v6, $0xE;
	v4 =	vbroadcast v7, $0xE;
	s29 =	smul.f32 s31, s29;
	s31 =	sld [smem:$0x7FD]  }
0xca: {  	v1 =	vbroadcast v1, $0xF;
	[tilespmem:$0x1FFE0] =	vst v0;
	v0 =	vbroadcast v8, $0xB;
	s25 =	sadd.f32 $1.000000010e-07, s25  }
0xcb: {  	[tilespmem:$0x1DD80] =	vst v19;
	v6 =	vbroadcast v6, $0xF;
	v7 =	vbroadcast v7, $0xF;
	s28 =	sadd.f32 $1.000000010e-07, s28  }
0xcc: {  	[tilespmem:$0x1FFF0] =	vst v0;
	v0 =	vbroadcast v8, $0xE;
	v8 =	vbroadcast v8, $0xF;
	v9 =	vmov s5;
	s26 =	sadd.f32 $1.000000010e-07, s29;
	s18 =	smul.f32 s18, s31  }
0xcd: {  	[tilespmem:$0x1E580] =	vst v48;
	v18 =	vmov s24;
	v21 =	vmov s1;
	v11 =	vmov s21;
	s29 =	sadd.f32 $1.000000010e-07, s20;
	s31 =	smul.f32 s9, s12  }
0xce: {  	[tilespmem:$0x1DE00] =	vst v19;
	v22 =	vmov s0;
	v10 =	vmov s10;
	v12 =	vmov s22;
	s18 =	sadd.f32 $1.000000010e-07, s18  }
0xcf: {  	[tilespmem:$0x1E600] =	vst v48;
	v13 =	vmov s23;
	v24 =	vmov s3;
	v20 =	vmov s30;
	s4 =	sadd.f32 $1.000000010e-07, s31  }
0xd0: {  	[tilespmem:$0x1DE80] =	vst v19;
	v14 =	vmov s25;
	v15 =	vmov s28;
	v16 =	vmov s26  }
0xd1: {  	[tilespmem:$0x1E680] =	vst v48;
	s22 =	simm.s32 $0x0;
	s23 =	simm.s32 $0x0;
	v19 =	vmov s29;
	v17 =	vmov s18;
	v23 =	vmov s4  }
.LBB2_2:
0xd2: {  	v31 =	vld [tilespmem:$0x1FD00]  }
0xd3: {  	s0 =	sand.u32 $0x70, s23;
	s1 =	sand.u32 $0x1FE00, s22;
	v32 =	vld [tilespmem:$0x1FD10]  }
0xd4: {  	v33 =	vld [tilespmem:$0x1FD20];
	s0 =	sor.u32 s0, s1  }
0xd5: {  	v29 =	vld [tilespmem:s0+$0x0]  }
0xd6: {  	v27 =	vld [tilespmem:s0+$0x80]  }
0xd7: {  	v30 =	vld [tilespmem:s0+$0x100]  }
0xd8: {  	v28 =	vld [tilespmem:s0+$0x180]  }
0xd9: {  	v34 =	vld [tilespmem:$0x1FD30];
	_ =	sdelay $0x3  }
0xda: {  	v25 =	vsub.f32 v30, v29;
	v26 =	vsub.f32 v28, v27;
	v31 =	vmin.f32 v30, v31  }
0xdb: {  	v32 =	vmax.f32 v29, v32;
	v33 =	vmin.f32 v28, v33;
	v34 =	vmax.f32 v27, v34  }
0xdc: {  	v31 =	vsub.f32 v31, v32;
	v53 =	vsub.f32 v33, v34  }
0xdd: {  	v26 =	vmul.f32 v26, v25  }
0xde: {  	v25 =	vmax.f32 v31, $0.0e+00;
	v34 =	vmax.f32 v53, $0.0e+00  }
0xdf: {  	v25 =	vmul.f32 v34, v25;
	v35 =	vadd.f32 v26, v9;
	_ =	sdelay $0x1  }
0xe0: {  	v36 =	vld [tilespmem:$0x1FD40];
	v31 =	vsub.f32 v35, v25  }
0xe1: {  	v37 =	vld [tilespmem:$0x1FD50]  }
0xe2: {  	v38 =	vld [tilespmem:$0x1FD60];
	(erf) = vrcp.f32 v31  }
0xe3: {  	v39 =	vld [tilespmem:$0x1FD70];
	_ =	sdelay $0x1  }
0xe4: {  	v42 =	vld [tilespmem:$0x1FD80]  }
0xe5: {  	v43 =	vld [tilespmem:$0x1FDA0]  }
0xe6: {  	v44 =	vld [tilespmem:$0x1FDC0];
	v32 =	vmax.f32 v29, v37  }
0xe7: {  	v45 =	vld [tilespmem:$0x1FDE0];
	v33 =	vmin.f32 v28, v38;
	v34 =	vmax.f32 v27, v39;
	v31 =	vmin.f32 v30, v36  }
0xe8: {  	v37 =	vld [tilespmem:$0x1FDB0];
	v40 =	vsub.f32 v33, v34;
	v31 =	vsub.f32 v31, v32  }
0xe9: {  	v38 =	vld [tilespmem:$0x1FDD0]  }
0xea: {  	v36 =	vld [tilespmem:$0x1FD90];
	v32 =	vmax.f32 v40, $0.0e+00;
	v31 =	vmax.f32 v31, $0.0e+00;
	v41 =	vpop (erf)  }
0xeb: {  	v39 =	vld [tilespmem:$0x1FDF0];
	v32 =	vmul.f32 v32, v31;
	v34 =	vmul.f32 v41, v25;
	v25 =	vadd.f32 v26, v10  }
0xec: {  	v40 =	vld [tilespmem:$0x1FE10]  }
0xed: {  	v46 =	vadd.f32 v26, v11;
	v41 =	vld [tilespmem:$0x1FE30];
	v31 =	vsub.f32 v25, v32  }
0xee: {  	v47 =	vld [tilespmem:$0x1FE00];
	v50 =	vadd.f32 v26, v12;
	v37 =	vmax.f32 v27, v37;
	v38 =	vmax.f32 v29, v38  }
0xef: {  	v51 =	vld [tilespmem:$0x1FE20];
	v36 =	vmax.f32 v29, v36;
	(erf) = vrcp.f32 v31;
	v31 =	vmin.f32 v30, v42  }
0xf0: {  	v52 =	vld [tilespmem:$0x1FE40];
	v39 =	vmax.f32 v27, v39;
	v31 =	vsub.f32 v31, v36;
	v36 =	vmin.f32 v28, v43  }
0xf1: {  	v40 =	vmax.f32 v29, v40;
	v42 =	vld [tilespmem:$0x1FE50];
	v36 =	vsub.f32 v36, v37;
	v37 =	vmin.f32 v30, v44  }
0xf2: {  	vm0 =	vgt.f32 v34, $-1.000000000e+00;
	v41 =	vmax.f32 v27, v41;
	v43 =	vld [tilespmem:$0x1FE60];
	v37 =	vsub.f32 v37, v38  }
0xf3: {  	v44 =	vld [tilespmem:$0x1FE70];
	v38 =	vmin.f32 v28, v45;
	v31 =	vmax.f32 v31, $0.0e+00;
	v36 =	vmax.f32 v36, $0.0e+00  }
0xf4: {  	v38 =	vsub.f32 v38, v39;
	v39 =	vmin.f32 v30, v47;
	v36 =	vmul.f32 v36, v31  }
0xf5: {  	v37 =	vmax.f32 v37, $0.0e+00;
	v49 =	vsub.f32 v39, v40;
	v40 =	vmin.f32 v28, v51  }
0xf6: {  	v33 =	vld [tilespmem:$0x1D700];
	v42 =	vmax.f32 v29, v42;
	v38 =	vmax.f32 v38, $0.0e+00;
	v40 =	vsub.f32 v40, v41  }
0xf7: {  	v41 =	vmin.f32 v30, v52;
	v43 =	vmin.f32 v28, v43;
	v31 =	vsub.f32 v46, v36  }
0xf8: {  	v37 =	vmul.f32 v38, v37;
	v38 =	vmax.f32 v49, $0.0e+00;
	v44 =	vmax.f32 v27, v44  }
0xf9: {  	v52 =	vld [tilespmem:$0x1FE90];
	v41 =	vsub.f32 v41, v42;
	v40 =	vmax.f32 v40, $0.0e+00;
	v53 =	vsub.f32 v43, v44  }
0xfa: {  	v44 =	vadd.f32 v26, v13;
	v39 =	vsub.f32 v50, v37;
	v38 =	vmul.f32 v40, v38;
	v50 =	vld [tilespmem:$0x1FE80]  }
0xfb: {  	v35 =	vnsel vm0, $0xBF800000, v34;
	vm0 =	vgt.f32 v34, v33;
	(erf) = vrcp.f32 v31  }
0xfc: {  	v45 =	vmax.f32 v41, $0.0e+00;
	v46 =	vmax.f32 v53, $0.0e+00;
	v47 =	vsub.f32 v44, v38  }
0xfd: {  	v49 =	vadd.f32 v26, v14;
	(erf) = vrcp.f32 v39;
	v40 =	vmul.f32 v46, v45;
	v46 =	vld [tilespmem:$0x1FEA0]  }
0xfe: {  	v31 =	vsel vm0, v34, v33;
	(erf) = vrcp.f32 v47;
	v47 =	vld [tilespmem:$0x1FEB0]  }
0xff: {  	v53 =	vmax.f32 v29, v52;
	v34 =	vsub.f32 v49, v40;
	v49 =	vld [tilespmem:$0x1FEC0];
	v51 =	vmin.f32 v30, v50  }
0x100: {  	v50 =	vld [tilespmem:$0x1FED0];
	v45 =	vsub.f32 v51, v53  }
0x101: {  	v51 =	vld [tilespmem:$0x1FEE0]  }
0x102: {  	v33 =	vmax.f32 v45, $0.0e+00;
	v45 =	vld [tilespmem:$0x1FEF0];
	_ =	sdelay $0x2  }
0x103: {  	v39 =	vmin.f32 v28, v46;
	v41 =	vmax.f32 v27, v47  }
0x104: {  	v39 =	vsub.f32 v39, v41;
	v41 =	vmin.f32 v30, v49;
	v43 =	vmax.f32 v29, v50  }
0x105: {  	v42 =	vld [tilespmem:$0x1DF00];
	v49 =	vadd.f32 v26, v15;
	v44 =	vmin.f32 v28, v51;
	v45 =	vmax.f32 v27, v45  }
0x106: {  	v41 =	vsub.f32 v41, v43;
	v39 =	vmax.f32 v39, $0.0e+00;
	v52 =	vsub.f32 v44, v45  }
0x107: {  	v25 =	vor.u32 s23, v2;
	v53 =	vpop (erf);
	(erf) = vrcp.f32 v34;
	v33 =	vmul.f32 v39, v33  }
0x108: {  	v32 =	vmul.f32 v53, v32;
	v50 =	vpop (erf);
	v41 =	vmax.f32 v41, $0.0e+00;
	v43 =	vmax.f32 v52, $0.0e+00;
	v52 =	vld [tilespmem:$0x1D800]  }
0x109: {  	v51 =	vadd.f32 v26, v16;
	v46 =	vpop (erf);
	v39 =	vld [tilespmem:$0x1D780];
	v34 =	vsub.f32 v49, v33;
	v41 =	vmul.f32 v43, v41  }
0x10a: {  	v42 =	vsel vm0, v25, v42;
	vm0 =	vgt.f32 v32, v35;
	v36 =	vmul.f32 v50, v36;
	v44 =	vld [tilespmem:$0x1DF80];
	v49 =	vpop (erf)  }
0x10b: {  	(erf) = vrcp.f32 v34;
	v34 =	vmul.f32 v49, v38;
	v49 =	vld [tilespmem:$0x1FF30];
	v53 =	vsub.f32 v51, v41  }
0x10c: {  	v35 =	vsel vm0, v32, v35;
	v37 =	vmul.f32 v46, v37;
	v51 =	vld [tilespmem:$0x1FF00]  }
0x10d: {  	vm4 =	vgt.f32 v36, v35;
	(erf) = vrcp.f32 v53;
	vm10 =	vgt.f32 v36, v52;
	v53 =	vld [tilespmem:$0x1FF20]  }
0x10e: {  	v35 =	vsel vm4, v36, v35;
	v36 =	vsel vm10, v36, v52;
	v52 =	vld [tilespmem:$0x1FF10]  }
0x10f: {  	vm15 =	vgt.f32 v37, v35  }
0x110: {  	v35 =	vsel vm15, v37, v35;
	v50 =	vpop (erf);
	v38 =	vld [tilespmem:$0x1D900]  }
0x111: {  	v43 =	vsel vm0, $0x1, v48;
	v40 =	vmul.f32 v50, v40;
	vm0 =	vgt.f32 v32, v39  }
0x112: {  	v32 =	vsel vm0, v32, v39;
	v39 =	vsel vm0, v25, v44;
	v49 =	vmax.f32 v27, v49  }
0x113: {  	v47 =	vld [tilespmem:$0x1D880];
	v44 =	vmin.f32 v30, v51;
	v48 =	vmin.f32 v28, v53;
	v46 =	vmax.f32 v29, v52  }
0x114: {  	v50 =	vld [tilespmem:$0x1DA00];
	vm0 =	vgt.f32 v34, v35;
	v51 =	vsub.f32 v48, v49;
	v44 =	vsub.f32 v44, v46  }
0x115: {  	v45 =	vld [tilespmem:$0x1D980];
	v35 =	vsel vm0, v34, v35;
	vm1 =	vgt.f32 v34, v38;
	v52 =	vpop (erf)  }
0x116: {  	v33 =	vmul.f32 v52, v33;
	v52 =	vld [tilespmem:$0x1FF40];
	v48 =	vmax.f32 v51, $0.0e+00;
	v53 =	vmax.f32 v44, $0.0e+00  }
0x117: {  	vm5 =	vgt.f32 v40, v35;
	v34 =	vsel vm1, v34, v38;
	v38 =	vmul.f32 v48, v53;
	v53 =	vld [tilespmem:$0x1FF50]  }
0x118: {  	v35 =	vsel vm5, v40, v35;
	v51 =	vadd.f32 v26, v17;
	v49 =	vpop (erf);
	v48 =	vld [tilespmem:$0x1FF60]  }
0x119: {  	vm9 =	vgt.f32 v33, v35;
	vm6 =	vgt.f32 v33, v50;
	v41 =	vmul.f32 v49, v41;
	v49 =	vld [tilespmem:$0x1FF70]  }
0x11a: {  	v35 =	vsel vm9, v33, v35;
	v33 =	vsel vm6, v33, v50;
	v50 =	vld [tilespmem:$0x1FF80];
	v44 =	vsub.f32 v51, v38  }
0x11b: {  	v51 =	vld [tilespmem:$0x1FF90]  }
0x11c: {  	(erf) = vrcp.f32 v44;
	v44 =	vmin.f32 v30, v52;
	v52 =	vld [tilespmem:$0x1FFA0]  }
0x11d: {  	vm3 =	vgt.f32 v37, v47;
	vm8 =	vgt.f32 v40, v45  }
0x11e: {  	v37 =	vsel vm3, v37, v47;
	v40 =	vsel vm8, v40, v45;
	v45 =	vmax.f32 v29, v53  }
0x11f: {  	[tilespmem:$0x1D700] =	vst v31;
	v31 =	vld [tilespmem:$0x1E180];
	v46 =	vmax.f32 v27, v49;
	v44 =	vsub.f32 v44, v45;
	v45 =	vmin.f32 v28, v48  }
0x120: {  	v53 =	vld [tilespmem:$0x1FFB0];
	v45 =	vsub.f32 v45, v46;
	v46 =	vmin.f32 v30, v50;
	v47 =	vmax.f32 v29, v51  }
0x121: {  	v46 =	vsub.f32 v46, v47;
	v47 =	vmin.f32 v28, v52;
	v52 =	vld [tilespmem:$0x1FFC0]  }
0x122: {  	v43 =	vsel vm4, $0x2, v43  }
0x123: {  	[tilespmem:$0x1D780] =	vst v32;
	v32 =	vsel vm15, $0x3, v43;
	v49 =	vld [tilespmem:$0x1DA80]  }
0x124: {  	v32 =	vsel vm0, $0x4, v32;
	v51 =	vld [tilespmem:$0x1FFD0]  }
0x125: {  	v32 =	vsel vm5, $0x5, v32;
	v48 =	vmax.f32 v27, v53;
	v53 =	vld [tilespmem:$0x1FFF0]  }
0x126: {  	v31 =	vsel vm8, v25, v31;
	v32 =	vsel vm9, $0x6, v32;
	v50 =	vmin.f32 v30, v52;
	v52 =	vld [tilespmem:$0x1FFE0]  }
0x127: {  	vm7 =	vgt.f32 v41, v35;
	v44 =	vmax.f32 v44, $0.0e+00;
	v45 =	vmax.f32 v45, $0.0e+00  }
0x128: {  	v35 =	vsel vm7, v41, v35;
	v44 =	vmul.f32 v45, v44;
	v45 =	vadd.f32 v26, v18  }
0x129: {  	v46 =	vmax.f32 v46, $0.0e+00;
	vm11 =	vgt.f32 v41, v49;
	v47 =	vsub.f32 v47, v48  }
0x12a: {  	v48 =	vadd.f32 v26, v19;
	v51 =	vmax.f32 v29, v51;
	v45 =	vsub.f32 v45, v44  }
0x12b: {  	v47 =	vmax.f32 v47, $0.0e+00;
	v53 =	vmax.f32 v27, v53;
	v52 =	vmin.f32 v28, v52  }
0x12c: {  	v46 =	vmul.f32 v47, v46;
	v47 =	vsub.f32 v50, v51;
	v53 =	vsub.f32 v52, v53  }
0x12d: {  	v41 =	vsel vm11, v41, v49;
	v49 =	vmin.f32 v28, v56;
	(erf) = vrcp.f32 v45;
	v51 =	vpop (erf)  }
0x12e: {  	v38 =	vmul.f32 v51, v38;
	v47 =	vmax.f32 v47, $0.0e+00;
	v50 =	vmax.f32 v53, $0.0e+00  }
0x12f: {  	v51 =	vmax.f32 v27, v57;
	v52 =	vadd.f32 v26, v20;
	v45 =	vmul.f32 v50, v47  }
0x130: {  	v48 =	vsub.f32 v48, v46;
	v49 =	vsub.f32 v49, v51;
	v51 =	vmin.f32 v30, v58  }
0x131: {  	v53 =	vmin.f32 v30, v54;
	v47 =	vsub.f32 v52, v45;
	v52 =	vmax.f32 v29, v55  }
0x132: {  	(erf) = vrcp.f32 v48;
	v48 =	vsub.f32 v53, v52;
	v52 =	vmax.f32 v29, v59  }
0x133: {  	v53 =	vmax.f32 v27, v61;
	v51 =	vsub.f32 v51, v52;
	v52 =	vmin.f32 v28, v60  }
0x134: {  	v32 =	vsel vm7, $0x7, v32;
	vm0 =	vgt.f32 v38, v35;
	v52 =	vsub.f32 v52, v53  }
0x135: {  	v50 =	vld [tilespmem:$0x1E000];
	(erf) = vrcp.f32 v47;
	v47 =	vmax.f32 v48, $0.0e+00;
	v48 =	vmax.f32 v49, $0.0e+00  }
0x136: {  	v53 =	vld [tilespmem:$0x1E080];
	v47 =	vmul.f32 v48, v47;
	v48 =	vmax.f32 v51, $0.0e+00;
	v51 =	vmax.f32 v52, $0.0e+00  }
0x137: {  	v49 =	vld [tilespmem:$0x1E100];
	v52 =	vmax.f32 v29, v63;
	v48 =	vmul.f32 v51, v48;
	v51 =	vmin.f32 v30, v62  }
0x138: {  	[tilespmem:$0x1DF00] =	vst v42;
	v29 =	vmax.f32 v29, v6;
	v30 =	vmin.f32 v30, v1;
	v42 =	vsub.f32 v51, v52  }
0x139: {  	[tilespmem:$0x1D880] =	vst v37;
	v51 =	vmin.f32 v28, v4;
	v52 =	vmax.f32 v27, v0;
	v29 =	vsub.f32 v30, v29  }
0x13a: {  	[tilespmem:$0x1DF80] =	vst v39;
	v35 =	vsel vm0, v38, v35;
	v30 =	vadd.f32 v26, v21;
	v51 =	vsub.f32 v51, v52;
	v52 =	vld [tilespmem:$0x1E200]  }
0x13b: {  	[tilespmem:$0x1E180] =	vst v31;
	v50 =	vsel vm10, v25, v50;
	v28 =	vmin.f32 v28, v7;
	v27 =	vmax.f32 v27, v8  }
0x13c: {  	v37 =	vld [tilespmem:$0x1E280];
	[tilespmem:$0x1D800] =	vst v36;
	v43 =	vsel vm3, v25, v53;
	v53 =	vsel vm1, v25, v49;
	v30 =	vsub.f32 v30, v47  }
0x13d: {  	[tilespmem:$0x1E000] =	vst v50;
	v27 =	vsub.f32 v28, v27;
	v49 =	vadd.f32 v26, v22;
	v50 =	vmax.f32 v42, $0.0e+00  }
0x13e: {  	[tilespmem:$0x1E100] =	vst v53;
	v53 =	vadd.f32 v26, v23;
	v29 =	vmax.f32 v29, $0.0e+00;
	(erf) = vrcp.f32 v30;
	v30 =	vld [tilespmem:$0x1DB00]  }
0x13f: {  	[tilespmem:$0x1D980] =	vst v40;
	v36 =	vld [tilespmem:$0x1E300];
	v27 =	vmax.f32 v27, $0.0e+00;
	v39 =	vsel vm6, v25, v52;
	v52 =	vmax.f32 v51, $0.0e+00  }
0x140: {  	[tilespmem:$0x1D900] =	vst v34;
	v28 =	vsub.f32 v49, v48;
	v27 =	vmul.f32 v27, v29;
	v29 =	vld [tilespmem:$0x1DB80];
	v34 =	vmul.f32 v52, v50  }
0x141: {  	v32 =	vsel vm0, $0x8, v32;
	[tilespmem:$0x1E080] =	vst v43;
	v43 =	vsel vm11, v25, v37;
	v26 =	vadd.f32 v26, v24;
	v51 =	vld [tilespmem:$0x1E380];
	v50 =	vpop (erf)  }
0x142: {  	[tilespmem:$0x1DA00] =	vst v33;
	(erf) = vrcp.f32 v28;
	v33 =	vmul.f32 v50, v44;
	v50 =	vld [tilespmem:$0x1DC00];
	v40 =	vpop (erf);
	v49 =	vsub.f32 v53, v34  }
0x143: {  	[tilespmem:$0x1DA80] =	vst v41;
	v26 =	vsub.f32 v26, v27;
	vm0 =	vgt.f32 v38, v30;
	v41 =	vmul.f32 v40, v46  }
0x144: {  	[tilespmem:$0x1E280] =	vst v43;
	v52 =	vld [tilespmem:$0x1E400];
	v30 =	vsel vm0, v38, v30;
	v53 =	vsel vm0, v25, v36;
	(erf) = vrcp.f32 v49  }
0x145: {  	[tilespmem:$0x1E200] =	vst v39;
	v43 =	vpop (erf);
	vm1 =	vgt.f32 v33, v35;
	vm0 =	vgt.f32 v33, v29;
	(erf) = vrcp.f32 v26;
	v26 =	vld [tilespmem:$0x1DC80]  }
0x146: {  	v44 =	vld [tilespmem:$0x1DD00];
	v45 =	vmul.f32 v43, v45;
	[tilespmem:$0x1DB00] =	vst v30;
	v35 =	vsel vm1, v33, v35;
	v29 =	vsel vm0, v33, v29  }
0x147: {  	v42 =	vld [tilespmem:$0x1E480];
	[tilespmem:$0x1E300] =	vst v53;
	v28 =	vsel vm0, v25, v51;
	vm0 =	vgt.f32 v41, v35;
	vm3 =	vgt.f32 v41, v50  }
0x148: {  	v46 =	vld [tilespmem:$0x1E500];
	[tilespmem:$0x1DB80] =	vst v29;
	v51 =	vpop (erf);
	v35 =	vsel vm0, v41, v35;
	v30 =	vsel vm3, v41, v50  }
0x149: {  	v38 =	vld [tilespmem:$0x1DD80];
	[tilespmem:$0x1E380] =	vst v28;
	v37 =	vsel vm3, v25, v52;
	vm3 =	vgt.f32 v45, v35;
	v28 =	vmul.f32 v51, v47  }
0x14a: {  	v52 =	vld [tilespmem:$0x1E580];
	[tilespmem:$0x1DC00] =	vst v30;
	v35 =	vsel vm3, v45, v35;
	vm9 =	vgt.f32 v45, v26  }
0x14b: {  	v53 =	vpop (erf);
	v41 =	vld [tilespmem:$0x1DE00];
	[tilespmem:$0x1E400] =	vst v37;
	vm10 =	vgt.f32 v28, v35;
	vm11 =	vgt.f32 v28, v44;
	v26 =	vsel vm9, v45, v26  }
0x14c: {  	v35 =	vsel vm10, v28, v35;
	v28 =	vsel vm11, v28, v44;
	v44 =	vld [tilespmem:$0x1DE80];
	[tilespmem:$0x1DC80] =	vst v26;
	v26 =	vmul.f32 v53, v48  }
0x14d: {  	v32 =	vsel vm1, $0x9, v32;
	v40 =	vsel vm9, v25, v42;
	v42 =	vld [tilespmem:$0x1E600];
	[tilespmem:$0x1DD00] =	vst v28;
	v43 =	vpop (erf)  }
0x14e: {  	v45 =	vsel vm11, v25, v46;
	[tilespmem:$0x1E480] =	vst v40;
	vm1 =	vgt.f32 v26, v38;
	v29 =	vmul.f32 v43, v34  }
0x14f: {  	v47 =	vsel vm0, $0xA, v32;
	v50 =	vld [tilespmem:$0x1E680];
	[tilespmem:$0x1E500] =	vst v45;
	v46 =	vpop (erf);
	vm0 =	vgt.f32 v26, v35;
	v49 =	vsel vm1, v26, v38  }
0x150: {  	v27 =	vmul.f32 v46, v27;
	v30 =	vsel vm1, v25, v52;
	[tilespmem:$0x1DD80] =	vst v49;
	vm1 =	vgt.f32 v29, v41  }
0x151: {  	v28 =	vsel vm3, $0xB, v47;
	v26 =	vsel vm0, v26, v35;
	[tilespmem:$0x1E580] =	vst v30;
	v51 =	vsel vm1, v29, v41  }
0x152: {  	p0 =	sne.s32 s23, $0x4E10;
	vm3 =	vgt.f32 v29, v26;
	v52 =	vsel vm1, v25, v42;
	vm1 =	vgt.f32 v27, v44;
	[tilespmem:$0x1DE00] =	vst v51  }
.Ltmp0:
0x153: {  	v28 =	vsel vm10, $0xC, v28;
	v26 =	vsel vm3, v29, v26;
	[tilespmem:$0x1E600] =	vst v52;
	v53 =	vsel vm1, v27, v44;
	(pc) =	sbr.rel @p0 .LBB2_2-.Ltmp0, $4  }
0x154: {  	v28 =	vsel vm0, $0xD, v28;
	v25 =	vsel vm1, v25, v50;
	vm0 =	vgt.f32 v27, v26;
	[tilespmem:$0x1DE80] =	vst v53  }
0x155: {  	s31 =	sshra.s32 s22, $0x2;
	v26 =	vsel vm0, v27, v26;
	[tilespmem:$0x1E680] =	vst v25;
	v25 =	vsel vm3, $0xE, v28  }
0x156: {  	[tilespmem:s31+$0x13A00] =	vst v26;
	v25 =	vsel vm0, $0xF, v25  }
0x157: {  	s22 =	sadd.s32 $0x40, s22;
	s23 =	sadd.s32 $0x10, s23;
	v48 =	vimm.s32 $0x0;
	[tilespmem:s31+$0x18880] =	vst v25  }
0x158: {  	v0 =	vld [tilespmem:$0x1D700];
	_ =	sdelay $0x4  }
0x159: {  	(xrf0) =	vmax.scan.msk.f32 $0xffff, v0;
	_ =	sdelay $0x3  }
0x15a: {  	v1 =	vld [tilespmem:$0x1DF00];
	_ =	sdelay $0x1  }
0x15b: {  	v4, _, _ =	vpop (xrf0)  }
0x15c: {  	v6 =	vld [tilespmem:$0x1D780];
	v4 =	vbroadcast v4, $0xF;
	_ =	sdelay $0x1  }
0x15d: {  	vm0 =	veq.f32 v0, v4;
	v0 =	vxor.u32 $0x80000000, v1  }
0x15e: {  	v0 =	vnsel vm0, $0x80004E20, v0  }
0x15f: {  	(xrf0) =	vmin.scan.msk.u32 $0xffff, v0  }
0x160: {  	(xrf0) =	vmax.scan.msk.f32 $0xffff, v6;
	_ =	sdelay $0x3  }
0x161: {  	v1 =	vld [tilespmem:$0x1DF80]  }
0x162: {  	v0, _, _ =	vpop (xrf0)  }
0x163: {  	v4, _, _ =	vpop (xrf0)  }
0x164: {  	v7 =	vld [tilespmem:$0x1D800];
	v4 =	vbroadcast v4, $0xF;
	_ =	sdelay $0x1  }
0x165: {  	v1 =	vxor.u32 $0x80000000, v1;
	vm0 =	veq.f32 v6, v4  }
0x166: {  	v1 =	vnsel vm0, $0x80004E20, v1  }
0x167: {  	(xrf0) =	vmin.scan.msk.u32 $0xffff, v1  }
0x168: {  	(xrf0) =	vmax.scan.msk.f32 $0xffff, v7;
	_ =	sdelay $0x3  }
0x169: {  	v4 =	vld [tilespmem:$0x1E000]  }
0x16a: {  	v1, _, _ =	vpop (xrf0)  }
0x16b: {  	v6, _, _ =	vpop (xrf0)  }
0x16c: {  	v8 =	vld [tilespmem:$0x1D880];
	v6 =	vbroadcast v6, $0xF;
	_ =	sdelay $0x1  }
0x16d: {  	v4 =	vxor.u32 $0x80000000, v4;
	vm0 =	veq.f32 v7, v6  }
0x16e: {  	v4 =	vnsel vm0, $0x80004E20, v4  }
0x16f: {  	(xrf0) =	vmin.scan.msk.u32 $0xffff, v4  }
0x170: {  	(xrf0) =	vmax.scan.msk.f32 $0xffff, v8;
	_ =	sdelay $0x3  }
0x171: {  	v4 =	vld [tilespmem:$0x1E080]  }
0x172: {  	v6, _, _ =	vpop (xrf0)  }
0x173: {  	v7, _, _ =	vpop (xrf0)  }
0x174: {  	v9 =	vld [tilespmem:$0x1D900];
	v7 =	vbroadcast v7, $0xF;
	_ =	sdelay $0x1  }
0x175: {  	v4 =	vxor.u32 $0x80000000, v4;
	vm0 =	veq.f32 v8, v7  }
0x176: {  	v4 =	vnsel vm0, $0x80004E20, v4  }
0x177: {  	(xrf0) =	vmin.scan.msk.u32 $0xffff, v4  }
0x178: {  	(xrf0) =	vmax.scan.msk.f32 $0xffff, v9;
	_ =	sdelay $0x3  }
0x179: {  	v4 =	vld [tilespmem:$0x1E100]  }
0x17a: {  	v7, _, _ =	vpop (xrf0)  }
0x17b: {  	v8, _, _ =	vpop (xrf0)  }
0x17c: {  	v10 =	vld [tilespmem:$0x1D980];
	v8 =	vbroadcast v8, $0xF;
	_ =	sdelay $0x1  }
0x17d: {  	v4 =	vxor.u32 $0x80000000, v4;
	vm0 =	veq.f32 v9, v8  }
0x17e: {  	v4 =	vnsel vm0, $0x80004E20, v4  }
0x17f: {  	(xrf0) =	vmin.scan.msk.u32 $0xffff, v4  }
0x180: {  	(xrf0) =	vmax.scan.msk.f32 $0xffff, v10;
	_ =	sdelay $0x3  }
0x181: {  	v4 =	vld [tilespmem:$0x1E180]  }
0x182: {  	v8, _, _ =	vpop (xrf0)  }
0x183: {  	v9, _, _ =	vpop (xrf0)  }
0x184: {  	v11 =	vld [tilespmem:$0x1DA00];
	v9 =	vbroadcast v9, $0xF;
	_ =	sdelay $0x1  }
0x185: {  	v4 =	vxor.u32 $0x80000000, v4;
	vm0 =	veq.f32 v10, v9  }
0x186: {  	v4 =	vnsel vm0, $0x80004E20, v4  }
0x187: {  	(xrf0) =	vmin.scan.msk.u32 $0xffff, v4  }
0x188: {  	(xrf0) =	vmax.scan.msk.f32 $0xffff, v11;
	_ =	sdelay $0x3  }
0x189: {  	v4 =	vld [tilespmem:$0x1E200]  }
0x18a: {  	v9, _, _ =	vpop (xrf0)  }
0x18b: {  	v10, _, _ =	vpop (xrf0)  }
0x18c: {  	v12 =	vld [tilespmem:$0x1DA80];
	v10 =	vbroadcast v10, $0xF;
	_ =	sdelay $0x1  }
0x18d: {  	v4 =	vxor.u32 $0x80000000, v4;
	vm0 =	veq.f32 v11, v10  }
0x18e: {  	v4 =	vnsel vm0, $0x80004E20, v4  }
0x18f: {  	(xrf0) =	vmin.scan.msk.u32 $0xffff, v4  }
0x190: {  	(xrf0) =	vmax.scan.msk.f32 $0xffff, v12;
	_ =	sdelay $0x3  }
0x191: {  	v4 =	vld [tilespmem:$0x1E280]  }
0x192: {  	v10, _, _ =	vpop (xrf0)  }
0x193: {  	v11, _, _ =	vpop (xrf0)  }
0x194: {  	v13 =	vld [tilespmem:$0x1DB00];
	v11 =	vbroadcast v11, $0xF;
	_ =	sdelay $0x1  }
0x195: {  	v4 =	vxor.u32 $0x80000000, v4;
	vm0 =	veq.f32 v12, v11  }
0x196: {  	v4 =	vnsel vm0, $0x80004E20, v4  }
0x197: {  	(xrf0) =	vmin.scan.msk.u32 $0xffff, v4  }
0x198: {  	(xrf0) =	vmax.scan.msk.f32 $0xffff, v13;
	_ =	sdelay $0x3  }
0x199: {  	v4 =	vld [tilespmem:$0x1E300]  }
0x19a: {  	v11, _, _ =	vpop (xrf0)  }
0x19b: {  	v51, _, _ =	vpop (xrf0)  }
0x19c: {  	v14 =	vld [tilespmem:$0x1DB80];
	v12 =	vbroadcast v51, $0xF;
	_ =	sdelay $0x1  }
0x19d: {  	v4 =	vxor.u32 $0x80000000, v4;
	vm0 =	veq.f32 v13, v12  }
0x19e: {  	v4 =	vnsel vm0, $0x80004E20, v4  }
0x19f: {  	(xrf0) =	vmin.scan.msk.u32 $0xffff, v4  }
0x1a0: {  	(xrf0) =	vmax.scan.msk.f32 $0xffff, v14;
	_ =	sdelay $0x3  }
0x1a1: {  	v4 =	vld [tilespmem:$0x1E380]  }
0x1a2: {  	v52, _, _ =	vpop (xrf0)  }
0x1a3: {  	v53, _, _ =	vpop (xrf0)  }
0x1a4: {  	v15 =	vld [tilespmem:$0x1DC00];
	v13 =	vbroadcast v53, $0xF;
	_ =	sdelay $0x1  }
0x1a5: {  	v4 =	vxor.u32 $0x80000000, v4;
	vm0 =	veq.f32 v14, v13  }
0x1a6: {  	v4 =	vnsel vm0, $0x80004E20, v4  }
0x1a7: {  	(xrf0) =	vmin.scan.msk.u32 $0xffff, v4  }
0x1a8: {  	(xrf0) =	vmax.scan.msk.f32 $0xffff, v15;
	_ =	sdelay $0x3  }
0x1a9: {  	v4 =	vld [tilespmem:$0x1E400]  }
0x1aa: {  	v54, _, _ =	vpop (xrf0)  }
0x1ab: {  	v55, _, _ =	vpop (xrf0)  }
0x1ac: {  	v16 =	vld [tilespmem:$0x1DC80];
	v14 =	vbroadcast v55, $0xF;
	_ =	sdelay $0x1  }
0x1ad: {  	v4 =	vxor.u32 $0x80000000, v4;
	vm0 =	veq.f32 v15, v14  }
0x1ae: {  	v4 =	vnsel vm0, $0x80004E20, v4  }
0x1af: {  	(xrf0) =	vmin.scan.msk.u32 $0xffff, v4  }
0x1b0: {  	(xrf0) =	vmax.scan.msk.f32 $0xffff, v16;
	_ =	sdelay $0x3  }
0x1b1: {  	v4 =	vld [tilespmem:$0x1E480]  }
0x1b2: {  	v56, _, _ =	vpop (xrf0)  }
0x1b3: {  	v57, _, _ =	vpop (xrf0)  }
0x1b4: {  	v17 =	vld [tilespmem:$0x1DD00];
	v15 =	vbroadcast v57, $0xF;
	_ =	sdelay $0x1  }
0x1b5: {  	v4 =	vxor.u32 $0x80000000, v4;
	vm0 =	veq.f32 v16, v15  }
0x1b6: {  	v4 =	vnsel vm0, $0x80004E20, v4  }
0x1b7: {  	(xrf0) =	vmin.scan.msk.u32 $0xffff, v4  }
0x1b8: {  	(xrf0) =	vmax.scan.msk.f32 $0xffff, v17;
	_ =	sdelay $0x3  }
0x1b9: {  	v4 =	vld [tilespmem:$0x1E500]  }
0x1ba: {  	v58, _, _ =	vpop (xrf0)  }
0x1bb: {  	v59, _, _ =	vpop (xrf0)  }
0x1bc: {  	v18 =	vld [tilespmem:$0x1DD80];
	v16 =	vbroadcast v59, $0xF;
	_ =	sdelay $0x1  }
0x1bd: {  	v4 =	vxor.u32 $0x80000000, v4;
	vm0 =	veq.f32 v17, v16  }
0x1be: {  	v4 =	vnsel vm0, $0x80004E20, v4  }
0x1bf: {  	(xrf0) =	vmin.scan.msk.u32 $0xffff, v4  }
0x1c0: {  	(xrf0) =	vmax.scan.msk.f32 $0xffff, v18;
	_ =	sdelay $0x3  }
0x1c1: {  	v4 =	vld [tilespmem:$0x1E580]  }
0x1c2: {  	v60, _, _ =	vpop (xrf0)  }
0x1c3: {  	v61, _, _ =	vpop (xrf0)  }
0x1c4: {  	v19 =	vld [tilespmem:$0x1DE00];
	v17 =	vbroadcast v61, $0xF;
	_ =	sdelay $0x1  }
0x1c5: {  	v4 =	vxor.u32 $0x80000000, v4;
	vm0 =	veq.f32 v18, v17  }
0x1c6: {  	v4 =	vnsel vm0, $0x80004E20, v4  }
0x1c7: {  	(xrf0) =	vmin.scan.msk.u32 $0xffff, v4  }
0x1c8: {  	(xrf0) =	vmax.scan.msk.f32 $0xffff, v19;
	_ =	sdelay $0x3  }
0x1c9: {  	v4 =	vld [tilespmem:$0x1E600]  }
0x1ca: {  	v62, _, _ =	vpop (xrf0)  }
0x1cb: {  	v63, _, _ =	vpop (xrf0)  }
0x1cc: {  	v20 =	vld [tilespmem:$0x1DE80];
	v18 =	vbroadcast v63, $0xF;
	_ =	sdelay $0x1  }
0x1cd: {  	v4 =	vxor.u32 $0x80000000, v4;
	vm0 =	veq.f32 v19, v18  }
0x1ce: {  	v4 =	vnsel vm0, $0x80004E20, v4  }
0x1cf: {  	(xrf0) =	vmin.scan.msk.u32 $0xffff, v4  }
0x1d0: {  	(xrf0) =	vmax.scan.msk.f32 $0xffff, v20;
	_ =	sdelay $0x2  }
0x1d1: {  	(v2sf) =	vpush v0, $0xF  }
0x1d2: {  	v0 =	vld [tilespmem:$0x1E680];
	(v2sf) =	vpush v1, $0xF  }
0x1d3: {  	(v2sf) =	vpush v6, $0xF;
	v1, _, _ =	vpop (xrf0)  }
0x1d4: {  	(v2sf) =	vpush v7, $0xF;
	v4, _, _ =	vpop (xrf0)  }
0x1d5: {  	(v2sf) =	vpush v8, $0xF;
	v4 =	vbroadcast v4, $0xF  }
0x1d6: {  	(v2sf) =	vpush v9, $0xF  }
0x1d7: {  	v0 =	vxor.u32 $0x80000000, v0;
	(v2sf) =	vpush v10, $0xF;
	vm0 =	veq.f32 v20, v4  }
0x1d8: {  	(v2sf) =	vpush v11, $0xF;
	v0 =	vnsel vm0, $0x80004E20, v0  }
0x1d9: {  	(v2sf) =	vpush v52, $0xF;
	(xrf0) =	vmin.scan.msk.u32 $0xffff, v0  }
0x1da: {  	(v2sf) =	vpush v54, $0xF  }
0x1db: {  	(v2sf) =	vpush v56, $0xF  }
0x1dc: {  	(v2sf) =	vpush v58, $0xF  }
0x1dd: {  	(v2sf) =	vpush v60, $0xF  }
0x1de: {  	(v2sf) =	vpush v62, $0xF  }
0x1df: {  	(v2sf) =	vpush v1, $0xF;
	v0, _, _ =	vpop (xrf0)  }
0x1e0: {  	s0 =	spop (v2sf);
	(v2sf) =	vpush v0, $0xF  }
0x1e1: {  	s1 =	spop (v2sf)  }
0x1e2: {  	s2 =	spop (v2sf)  }
0x1e3: {  	s3 =	spop (v2sf)  }
0x1e4: {  	s4 =	spop (v2sf)  }
0x1e5: {  	s5 =	spop (v2sf)  }
0x1e6: {  	s6 =	spop (v2sf)  }
0x1e7: {  	s7 =	spop (v2sf)  }
0x1e8: {  	s8 =	spop (v2sf)  }
0x1e9: {  	s9 =	spop (v2sf)  }
0x1ea: {  	s10 =	spop (v2sf)  }
0x1eb: {  	s11 =	spop (v2sf)  }
0x1ec: {  	s12 =	spop (v2sf)  }
0x1ed: {  	s18 =	spop (v2sf)  }
0x1ee: {  	s20 =	spop (v2sf)  }
0x1ef: {  	s21 =	spop (v2sf)  }
0x1f0: {  	s21 =	sxor.u32 $0x80000000, s21  }
0x1f1: {  	s0 =	sxor.u32 $0x80000000, s0;
	vm0 =	vcmask $0x300;
	v0 =	vmov s21  }
0x1f2: {  	s1 =	sxor.u32 $0x80000000, s1;
	v0 =	vsel vm0, s0, v0;
	vm0 =	vcmask $0x704  }
0x1f3: {  	s2 =	sxor.u32 $0x80000000, s2;
	v0 =	vsel vm0, s1, v0  }
0x1f4: {  	s3 =	sxor.u32 $0x80000000, s3;
	vm0 =	vcmask $0xF0C;
	v0 =	vsel vm2, s2, v0  }
0x1f5: {  	s4 =	sxor.u32 $0x80000000, s4;
	v0 =	vsel vm0, s3, v0;
	vm0 =	vcmask $0x1310  }
0x1f6: {  	s5 =	sxor.u32 $0x80000000, s5;
	v0 =	vsel vm0, s4, v0;
	vm0 =	vcmask $0x1714  }
0x1f7: {  	s6 =	sxor.u32 $0x80000000, s6;
	v0 =	vsel vm0, s5, v0;
	vm0 =	vcmask $0x1B18  }
0x1f8: {  	s21 =	sxor.u32 $0x80000000, s7;
	v0 =	vsel vm0, s6, v0;
	vm0 =	vcmask $0x1F1C  }
0x1f9: {  	s22 =	sxor.u32 $0x80000000, s8;
	v0 =	vsel vm0, s21, v0;
	vm0 =	vcmask $0x2320  }
0x1fa: {  	s23 =	sxor.u32 $0x80000000, s9;
	v0 =	vsel vm0, s22, v0;
	vm0 =	vcmask $0x2724  }
0x1fb: {  	s24 =	sxor.u32 $0x80000000, s10;
	v0 =	vsel vm0, s23, v0;
	vm0 =	vcmask $0x2B28  }
0x1fc: {  	s25 =	sxor.u32 $0x80000000, s11;
	v0 =	vsel vm0, s24, v0;
	vm0 =	vcmask $0x2F2C  }
0x1fd: {  	s26 =	sxor.u32 $0x80000000, s12;
	v0 =	vsel vm0, s25, v0  }
0x1fe: {  	s29 =	sxor.u32 $0x80000000, s18;
	v0 =	vsel vm12, s26, v0  }
0x1ff: {  	s30 =	sxor.u32 $0x80000000, s20;
	v0 =	vsel vm13, s29, v0  }
0x200: {  	v0 =	vsel vm14, s30, v0;
	_ =	sdelay $0x3  }
0x201: {  	v1 =	vimm.f32 $2.000000000e+00;
	s22 =	simm.s32 $0x13A00  }
0x202: {  	s31 =	rddreg [dreg:$0xa];
	s23 =	simm.s32 $0x0;
	[tilespmem:v0+s22+$0x0] =	vst.idx.msk $0xffff, v1  }
0x203: {  	[tilespmem:s23], [sflag:$0x1] =	stream.linear.gather [hbm4b:s31+s23], $0x13A00, $0x38;
	[tilespmem:$0x1F980] =	vst v63  }
0x204: {  	_ =	swait.ge [sflag:s13], $0x13A00  }
0x205: {  	s28 =	simm.s32 $0x0;
	s4 =	simm.s32 $0x1E900;
	[sflag:s13] =	ssyncset.done $0x0  }
0x206: {  	v6 =	vimm.f32 $0.0e+00;
	s24 =	simm.s32 $0x18880;
	s20 =	rddreg [dreg:$0xb];
	[sflag:s13] =	ssyncadd.s32 $0xFFFEC600  }
0x207: {  	v7 =	vimm.f32 $0.0e+00;
	v8 =	vimm.f32 $0.0e+00;
	s25 =	simm.s32 $0x0;
	s26 =	simm.s32 $0x0;
	v1 =	vimm.f32 $0.0e+00;
	s3 =	rddreg [dreg:$0x1]  }
.LBB2_4:
0x208: {  	s0 =	smul.u32 $0x7D0, s28;
	_ =	sdelay $0x1  }
0x209: {  	s0 =	sadd.s32 s20, s0  }
0x20a: {  	s0 =	sshrl.u32 s0, $0x3  }
0x20b: {  	s0 =	sadd.s32 s3, s0  }
0x20c: {  	[tilespmem:s4], [sflag:$0x1] =	stream.linear.gather [hbm4b:s0+s23], $0x7D0, $0x38;
	[tilespmem:$0x1F980] =	vst v63  }
0x20d: {  	_ =	swait.ge [sflag:s13], $0x7D0  }
0x20e: {  	[sflag:s13] =	ssyncset.done $0x0  }
0x20f: {  	s29 =	simm.s32 $0x0;
	[sflag:s13] =	ssyncadd.s32 $0xFFFFF830  }
0x210: {  	v10 =	vld [tilespmem:s29+$0x1E900];
	_ =	sdelay $0x4  }
0x211: {  	v0 =	vand.u32 $0x7FFFFFFF, v10  }
0x212: {  	v0 =	vsub.f32 $0.0e+00, v0;
	_ =	sdelay $0x1  }
0x213: {  	v0 =	vmul.f32 $1.442695020e+00, v0;
	_ =	sdelay $0x1  }
0x214: {  	(erf) = vpow2.f32 v0;
	_ =	sdelay $0x8  }
0x215: {  	v4 =	vpop (erf)  }
0x216: {  	v11 =	vadd.f32 $1.000000000e+00, v4;
	_ =	sdelay $0x1  }
0x217: {  	v0 =	vand.u32 $0x7FFFFF, v11  }
0x218: {  	v0 =	vor.u32 $0x3F800000, v0  }
0x219: {  	v0 =	vadd.f32 $-1.000000000e+00, v0;
	_ =	sdelay $0x1  }
0x21a: {  	v9 =	vadd.f32 $2.000000000e+00, v0;
	_ =	sdelay $0x1  }
0x21b: {  	(erf) = vrcp.f32 v9;
	_ =	sdelay $0x8  }
0x21c: {  	v9 =	vpop (erf)  }
0x21d: {  	v12 =	vmul.f32 v9, v0;
	_ =	sdelay $0x1  }
0x21e: {  	v9 =	vmul.f32 v12, v12;
	_ =	sdelay $0x1  }
0x21f: {  	v13 =	vmul.f32 v9, v3  }
0x220: {  	v0 =	vmov s22  }
0x221: {  	(erf) = vrcp.f32 v11;
	v13 =	vadd.f32 $1.428571490e-01, v13;
	_ =	sdelay $0x1  }
0x222: {  	v13 =	vmul.f32 v13, v9;
	_ =	sdelay $0x1  }
0x223: {  	v14 =	vld.idx.msk [tilespmem:v0+s29+$0x0 ss:$0x1], $0xffff;
	v13 =	vadd.f32 $2.000000030e-01, v13;
	_ =	sdelay $0x1  }
0x224: {  	v13 =	vmul.f32 v13, v9;
	_ =	sdelay $0x1  }
0x225: {  	vm1 =	vge.f32 v10, $0.0e+00;
	v13 =	vadd.f32 $3.333333430e-01, v13  }
0x226: {  	v15 =	vpop (erf);
	vm0 =	vgt.f32 v14, $5.000000000e-01;
	v14 =	vsel vm1, $0x3F800000, v4  }
0x227: {  	v4 =	vsel vm0, $0x3F800000, v5;
	v14 =	vmul.f32 v15, v14;
	v13 =	vmul.f32 v13, v9  }
0x228: {  	v15 =	vsub.f32 $1.000000000e+00, v4  }
0x229: {  	v16 =	vsub.f32 $1.000000000e+00, v14;
	v9 =	vmov s24;
	v13 =	vadd.f32 $1.000000000e+00, v13  }
0x22a: {  	v14 =	vmul.f32 v14, v4  }
0x22b: {  	v11 =	vshra.s32 v11, $0x17;
	v12 =	vmul.f32 v13, v12;
	v13 =	vmul.f32 v16, v15  }
0x22c: {  	v11 =	vadd.s32 $0xFFFFFF81, v11  }
0x22d: {  	v11 =	vcvt.s32.f32 v11;
	v12 =	vmul.f32 $2.885390040e+00, v12;
	v13 =	vadd.f32 v13, v14  }
0x22e: {  	v15 =	vmul.f32 $7.500000000e-01, v15;
	v16 =	vmul.f32 v10, v4;
	v10 =	vmax.f32 v10, $0.0e+00;
	v20 =	vld.idx.msk [tilespmem:v9+s29+$0x0 ss:$0x1], $0xffff  }
0x22f: {  	s21 =	sadd.s32 $0x0, s26;
	v14 =	vmul.f32 $2.500000000e-01, v4;
	v11 =	vadd.f32 v11, v12;
	v12 =	vsub.f32 $1.000000000e+00, v13  }
0x230: {  	s1 =	sand.u32 $0x70, s25;
	s0 =	sand.u32 $0x3FE00, s21;
	v10 =	vsub.f32 v10, v16  }
0x231: {  	s0 =	sor.u32 s1, s0;
	v13 =	vadd.f32 v15, v14;
	v11 =	vmul.f32 $6.931471820e-01, v11;
	v12 =	vmul.f32 v12, v12  }
0x232: {  	v18 =	vld [tilespmem:s0+$0x0]  }
0x233: {  	v17 =	vld [tilespmem:s0+$0x80];
	v10 =	vadd.f32 v11, v10;
	v11 =	vmul.f32 v12, v13  }
0x234: {  	v19 =	vld [tilespmem:s0+$0x100]  }
0x235: {  	v16 =	vld [tilespmem:s0+$0x180];
	v10 =	vmul.f32 v10, v11  }
0x236: {  	v13 =	vld.idx.msk [tilespmem:v20+s14+$0x0], $0xffff  }
0x237: {  	v14 =	vld.idx.msk [tilespmem:v20+s15+$0x0], $0xffff;
	v10 =	vmin.f32 v10, $1.000000000e+02  }
0x238: {  	s30 =	simm.s32 $0x40;
	s31 =	smov.u32 s25;
	v1 =	vadd.f32 v4, v1;
	s0 =	simm.s32 $0x80;
	v15 =	vld.idx.msk [tilespmem:v20+s16+$0x0], $0xffff;
	v11 =	vmul.f32 v10, v4;
	v10 =	vsel vm0, $0x0, v10  }
.LBB2_5:
0x239: {  	p0 =	sne.s32 s0, $0x1F00;
	v20 =	vld.idx.msk [tilespmem:v20+s17+$0x0], $0xffff;
	v21 =	vsub.f32 v19, v18;
	v22 =	vadd.f32 v19, v18;
	[tilespmem:v0+s29+$0x0 ss:$0x1] =	vst.idx.msk $0xffff, v10;
	s29 =	sshra.s32 s30, $0x2  }
0x23a: {  	v8 =	vmax.f32 v8, v10;
	v12 =	vld [tilespmem:s29+$0x1E900];
	v23 =	vsub.f32 v16, v17;
	v24 =	vadd.f32 v16, v17  }
0x23b: {  	v6 =	vadd.f32 v11, v6  }
0x23c: {  	v11 =	vmax.f32 v18, v13;
	v18 =	vmin.f32 v18, v13;
	v10 =	vmul.f32 v23, v21  }
0x23d: {  	v21 =	vmax.f32 v17, v14;
	v17 =	vmin.f32 v17, v14  }
0x23e: {  	v23 =	vsub.f32 v15, v13;
	v25 =	vmin.f32 v19, v15;
	v19 =	vmax.f32 v19, v15  }
0x23f: {  	v27 =	vsub.f32 v20, v14;
	v28 =	vmin.f32 v16, v20;
	v26 =	vand.u32 $0x7FFFFFFF, v12  }
0x240: {  	v11 =	vsub.f32 v25, v11;
	v16 =	vmax.f32 v16, v20;
	v26 =	vsub.f32 $0.0e+00, v26  }
0x241: {  	v18 =	vsub.f32 v19, v18;
	v21 =	vsub.f32 v28, v21;
	v23 =	vmul.f32 v27, v23  }
0x242: {  	v16 =	vsub.f32 v16, v17;
	v11 =	vmax.f32 v11, $0.0e+00;
	v19 =	vmul.f32 $1.442695020e+00, v26  }
0x243: {  	v18 =	vmul.f32 v18, v18;
	v17 =	vmax.f32 v21, $0.0e+00;
	v10 =	vadd.f32 v10, v23  }
0x244: {  	v13 =	vadd.f32 v15, v13;
	v11 =	vmul.f32 v17, v11;
	(erf) = vpow2.f32 v19  }
0x245: {  	v14 =	vadd.f32 v20, v14;
	v15 =	vmul.f32 v16, v16  }
0x246: {  	v13 =	vsub.f32 v22, v13;
	v10 =	vsub.f32 v10, v11  }
0x247: {  	v14 =	vsub.f32 v24, v14;
	v15 =	vadd.f32 v15, v18  }
0x248: {  	v13 =	vmul.f32 v13, v13;
	v10 =	vadd.f32 $1.000000010e-07, v10  }
0x249: {  	v14 =	vmul.f32 v14, v14;
	v15 =	vadd.f32 $1.000000010e-07, v15  }
0x24a: {  	(erf) = vrcp.f32 v10  }
0x24b: {  	v10 =	vadd.f32 v14, v13;
	(erf) = vrcp.f32 v15;
	_ =	sdelay $0x1  }
0x24c: {  	v10 =	vmul.f32 $2.500000000e-01, v10;
	v13 =	vpop (erf)  }
0x24d: {  	v14 =	vadd.f32 $1.000000000e+00, v13;
	_ =	sdelay $0x1  }
0x24e: {  	v15 =	vand.u32 $0x7FFFFF, v14  }
0x24f: {  	v15 =	vor.u32 $0x3F800000, v15  }
0x250: {  	v15 =	vadd.f32 $-1.000000000e+00, v15  }
0x251: {  	v16 =	vpop (erf)  }
0x252: {  	v17 =	vadd.f32 $2.000000000e+00, v15;
	v11 =	vmul.f32 v16, v11;
	v16 =	vpop (erf)  }
0x253: {  	v10 =	vmul.f32 v16, v10  }
0x254: {  	(erf) = vrcp.f32 v17;
	v11 =	vsub.f32 $1.000000000e+00, v11;
	_ =	sdelay $0x1  }
0x255: {  	v10 =	vadd.f32 v11, v10;
	_ =	sdelay $0x1  }
0x256: {  	v10 =	vmin.f32 v10, $1.000000000e+02  }
0x257: {  	v4 =	vmul.f32 v10, v4;
	_ =	sdelay $0x1  }
0x258: {  	v7 =	vadd.f32 v4, v7;
	_ =	sdelay $0x1  }
0x259: {  	v4 =	vpop (erf)  }
0x25a: {  	v10 =	vmul.f32 v4, v15;
	_ =	sdelay $0x1  }
0x25b: {  	v11 =	vmul.f32 v10, v10;
	_ =	sdelay $0x1  }
0x25c: {  	v4 =	vmul.f32 v11, v3;
	_ =	sdelay $0x1  }
0x25d: {  	v4 =	vadd.f32 $1.428571490e-01, v4;
	(erf) = vrcp.f32 v14;
	_ =	sdelay $0x1  }
0x25e: {  	v4 =	vmul.f32 v4, v11  }
0x25f: {  	v15 =	vld.idx.msk [tilespmem:v0+s29+$0x0 ss:$0x1], $0xffff  }
0x260: {  	v4 =	vadd.f32 $2.000000030e-01, v4;
	_ =	sdelay $0x1  }
0x261: {  	v4 =	vmul.f32 v4, v11;
	_ =	sdelay $0x1  }
0x262: {  	vm1 =	vge.f32 v12, $0.0e+00;
	v16 =	vadd.f32 $3.333333430e-01, v4  }
0x263: {  	v13 =	vsel vm1, $0x3F800000, v13;
	vm0 =	vgt.f32 v15, $5.000000000e-01;
	v15 =	vpop (erf)  }
0x264: {  	v4 =	vsel vm0, $0x3F800000, v5;
	v11 =	vmul.f32 v16, v11;
	v13 =	vmul.f32 v15, v13  }
0x265: {  	v15 =	vsub.f32 $1.000000000e+00, v4;
	v1 =	vadd.f32 v4, v1  }
0x266: {  	v11 =	vadd.f32 $1.000000000e+00, v11;
	v16 =	vsub.f32 $1.000000000e+00, v13  }
0x267: {  	v13 =	vmul.f32 v13, v4  }
0x268: {  	v14 =	vshra.s32 v14, $0x17;
	v10 =	vmul.f32 v11, v10;
	v11 =	vmul.f32 v16, v15  }
0x269: {  	v14 =	vadd.s32 $0xFFFFFF81, v14  }
0x26a: {  	v14 =	vcvt.s32.f32 v14;
	v10 =	vmul.f32 $2.885390040e+00, v10;
	v11 =	vadd.f32 v11, v13  }
0x26b: {  	v15 =	vmul.f32 $7.500000000e-01, v15;
	v13 =	vmul.f32 $2.500000000e-01, v4;
	v20 =	vld.idx.msk [tilespmem:v9+s29+$0x0 ss:$0x1], $0xffff  }
0x26c: {  	s1 =	sadd.s32 s30, s26;
	s31 =	sadd.s32 $0x10, s31;
	s30 =	smov.u32 s0;
	v16 =	vmul.f32 v12, v4;
	v10 =	vadd.f32 v14, v10;
	v11 =	vsub.f32 $1.000000000e+00, v11  }
0x26d: {  	s2 =	sand.u32 $0x70, s31;
	s1 =	sand.u32 $0x3FE00, s1;
	v12 =	vmax.f32 v12, $0.0e+00;
	v13 =	vadd.f32 v15, v13  }
0x26e: {  	s1 =	sor.u32 s2, s1;
	v12 =	vsub.f32 v12, v16;
	v10 =	vmul.f32 $6.931471820e-01, v10;
	v11 =	vmul.f32 v11, v11  }
0x26f: {  	v18 =	vld [tilespmem:s1+$0x0]  }
0x270: {  	v17 =	vld [tilespmem:s1+$0x80];
	v10 =	vadd.f32 v10, v12;
	v11 =	vmul.f32 v11, v13  }
.Ltmp1:
0x271: {  	v19 =	vld [tilespmem:s1+$0x100];
	(pc) =	sbr.rel @p0 .LBB2_5-.Ltmp1, $4  }
0x272: {  	v16 =	vld [tilespmem:s1+$0x180];
	v10 =	vmul.f32 v10, v11  }
0x273: {  	v13 =	vld.idx.msk [tilespmem:v20+s14+$0x0], $0xffff  }
0x274: {  	v14 =	vld.idx.msk [tilespmem:v20+s15+$0x0], $0xffff;
	v10 =	vmin.f32 v10, $1.000000000e+02  }
0x275: {  	s0 =	sadd.s32 $0x40, s0;
	v15 =	vld.idx.msk [tilespmem:v20+s16+$0x0], $0xffff;
	v11 =	vmul.f32 v10, v4;
	v10 =	vsel vm0, $0x0, v10  }
0x276: {  	_ =	sdelay $0x3  }
0x277: {  	v20 =	vld.idx.msk [tilespmem:v20+s17+$0x0], $0xffff;
	s0 =	sshra.s32 s30, $0x2;
	[tilespmem:v0+s29+$0x0 ss:$0x1] =	vst.idx.msk $0xffff, v10  }
0x278: {  	v12 =	vld [tilespmem:s0+$0x1E900];
	_ =	sdelay $0x4  }
0x279: {  	v21 =	vand.u32 $0x7FFFFFFF, v12  }
0x27a: {  	v21 =	vsub.f32 $0.0e+00, v21;
	_ =	sdelay $0x1  }
0x27b: {  	v21 =	vmul.f32 $1.442695020e+00, v21;
	_ =	sdelay $0x1  }
0x27c: {  	(erf) = vpow2.f32 v21;
	_ =	sdelay $0x2  }
0x27d: {  	v41 =	vsub.f32 v19, v18;
	v22 =	vsub.f32 v16, v17  }
0x27e: {  	v42 =	vmax.f32 v18, v13;
	v23 =	vmin.f32 v18, v13;
	v24 =	vmax.f32 v17, v14  }
0x27f: {  	v25 =	vmin.f32 v17, v14;
	v26 =	vsub.f32 v15, v13;
	v27 =	vmin.f32 v19, v15  }
0x280: {  	v30 =	vmax.f32 v19, v15;
	v28 =	vsub.f32 v20, v14;
	v29 =	vmin.f32 v16, v20  }
0x281: {  	v24 =	vsub.f32 v29, v24;
	v21 =	vmul.f32 v22, v41;
	v22 =	vsub.f32 v27, v42  }
0x282: {  	v43 =	vmax.f32 v16, v20;
	v23 =	vsub.f32 v30, v23;
	v26 =	vmul.f32 v28, v26  }
0x283: {  	v25 =	vsub.f32 v43, v25;
	v24 =	vmax.f32 v24, $0.0e+00;
	v22 =	vmax.f32 v22, $0.0e+00;
	v27 =	vpop (erf)  }
0x284: {  	v21 =	vadd.f32 v21, v26;
	v22 =	vmul.f32 v24, v22;
	v24 =	vadd.f32 $1.000000000e+00, v27  }
0x285: {  	v23 =	vmul.f32 v23, v23;
	v25 =	vmul.f32 v25, v25  }
0x286: {  	v21 =	vsub.f32 v21, v22;
	v44 =	vand.u32 $0x7FFFFF, v24  }
0x287: {  	v23 =	vadd.f32 v25, v23;
	v45 =	vor.u32 $0x3F800000, v44  }
0x288: {  	v21 =	vadd.f32 $1.000000010e-07, v21;
	v25 =	vadd.f32 $-1.000000000e+00, v45  }
0x289: {  	v9 =	vld.idx.msk [tilespmem:v9+s0+$0x0 ss:$0x1], $0xffff;
	v23 =	vadd.f32 $1.000000010e-07, v23  }
0x28a: {  	s1 =	sadd.s32 s30, s26;
	s2 =	sadd.s32 $0x10, s31;
	(erf) = vrcp.f32 v21;
	v46 =	vadd.f32 $2.000000000e+00, v25  }
0x28b: {  	s2 =	sand.u32 $0x70, s2;
	s1 =	sand.u32 $0x3FE00, s1;
	(erf) = vrcp.f32 v23  }
0x28c: {  	v32 =	vld.idx.msk [tilespmem:v0+s0+$0x0 ss:$0x1], $0xffff;
	s1 =	sor.u32 s2, s1;
	(erf) = vrcp.f32 v46  }
0x28d: {  	v55 =	vld [tilespmem:s1+$0x0]  }
0x28e: {  	v50 =	vadd.f32 v19, v18;
	v51 =	vadd.f32 v16, v17;
	v57 =	vld [tilespmem:s1+$0x80]  }
0x28f: {  	v58 =	vld [tilespmem:s1+$0x100];
	v52 =	vadd.f32 v15, v13;
	v53 =	vadd.f32 v20, v14  }
0x290: {  	v59 =	vld [tilespmem:s1+$0x180]  }
0x291: {  	v13 =	vsub.f32 v50, v52;
	v14 =	vsub.f32 v51, v53;
	v60 =	vld.idx.msk [tilespmem:v9+s14+$0x0], $0xffff  }
0x292: {  	v62 =	vld.idx.msk [tilespmem:v9+s15+$0x0], $0xffff  }
0x293: {  	v13 =	vmul.f32 v13, v13;
	v14 =	vmul.f32 v14, v14;
	v63 =	vld.idx.msk [tilespmem:v9+s16+$0x0], $0xffff;
	v47 =	vpop (erf)  }
0x294: {  	v9 =	vld.idx.msk [tilespmem:v9+s17+$0x0], $0xffff;
	v23 =	vpop (erf)  }
0x295: {  	vm0 =	vgt.f32 v32, $5.000000000e-01;
	v13 =	vadd.f32 v14, v13;
	v49 =	vpop (erf)  }
0x296: {  	v36 =	vsub.f32 v58, v55;
	v37 =	vsub.f32 v59, v57;
	v25 =	vmul.f32 v49, v25  }
0x297: {  	v13 =	vmul.f32 $2.500000000e-01, v13;
	v38 =	vmax.f32 v55, v60;
	v39 =	vmax.f32 v57, v62  }
0x298: {  	v40 =	vsub.f32 v63, v60;
	v31 =	vmin.f32 v58, v63;
	v54 =	vmul.f32 v25, v25  }
0x299: {  	v33 =	vsub.f32 v9, v62;
	v34 =	vmin.f32 v59, v9;
	v41 =	vmin.f32 v55, v60  }
0x29a: {  	v42 =	vmax.f32 v58, v63;
	v43 =	vmin.f32 v57, v62;
	v56 =	vmul.f32 v54, v3  }
0x29b: {  	v29 =	vsub.f32 v34, v39;
	v30 =	vmul.f32 v33, v40;
	(erf) = vrcp.f32 v24  }
0x29c: {  	v13 =	vmul.f32 v23, v13;
	v23 =	vsub.f32 v31, v38;
	v16 =	vadd.f32 $1.428571490e-01, v56  }
0x29d: {  	v29 =	vmax.f32 v29, $0.0e+00;
	v21 =	vmul.f32 v47, v22;
	v22 =	vmul.f32 v37, v36  }
0x29e: {  	v44 =	vmax.f32 v59, v9;
	v23 =	vmax.f32 v23, $0.0e+00;
	v61 =	vmul.f32 v16, v54  }
0x29f: {  	v33 =	vsub.f32 v44, v43;
	v22 =	vadd.f32 v22, v30;
	v23 =	vmul.f32 v29, v23  }
0x2a0: {  	v51 =	vsel vm0, $0x3F800000, v5;
	v31 =	vsub.f32 v42, v41;
	v14 =	vadd.f32 $2.000000030e-01, v61  }
0x2a1: {  	v17 =	vadd.f32 v58, v55;
	v46 =	vmul.f32 v33, v33;
	v22 =	vsub.f32 v22, v23  }
0x2a2: {  	v18 =	vadd.f32 v59, v57;
	v45 =	vmul.f32 v31, v31;
	v14 =	vmul.f32 v14, v54  }
0x2a3: {  	vm1 =	vge.f32 v12, $0.0e+00;
	v52 =	vsub.f32 $1.000000000e+00, v51;
	v22 =	vadd.f32 $1.000000010e-07, v22  }
0x2a4: {  	v47 =	vsel vm1, $0x3F800000, v27;
	v50 =	vadd.f32 v46, v45;
	v49 =	vpop (erf);
	v14 =	vadd.f32 $3.333333430e-01, v14  }
0x2a5: {  	v9 =	vadd.f32 v9, v62;
	v15 =	vmul.f32 v49, v47;
	(erf) = vrcp.f32 v22  }
0x2a6: {  	v19 =	vmul.f32 $7.500000000e-01, v52;
	v53 =	vadd.f32 $1.000000010e-07, v50;
	v14 =	vmul.f32 v14, v54  }
0x2a7: {  	v58 =	vmul.f32 $2.500000000e-01, v51;
	v9 =	vsub.f32 v18, v9;
	v55 =	vsub.f32 $1.000000000e+00, v15  }
0x2a8: {  	(erf) = vrcp.f32 v53;
	v54 =	vadd.f32 v63, v60;
	v14 =	vadd.f32 $1.000000000e+00, v14  }
0x2a9: {  	v24 =	vshra.s32 v24, $0x17;
	v15 =	vmul.f32 v15, v51;
	v56 =	vmul.f32 v55, v52  }
0x2aa: {  	v57 =	vadd.s32 $0xFFFFFF81, v24;
	v17 =	vsub.f32 v17, v54;
	v14 =	vmul.f32 v14, v25  }
0x2ab: {  	v9 =	vmul.f32 v9, v9;
	v20 =	vcvt.s32.f32 v57;
	v15 =	vadd.f32 v56, v15  }
0x2ac: {  	v59 =	vsub.f32 $1.000000000e+00, v21;
	v17 =	vmul.f32 v17, v17;
	v14 =	vmul.f32 $2.885390040e+00, v14  }
0x2ad: {  	v16 =	vadd.f32 v19, v58;
	v15 =	vsub.f32 $1.000000000e+00, v15  }
0x2ae: {  	v61 =	vpop (erf);
	v60 =	vmul.f32 v12, v51;
	v9 =	vadd.f32 v9, v17;
	v14 =	vadd.f32 v20, v14  }
0x2af: {  	v15 =	vmul.f32 v15, v15;
	v12 =	vmax.f32 v12, $0.0e+00;
	v17 =	vmul.f32 v61, v23  }
0x2b0: {  	v12 =	vsub.f32 v12, v60;
	v9 =	vmul.f32 $2.500000000e-01, v9;
	v14 =	vmul.f32 $6.931471820e-01, v14  }
0x2b1: {  	v13 =	vadd.f32 v59, v13;
	v62 =	vpop (erf);
	v15 =	vmul.f32 v15, v16  }
0x2b2: {  	v63 =	vsub.f32 $1.000000000e+00, v17;
	v9 =	vmul.f32 v62, v9;
	v12 =	vadd.f32 v14, v12  }
0x2b3: {  	s28 =	sadd.s32 $0x1, s28;
	v13 =	vmin.f32 v13, $1.000000000e+02  }
0x2b4: {  	p0 =	seq.s32 s28, $0xA;
	v4 =	vmul.f32 v13, v4;
	v9 =	vadd.f32 v63, v9;
	v12 =	vmul.f32 v12, v15  }
.Ltmp2:
0x2b5: {  	v6 =	vadd.f32 v11, v6;
	(pc) =	sbr.rel @!p0 .LBB2_4-.Ltmp2, $4  }
0x2b6: {  	v4 =	vadd.f32 v4, v7;
	v9 =	vmin.f32 v9, $1.000000000e+02;
	v7 =	vmin.f32 v12, $1.000000000e+02  }
0x2b7: {  	v9 =	vmul.f32 v9, v51;
	v11 =	vmul.f32 v7, v51;
	v7 =	vsel vm0, $0x0, v7  }
0x2b8: {  	v8 =	vmax.f32 v8, v10;
	s26 =	sadd.s32 $0x1F40, s26;
	v1 =	vadd.f32 v51, v1;
	[tilespmem:v0+s0+$0x0 ss:$0x1] =	vst.idx.msk $0xffff, v7  }
0x2b9: {  	s22 =	sadd.s32 $0x7D0, s22;
	s24 =	sadd.s32 $0x7D0, s24;
	s25 =	sadd.s32 $0x7D0, s25;
	v8 =	vmax.f32 v8, v7;
	v7 =	vadd.f32 v9, v4;
	v6 =	vadd.f32 v11, v6  }
0x2ba: {  	s0 =	simm.s32 $0x40;
	s1 =	simm.s32 $0x0  }
.LBB2_8:
0x2bb: {  	p0 =	seq.s32 s0, $0x1FC0;
	[tilespmem:s1+$0x1F180] =	vst v5;
	s1 =	smov.u32 s0;
	s0 =	sadd.s32 $0x40, s0  }
.Ltmp3:
0x2bc: {  	(pc) =	sbr.rel @!p0 .LBB2_8-.Ltmp3, $2  }
0x2bd: {  	_ =	sdelay $0x2  }
0x2be: {  	s1 =	sshra.s32 s1, $0x2  }
0x2bf: {  	(xrf0) =	vmax.scan.msk.f32 $0xffff, v8;
	_ =	sdelay $0x5  }
0x2c0: {  	v0, _, _ =	vpop (xrf0)  }
0x2c1: {  	(v2sf) =	vpush v0, $0xF;
	_ =	sdelay $0xe  }
0x2c2: {  	s0 =	spop (v2sf)  }
0x2c3: {  	s0 =	smul.f32 $1.000000950e+00, s0;
	_ =	sdelay $0x1  }
0x2c4: {  	s0 =	sadd.f32 $9.999999680e-21, s0;
	_ =	sdelay $0x1  }
0x2c5: {  	s23 =	smul.f32 $7.812500000e-03, s0;
	_ =	sdelay $0x1  }
0x2c6: {  	v0 =	vmov s23  }
0x2c7: {  	(erf) = vrcp.f32 v0;
	_ =	sdelay $0x8  }
0x2c8: {  	v0 =	vpop (erf)  }
0x2c9: {  	[tilespmem:s1+$0x1F180] =	vst v5;
	s1 =	simm.s32 $0x0;
	s0 =	simm.s32 $0x40;
	v0 =	vbroadcast v0, $0x0  }
.LBB2_10:
0x2ca: {  	p0 =	sne.s32 s0, $0x13840;
	v4 =	vld [tilespmem:s1+$0x13A00];
	_ =	sdelay $0x4  }
0x2cb: {  	v8 =	vmul.f32 v4, v0;
	_ =	sdelay $0x1  }
0x2cc: {  	v8 =	vtrunc.f32 v8  }
0x2cd: {  	v8 =	vcvt.f32.s32 v8;
	_ =	sdelay $0x1  }
0x2ce: {  	vm0 =	vgt.s32 v8, $0x0  }
0x2cf: {  	v9 =	vnsel vm0, $0x0, v8  }
0x2d0: {  	v9 =	vmin.u32 v9, $0x7F  }
0x2d1: {  	v9 =	vshll.u32 v9, $0x4  }
0x2d2: {  	v9 =	vor.u32 v2, v9  }
.Ltmp4:
0x2d3: {  	(pc) =	sbr.rel @p0 .LBB2_10-.Ltmp4, $4  }
0x2d4: {  	vm1 =	vlt.s32 v8, $0x80;
	vm0 =	vge.f32 v4, $0.0e+00  }
0x2d5: {  	vm0 =	vmand vm0, vm1  }
0x2d6: {  	v4 =	vsel vm0, $0x3F800000, v5  }
0x2d7: {  	s1 =	sshra.s32 s0, $0x2;
	s0 =	sadd.s32 $0x40, s0;
	[tilespmem:v9+s19+$0x0] =	vst.idx.add.f32.msk $0xffff, v4  }
0x2d8: {  	v4 =	vld [tilespmem:s1+$0x13A00];
	_ =	sdelay $0x4  }
0x2d9: {  	v0 =	vmul.f32 v4, v0;
	_ =	sdelay $0x1  }
0x2da: {  	v0 =	vtrunc.f32 v0  }
0x2db: {  	v0 =	vcvt.f32.s32 v0;
	_ =	sdelay $0x1  }
0x2dc: {  	vm0 =	vgt.s32 v0, $0x0  }
0x2dd: {  	v8 =	vnsel vm0, $0x0, v0  }
0x2de: {  	v8 =	vmin.u32 v8, $0x7F  }
0x2df: {  	v8 =	vshll.u32 v8, $0x4  }
0x2e0: {  	v8 =	vor.u32 v2, v8;
	_ =	sdelay $0x1  }
0x2e1: {  	vm1 =	vlt.s32 v0, $0x80;
	vm0 =	vge.f32 v4, $0.0e+00  }
0x2e2: {  	vm0 =	vmand vm0, vm1  }
0x2e3: {  	v0 =	vsel vm0, $0x3F800000, v5  }
0x2e4: {  	s0 =	simm.s32 $0x1F970;
	[tilespmem:v8+s19+$0x0] =	vst.idx.add.f32.msk $0xffff, v0  }
0x2e5: {  	v0 =	vld [tilespmem:s0+$0x0];
	_ =	sdelay $0x3  }
0x2e6: {  	(xrf2) =	vadd.scan.msk.f32 $0xffff, v1  }
0x2e7: {  	(xrf2) =	vadd.scan.msk.f32 $0xffff, v0;
	_ =	sdelay $0x8  }
0x2e8: {  	v0, _, _ =	vpop (xrf2)  }
0x2e9: {  	s25 =	simm.s32 $0x1F960;
	(v2sf) =	vpush v0, $0xF;
	v1, _, _ =	vpop (xrf2)  }
0x2ea: {  	(v2sf) =	vpush v1, $0xF;
	v1 =	vld [tilespmem:s25+$0x0];
	_ =	sdelay $0x2  }
0x2eb: {  	s26 =	simm.s32 $0x1F950  }
0x2ec: {  	v4 =	vld [tilespmem:s26+$0x0]  }
0x2ed: {  	(xrf2) =	vadd.scan.msk.f32 $0xffff, v1;
	_ =	sdelay $0x3  }
0x2ee: {  	(xrf2) =	vadd.scan.msk.f32 $0xffff, v4;
	_ =	sdelay $0x3  }
0x2ef: {  	s2 =	simm.s32 $0x1F940  }
0x2f0: {  	v1 =	vld [tilespmem:s2+$0x0]  }
0x2f1: {  	v8, _, _ =	vpop (xrf2)  }
0x2f2: {  	s28 =	spop (v2sf);
	(v2sf) =	vpush v8, $0xF;
	_ =	sdelay $0x2  }
0x2f3: {  	s30 =	simm.s32 $0x1F930;
	(xrf2) =	vadd.scan.msk.f32 $0xffff, v1;
	v1, _, _ =	vpop (xrf2)  }
0x2f4: {  	v4 =	vld [tilespmem:s30+$0x0];
	s31 =	spop (v2sf);
	(v2sf) =	vpush v1, $0xF;
	_ =	sdelay $0x2  }
0x2f5: {  	s3 =	simm.f32 $0.0e+00;
	s7 =	simm.s32 $0x7F;
	s1 =	simm.s32 $0x7E  }
0x2f6: {  	s4 =	simm.s32 $0x7D;
	s29 =	ssub.f32 $2.000000000e+04, s28;
	s0 =	smul.f32 $3.000000000e+00, s28  }
0x2f7: {  	s6 =	simm.s32 $0x7C;
	s5 =	simm.s32 $0x7B;
	s8 =	sadd.f32 s31, s3;
	(xrf2) =	vadd.scan.msk.f32 $0xffff, v4  }
0x2f8: {  	s10 =	simm.s32 $0x1F920;
	s11 =	simm.s32 $0x79;
	s22 =	smin.f32 s29, s0  }
0x2f9: {  	s9 =	simm.f32 $0.0e+00;
	p1 =	slt.f32 s3, $5.000000000e-01;
	p2 =	sge.f32 s8, s22  }
0x2fa: {  	s24 =	simm.f32 $0.0e+00;
	s2 =	simm.s32 $0x7A;
	s0 =	simm.s32 $0x0;
	v1 =	vld [tilespmem:s10+$0x0]  }
.LBB2_12:
0x2fb: {  	p0 =	seq.s32 s11, $0x0;
	v4, _, _ =	vpop (xrf2);
	p1 =	por !p1, !p2;
	s12 =	smov.u32 s5  }
0x2fc: {  	s5 =	smov.u32 s2;
	s2 =	smov.u32 s11;
	(v2sf) =	vpush v4, $0xF;
	p1 =	por !p1, !p1  }
.Ltmp5:
0x2fd: {  	s18 =	spop (v2sf);
	s3 =	simm.s32 @p1 $0x3F800000;
	(pc) =	sbr.rel @!p0 .LBB2_12-.Ltmp5, $4  }
0x2fe: {  	s24 =	smov.u32 @p1 s9;
	s9 =	smov.u32 s8;
	s8 =	sadd.f32 s18, s8  }
0x2ff: {  	s0 =	smov.u32 @p1 s7;
	s7 =	smov.u32 s1;
	s1 =	smov.u32 s4;
	(xrf2) =	vadd.scan.msk.f32 $0xffff, v1  }
0x300: {  	s10 =	sadd.s32 $0xFFFFFFF0, s10;
	p1 =	slt.f32 s3, $5.000000000e-01;
	p2 =	sge.f32 s8, s22  }
0x301: {  	s11 =	sadd.s32 $0xFFFFFFFF, s11;
	s4 =	smov.u32 s6;
	s6 =	smov.u32 s12;
	v1 =	vld [tilespmem:s10+$0x0]  }
0x302: {  	_ =	sdelay $0x3  }
0x303: {  	v4, _, _ =	vpop (xrf2);
	(xrf2) =	vadd.scan.msk.f32 $0xffff, v1  }
0x304: {  	(v2sf) =	vpush v4, $0xF;
	_ =	sdelay $0x3  }
0x305: {  	v1, _, _ =	vpop (xrf2)  }
0x306: {  	p0 =	por !p1, !p2;
	s10 =	spop (v2sf);
	(v2sf) =	vpush v1, $0xF  }
0x307: {  	p0 =	por !p0, !p0;
	s10 =	sadd.f32 s10, s8  }
0x308: {  	s3 =	simm.s32 @p0 $0x3F800000  }
0x309: {  	p2 =	slt.f32 s3, $5.000000000e-01;
	p3 =	sge.f32 s10, s22  }
0x30a: {  	v1, _, _ =	vpop (xrf2)  }
0x30b: {  	p1 =	por !p2, !p3;
	s11 =	spop (v2sf);
	(v2sf) =	vpush v1, $0xF  }
0x30c: {  	p1 =	por !p1, !p1;
	s11 =	sadd.f32 s11, s10  }
0x30d: {  	s3 =	simm.s32 @p1 $0x3F800000  }
0x30e: {  	p4 =	slt.f32 s3, $5.000000000e-01;
	p3 =	sge.f32 s11, s22  }
0x30f: {  	_ = 	snop  }
0x310: {  	p2 =	por !p4, !p3;
	s12 =	spop (v2sf)  }
0x311: {  	p2 =	por !p2, !p2;
	s12 =	sadd.f32 s12, s11  }
0x312: {  	s3 =	simm.s32 @p2 $0x3F800000  }
0x313: {  	p5 =	slt.f32 s3, $5.000000000e-01;
	p4 =	sge.f32 s12, s22  }
0x314: {  	_ = 	snop  }
0x315: {  	p3 =	por !p5, !p4;
	s18 =	spop (v2sf)  }
0x316: {  	p3 =	por !p3, !p3;
	s18 =	sadd.f32 s18, s12  }
0x317: {  	s3 =	simm.s32 @p3 $0x3F800000  }
0x318: {  	p6 =	slt.f32 s3, $5.000000000e-01;
	p5 =	sge.f32 s18, s22  }
0x319: {  	_ = 	snop  }
0x31a: {  	s24 =	smov.u32 @p0 s9;
	p4 =	por !p6, !p5;
	s31 =	spop (v2sf)  }
0x31b: {  	s0 =	smov.u32 @p0 s7;
	p0 =	por !p4, !p4;
	s7 =	sadd.f32 s31, s18  }
0x31c: {  	s24 =	smov.u32 @p1 s8;
	s3 =	simm.s32 @p0 $0x3F800000  }
0x31d: {  	s0 =	smov.u32 @p1 s1;
	p5 =	slt.f32 s3, $5.000000000e-01;
	p6 =	sge.f32 s7, s22  }
0x31e: {  	s1 =	simm.s32 $0x40;
	s24 =	smov.u32 @p2 s10;
	s0 =	smov.u32 @p2 s4  }
0x31f: {  	s24 =	smov.u32 @p3 s11;
	s0 =	smov.u32 @p3 s6;
	p1 =	por !p5, !p6  }
0x320: {  	s24 =	smov.u32 @p0 s12;
	s0 =	smov.u32 @p0 s5;
	p0 =	por !p1, !p1  }
0x321: {  	s24 =	smov.u32 @p0 s18;
	s0 =	smov.u32 @p0 s2;
	s2 =	simm.s32 $0x0  }
.LBB2_14:
0x322: {  	p0 =	seq.s32 s1, $0x1FC0;
	[tilespmem:s2+$0x1F180] =	vst v5;
	s2 =	smov.u32 s1;
	s1 =	sadd.s32 $0x40, s1  }
.Ltmp6:
0x323: {  	(pc) =	sbr.rel @!p0 .LBB2_14-.Ltmp6, $2  }
0x324: {  	_ =	sdelay $0x2  }
0x325: {  	s2 =	sshra.s32 s2, $0x2  }
0x326: {  	s1 =	sadd.s32 $0x1, s0;
	s31 =	scvt.s32.f32 s0  }
0x327: {  	s1 =	scvt.s32.f32 s1  }
0x328: {  	s0 =	smul.f32 s31, s23  }
0x329: {  	s1 =	smul.f32 s1, s23  }
0x32a: {  	s0 =	sadd.f32 $0.0e+00, s0  }
0x32b: {  	s1 =	sadd.f32 $0.0e+00, s1;
	_ =	sdelay $0x1  }
0x32c: {  	s1 =	ssub.f32 s1, s0;
	_ =	sdelay $0x1  }
0x32d: {  	s23 =	smul.f32 $7.812500000e-03, s1;
	_ =	sdelay $0x1  }
0x32e: {  	v1 =	vmov s23  }
0x32f: {  	(erf) = vrcp.f32 v1;
	_ =	sdelay $0x8  }
0x330: {  	v4 =	vpop (erf)  }
0x331: {  	[tilespmem:s2+$0x1F180] =	vst v5;
	s2 =	simm.s32 $0x0;
	s1 =	simm.s32 $0x40;
	v1 =	vmov s0;
	v4 =	vbroadcast v4, $0x0  }
.LBB2_16:
0x332: {  	p0 =	sne.s32 s1, $0x13840;
	v8 =	vld [tilespmem:s2+$0x13A00];
	_ =	sdelay $0x4  }
0x333: {  	v9 =	vsub.f32 v8, v1;
	_ =	sdelay $0x1  }
0x334: {  	v9 =	vmul.f32 v9, v4;
	_ =	sdelay $0x1  }
0x335: {  	v9 =	vtrunc.f32 v9  }
0x336: {  	v9 =	vcvt.f32.s32 v9;
	_ =	sdelay $0x1  }
0x337: {  	vm0 =	vgt.s32 v9, $0x0  }
0x338: {  	v10 =	vnsel vm0, $0x0, v9  }
0x339: {  	v10 =	vmin.u32 v10, $0x7F  }
0x33a: {  	v10 =	vshll.u32 v10, $0x4  }
0x33b: {  	v10 =	vor.u32 v2, v10  }
.Ltmp7:
0x33c: {  	(pc) =	sbr.rel @p0 .LBB2_16-.Ltmp7, $4  }
0x33d: {  	vm1 =	vlt.s32 v9, $0x80;
	vm0 =	vge.f32 v8, v1  }
0x33e: {  	vm0 =	vmand vm0, vm1  }
0x33f: {  	v8 =	vsel vm0, $0x3F800000, v5  }
0x340: {  	s2 =	sshra.s32 s1, $0x2;
	s1 =	sadd.s32 $0x40, s1;
	[tilespmem:v10+s19+$0x0] =	vst.idx.add.f32.msk $0xffff, v8  }
0x341: {  	v8 =	vld [tilespmem:s2+$0x13A00];
	_ =	sdelay $0x4  }
0x342: {  	v9 =	vsub.f32 v8, v1;
	_ =	sdelay $0x1  }
0x343: {  	v4 =	vmul.f32 v9, v4;
	_ =	sdelay $0x1  }
0x344: {  	v4 =	vtrunc.f32 v4  }
0x345: {  	v4 =	vcvt.f32.s32 v4;
	_ =	sdelay $0x1  }
0x346: {  	vm0 =	vgt.s32 v4, $0x0  }
0x347: {  	v63 =	vnsel vm0, $0x0, v4  }
0x348: {  	v9 =	vmin.u32 v63, $0x7F  }
0x349: {  	v9 =	vshll.u32 v9, $0x4  }
0x34a: {  	v9 =	vor.u32 v2, v9;
	_ =	sdelay $0x1  }
0x34b: {  	vm1 =	vlt.s32 v4, $0x80;
	vm0 =	vge.f32 v8, v1  }
0x34c: {  	vm0 =	vmand vm0, vm1  }
0x34d: {  	v1 =	vsel vm0, $0x3F800000, v5  }
0x34e: {  	s1 =	simm.s32 $0x1F970;
	[tilespmem:v9+s19+$0x0] =	vst.idx.add.f32.msk $0xffff, v1  }
0x34f: {  	v1 =	vld [tilespmem:s1+$0x0];
	_ =	sdelay $0x4  }
0x350: {  	(xrf2) =	vadd.scan.msk.f32 $0xffff, v1;
	_ =	sdelay $0x9  }
0x351: {  	s28 =	simm.s32 $0x1F960;
	v1, _, _ =	vpop (xrf2)  }
0x352: {  	(v2sf) =	vpush v1, $0xF;
	v1 =	vld [tilespmem:s28+$0x0];
	_ =	sdelay $0x2  }
0x353: {  	s29 =	simm.s32 $0x1F950  }
0x354: {  	v4 =	vld [tilespmem:s29+$0x0]  }
0x355: {  	(xrf2) =	vadd.scan.msk.f32 $0xffff, v1;
	_ =	sdelay $0x3  }
0x356: {  	(xrf2) =	vadd.scan.msk.f32 $0xffff, v4;
	_ =	sdelay $0x3  }
0x357: {  	s30 =	simm.s32 $0x1F940  }
0x358: {  	v1 =	vld [tilespmem:s30+$0x0]  }
0x359: {  	v8, _, _ =	vpop (xrf2)  }
0x35a: {  	s4 =	spop (v2sf);
	(v2sf) =	vpush v8, $0xF;
	_ =	sdelay $0x2  }
0x35b: {  	s31 =	simm.s32 $0x1F930;
	(xrf2) =	vadd.scan.msk.f32 $0xffff, v1;
	v1, _, _ =	vpop (xrf2)  }
0x35c: {  	v4 =	vld [tilespmem:s31+$0x0];
	(v2sf) =	vpush v1, $0xF;
	_ =	sdelay $0x3  }
0x35d: {  	s3 =	sadd.f32 $0.0e+00, s24;
	s2 =	simm.f32 $0.0e+00  }
0x35e: {  	s24 =	simm.s32 $0x0;
	s9 =	sadd.f32 s4, s2;
	(xrf2) =	vadd.scan.msk.f32 $0xffff, v4  }
0x35f: {  	s7 =	simm.s32 $0x7F;
	s8 =	simm.s32 $0x7E;
	s5 =	simm.s32 $0x7B  }
0x360: {  	s10 =	simm.s32 $0x1F920;
	s6 =	simm.s32 $0x7A;
	s12 =	sadd.f32 s9, s3  }
0x361: {  	s11 =	simm.s32 $0x79;
	s1 =	simm.s32 $0x7D;
	s4 =	simm.s32 $0x7C;
	v1 =	vld [tilespmem:s10+$0x0]  }
.LBB2_18:
0x362: {  	p0 =	sne.s32 s11, $0x0;
	v4, _, _ =	vpop (xrf2);
	p1 =	slt.f32 s2, $5.000000000e-01;
	p2 =	sge.f32 s12, s22  }
0x363: {  	s18 =	smov.u32 s5;
	s5 =	smov.u32 s6;
	s6 =	smov.u32 s11;
	(v2sf) =	vpush v4, $0xF  }
.Ltmp8:
0x364: {  	s12 =	spop (v2sf);
	p1 =	por !p1, !p2;
	(pc) =	sbr.rel @p0 .LBB2_18-.Ltmp8, $4  }
0x365: {  	s9 =	sadd.f32 s12, s9;
	p1 =	por !p1, !p1  }
0x366: {  	(xrf2) =	vadd.scan.msk.f32 $0xffff, v1;
	s24 =	smov.u32 @p1 s7;
	s2 =	simm.s32 @p1 $0x3F800000;
	s7 =	smov.u32 s8  }
0x367: {  	s10 =	sadd.s32 $0xFFFFFFF0, s10;
	s8 =	smov.u32 s1;
	s12 =	sadd.f32 s9, s3  }
0x368: {  	s11 =	sadd.s32 $0xFFFFFFFF, s11;
	s1 =	smov.u32 s4;
	s4 =	smov.u32 s18;
	v1 =	vld [tilespmem:s10+$0x0]  }
0x369: {  	_ =	sdelay $0x2  }
0x36a: {  	v4, _, _ =	vpop (xrf2)  }
0x36b: {  	(v2sf) =	vpush v4, $0xF;
	(xrf2) =	vadd.scan.msk.f32 $0xffff, v1;
	_ =	sdelay $0x2  }
0x36c: {  	p0 =	slt.f32 s2, $5.000000000e-01  }
0x36d: {  	p1 =	sge.f32 s12, s22;
	s10 =	spop (v2sf)  }
0x36e: {  	s9 =	sadd.f32 s10, s9;
	v1, _, _ =	vpop (xrf2)  }
0x36f: {  	p0 =	por !p0, !p1;
	(v2sf) =	vpush v1, $0xF  }
0x370: {  	p0 =	por !p0, !p0;
	s10 =	sadd.f32 s9, s3  }
0x371: {  	s2 =	simm.s32 @p0 $0x3F800000  }
0x372: {  	p3 =	slt.f32 s2, $5.000000000e-01;
	p2 =	sge.f32 s10, s22  }
0x373: {  	s21 =	spop (v2sf);
	v1, _, _ =	vpop (xrf2)  }
0x374: {  	p1 =	por !p3, !p2;
	s9 =	sadd.f32 s21, s9;
	(v2sf) =	vpush v1, $0xF  }
0x375: {  	p1 =	por !p1, !p1  }
0x376: {  	s2 =	simm.s32 @p1 $0x3F800000;
	s10 =	sadd.f32 s9, s3  }
0x377: {  	p4 =	slt.f32 s2, $5.000000000e-01  }
0x378: {  	p3 =	sge.f32 s10, s22;
	s25 =	spop (v2sf)  }
0x379: {  	s9 =	sadd.f32 s25, s9  }
0x37a: {  	p2 =	por !p4, !p3  }
0x37b: {  	p2 =	por !p2, !p2;
	s10 =	sadd.f32 s9, s3  }
0x37c: {  	s2 =	simm.s32 @p2 $0x3F800000  }
0x37d: {  	p5 =	slt.f32 s2, $5.000000000e-01;
	p4 =	sge.f32 s10, s22  }
0x37e: {  	s26 =	spop (v2sf)  }
0x37f: {  	p3 =	por !p5, !p4;
	s9 =	sadd.f32 s26, s9  }
0x380: {  	p3 =	por !p3, !p3  }
0x381: {  	s2 =	simm.s32 @p3 $0x3F800000;
	s10 =	sadd.f32 s9, s3  }
0x382: {  	p6 =	slt.f32 s2, $5.000000000e-01  }
0x383: {  	p5 =	sge.f32 s10, s22;
	s28 =	spop (v2sf)  }
0x384: {  	s9 =	sadd.f32 s28, s9  }
0x385: {  	p4 =	por !p6, !p5  }
0x386: {  	s24 =	smov.u32 @p0 s7;
	p0 =	por !p4, !p4;
	s29 =	sadd.f32 s9, s3  }
0x387: {  	s2 =	simm.s32 @p0 $0x3F800000  }
0x388: {  	s24 =	smov.u32 @p1 s8;
	p5 =	slt.f32 s2, $5.000000000e-01;
	p6 =	sge.f32 s29, s22  }
0x389: {  	s24 =	smov.u32 @p2 s1  }
0x38a: {  	s24 =	smov.u32 @p3 s4;
	p1 =	por !p5, !p6  }
0x38b: {  	s24 =	smov.u32 @p0 s5;
	p0 =	por !p1, !p1  }
0x38c: {  	s24 =	smov.u32 @p0 s6  }
0x38d: {  	s30 =	scvt.s32.f32 s24;
	_ =	sdelay $0x1  }
0x38e: {  	s1 =	smul.f32 s30, s23;
	_ =	sdelay $0x1  }
0x38f: {  	s31 =	simm.s32 $0x0;
	s0 =	sadd.f32 s1, s0  }
0x390: {  	v9 =	vld [tilespmem:s31+$0x13A00]  }
0x391: {  	v4 =	vimm.f32 $0.0e+00;
	v1 =	vimm.f32 $0.0e+00;
	s1 =	simm.s32 $0x40;
	v8 =	vmov s0  }
.LBB2_20:
0x392: {  	p0 =	sne.s32 s1, $0x13840  }
.Ltmp9:
0x393: {  	_ = 	snop;
	(pc) =	sbr.rel @p0 .LBB2_20-.Ltmp9, $4  }
0x394: {  	_ = 	snop  }
0x395: {  	s2 =	sshra.s32 s1, $0x2;
	s1 =	sadd.s32 $0x40, s1;
	vm0 =	vgt.f32 v9, v8  }
0x396: {  	v10 =	vnsel vm0, $0x0, v9;
	v9 =	vld [tilespmem:s2+$0x13A00];
	v11 =	vsel vm0, $0x3F800000, v5  }
0x397: {  	v1 =	vadd.f32 v10, v1;
	v4 =	vadd.f32 v11, v4  }
0x398: {  	_ =	sdelay $0x2  }
0x399: {  	vm0 =	vgt.f32 v9, v8  }
0x39a: {  	v8 =	vnsel vm0, $0x0, v9  }
0x39b: {  	(xrf2) =	vadd.scan.msk.f32 $0xffff, v7;
	v63 =	vsel vm0, $0x3F800000, v5;
	v1 =	vadd.f32 v8, v1  }
0x39c: {  	(xrf2) =	vadd.scan.msk.f32 $0xffff, v6;
	v4 =	vadd.f32 v63, v4  }
0x39d: {  	(xrf2) =	vadd.scan.msk.f32 $0xffff, v1  }
0x39e: {  	(xrf2) =	vadd.scan.msk.f32 $0xffff, v4;
	_ =	sdelay $0x6  }
0x39f: {  	v1, _, _ =	vpop (xrf2)  }
0x3a0: {  	v4, _, _ =	vpop (xrf2)  }
0x3a1: {  	(v2sf) =	vpush v4, $0xF;
	v6, _, _ =	vpop (xrf2)  }
0x3a2: {  	(v2sf) =	vpush v6, $0xF;
	v4, _, _ =	vpop (xrf2)  }
0x3a3: {  	(v2sf) =	vpush v4, $0xF;
	_ =	sdelay $0xc  }
0x3a4: {  	s1 =	spop (v2sf)  }
0x3a5: {  	s2 =	spop (v2sf)  }
0x3a6: {  	s3 =	spop (v2sf)  }
0x3a7: {  	s3 =	ssub.f32 s22, s3;
	_ =	sdelay $0x1  }
0x3a8: {  	s0 =	smul.f32 s3, s0;
	_ =	sdelay $0x1  }
0x3a9: {  	p0 =	sge.f32 s22, $5.000000000e-01;
	s0 =	sadd.f32 s0, s2  }
0x3aa: {  	_ = 	snop  }
0x3ab: {  	v0 =	vbroadcast v0, $0xF;
	s0 =	simm.s32 @!p0 $0x0  }
0x3ac: {  	s0 =	sadd.f32 s0, s1  }
0x3ad: {  	v0 =	vnsel vm2, $0x0, v0;
	vm0 =	veq.s32 v2, $0x1;
	v1 =	vbroadcast v1, $0xF  }
0x3ae: {  	v0 =	vsel vm0, s0, v0;
	vm0 =	vmmov $0x1  }
0x3af: {  	v0 =	vsel vm0, v1, v0  }
0x3b0: {  	s7 =	simm.s32 $0x0;
	s28 =	rddreg [dreg:$0xc];
	s29 =	simm.s32 $0x1F100;
	[tilespmem:$0x1F100] =	vst v0  }
0x3b1: {  	[hbm4b:s28+s7] =	stream.linear.scatter [tilespmem:s29], [sflag:$0x1], $0x10, $0x38;
	[tilespmem:$0x1F980] =	vst v63  }
0x3b2: {  	_ =	swait.ge [sflag:s13], $0x10  }
0x3b3: {  	s30 =	rddreg [dreg:$0xe]  }
0x3b4: {  	s31 =	rddreg [dreg:$0xd];
	s1 =	sadd.s32 $0x1, s30  }
0x3b5: {  	p0 =	sne.s32 s1, s31  }
.Ltmp10:
0x3b6: {  	_ = 	snop;
	(pc) =	sbr.rel @p0 .LBB2_1-.Ltmp10, $3  }
0x3b7: {  	_ =	sdelay $0x1  }
0x3b8: {  	[sflag:s13] =	ssyncset.done $0x0  }
0x3b9: {  	[sflag:s13] =	ssyncadd.s32 $0xFFFFFFF0  }
0x3ba: {  	_ =	sfence.sel $0x180000  }
0x3bb: {  	[bflag:$0x0] =	sbarrier.arrive $0xFFFF  }
0x3bc: {  	_ =	strace $0x90000047  }
0x3bd: {  	s0 =	stileid.u32;
	[bflag:$0x2] =	sbarrier.arrive $0xFFFF  }
0x3be: {  	p0 =	sne.s32 s0, $0x0;
	s0 =	rddreg [dreg:$0x5]  }
0x3bf: {  	s0 =	sadd.s32 @!p0 $0x100000, s0  }
0x3c0: {  	[sflag:s0] =	ssyncadd.tile.s32 @!p0 $0x1;
	_ =	shalt  }
.Lfunc_end2:
_tile_overlayer_lowered:
.L_overlay_start_2:
0x3c1: {  	(tag) =	ssettag $0x2  }
0x3c2: {  	s0 =	rddreg [dreg:$0x0];
	s2 =	stileid.u32  }
0x3c3: {  	s1 =	rddreg [dreg:$0x1];
	p0 =	sne.s32 s2, $0x0  }
0x3c4: {  	s3 =	rddreg [dreg:$0x2];
	[bflag:$0x3] =	sbarrier.arrive $0xFFFF;
	s2 =	simm.s32 @!p0 $0x1C01  }
0x3c5: {  	[timem:s3], [sflag:s2] =	dma.local @!p0 [hbm:s0], s1  }
0x3c6: {  	s0 =	simm.s32 @!p0 $0x1  }
0x3c7: {  	_ =	swait.ge @!p0 [sflag:s0], s1  }
0x3c8: {  	s1 =	ssub.s32 @!p0 $0x0, s1;
	[sflag:s0] =	ssyncset.done @!p0 $0x0  }
0x3c9: {  	[sflag:s0] =	ssyncadd.s32 @!p0 s1  }
0x3ca: {  	[bflag:$0x3] =	sbarrier.arrive $0xFFFF  }
0x3cb: {  	_ =	shalt  }

</sc_bundles>
